<compile_context>
chip_gen: v7x
topology: tpu7x:2x2x1
jax: 0.10.2.dev20260603
libtpu: 0.0.44.dev20260713+nightly
codegen_flags: <defaults>
</compile_context>

<pallas_src>
import functools

import jax
import jax.numpy as jnp
from jax import lax
from jax.experimental import pallas as pl
from jax.experimental.pallas import tpu as pltpu
from jax.experimental.pallas import tpu_sc as plsc

_B = 1024
_V = 100000
_NC = 2
_NS = 16
_L = 16
_NW = _NC * _NS
_PER_W = _B // _NW
_CH = _PER_W // _L
_K = 16

_LN2 = 0.6931471805599453
_SQRT2 = 1.4142135623730951


def _neg_log(v):
    bits = lax.bitcast_convert_type(v, jnp.int32)
    e = lax.shift_right_arithmetic(bits, jnp.int32(23)) - 127
    m_bits = lax.bitwise_or(
        lax.bitwise_and(bits, jnp.int32(0x007FFFFF)), jnp.int32(0x3F800000)
    )
    m = lax.bitcast_convert_type(m_bits, jnp.float32)
    big = m >= _SQRT2
    m = jnp.where(big, m * 0.5, m)
    e = jnp.where(big, e + 1, e)
    ef = e.astype(jnp.float32)
    s = (m - 1.0) / (m + 1.0)
    z = s * s
    p = s * (2.0 + z * (2.0 / 3.0 + z * (2.0 / 5.0 + z * (2.0 / 7.0 + z * (2.0 / 9.0)))))
    return -(ef * _LN2 + p)


_mesh = plsc.VectorSubcoreMesh(
    core_axis_name="c", subcore_axis_name="s", num_cores=_NC
)


@functools.partial(
    pl.kernel,
    mesh=_mesh,
    out_type=jax.ShapeDtypeStruct((_NC, _NS, 8, 128), jnp.float32),
    scratch_types=[
        pltpu.VMEM((_PER_W,), jnp.int32),
        pltpu.VMEM((_PER_W, 128), jnp.float32),
        pltpu.VMEM((8, 128), jnp.float32),
        pltpu.SemaphoreType.DMA,
    ],
    compiler_params=pltpu.CompilerParams(
        use_tc_tiling_on_sc=True, needs_layout_passes=False
    ),
)
def _nll_sc(x_hbm, y_hbm, parts_hbm, y_v, rows_v, buf_v, sem):
    c = lax.axis_index("c")
    s = lax.axis_index("s")
    w = s * _NC + c
    base = w * _PER_W
    pltpu.sync_copy(y_hbm.at[pl.ds(base, _PER_W)], y_v)
    for k0 in range(0, _PER_W, _K):
        yv = y_v[pl.ds(k0, _K)]
        cps = []
        for u in range(_K):
            j = k0 + u
            ys = yv[u]
            col0 = pl.multiple_of((ys // 128) * 128, 128)
            cps.append(pltpu.async_copy(
                x_hbm.at[base + j, pl.ds(col0, 128)], rows_v.at[j], sem))
        for cp in cps:
            cp.wait()
    lanes = lax.iota(jnp.int32, _L)
    acc = None
    for t in range(_CH):
        j_vec = lanes + t * _L
        c_vec = lax.bitwise_and(y_v[pl.ds(t * _L, _L)], jnp.int32(127))
        val = plsc.load_gather(rows_v, [j_vec, c_vec])
        nl = _neg_log(val)
        acc = nl if acc is None else acc + nl
    buf_v[0, pl.ds(0, _L)] = acc
    pltpu.sync_copy(buf_v, parts_hbm.at[c, s])


def kernel(x, y):
    parts = _nll_sc(x, y)
    return jnp.sum(parts[:, :, 0, :_L]) * (1.0 / _B)

# --- scband reference (transcript-rebuilt; emitter-appended) ---
"""Pipeline reference for scband-nll-89489938579945 (READ-ONLY COPY).

The authoritative reference and input builder live on the scoring server;
editing this copy changes nothing except your own understanding.
"""

import jax, jax.numpy as jnp
import numpy as np

B = 1024
V = 100000

def setup_inputs(seed: int = 0) -> dict:
    key = jax.random.key(seed)
    k1, k2 = jax.random.split(key)
    # x are probabilities (must be positive for log); uniform in (1e-6, 1]
    x = jax.random.uniform(k1, (B, V), dtype=jnp.float32, minval=1e-6, maxval=1.0)
    y = jax.random.randint(k2, (B,), 0, V, dtype=jnp.int32)
    return {"x": x, "y": y}

def reference(x, y):
    # Faithful translation of:
    #   nll = [-log(x[i, y[i]]) for i in range(len(x))]; return mean(nll)
    # Vectorized as a row-wise gather followed by -log and mean.
    picked = jnp.take_along_axis(x, y[:, None], axis=1)[:, 0]
    nll = -jnp.log(picked)
    return jnp.mean(nll)

if __name__ == "__main__":
    import jax
    _d = setup_inputs()
    print(jax.jit(kernel)(*tuple(_d.values())))

</pallas_src>

<mosaic_0001>
#map = affine_map<(d0, d1) -> (0, 0)>
#map1 = affine_map<(d0, d1) -> (0)>
#map2 = affine_map<(d0, d1) -> (0, 0, 0, 0)>
module attributes {stable_mosaic.version = 14 : i64} {
  func.func @_nll_sc(%arg0: i32, %arg1: i32, %arg2: memref<1024x100000xf32, #tpu.memory_space<hbm>>, %arg3: memref<1024xi32, #tpu.memory_space<hbm>>, %arg4: memref<2x16x8x128xf32, #tpu.memory_space<hbm>>, %arg5: memref<32xi32, #tpu.memory_space<vmem>>, %arg6: memref<32x128xf32, #tpu.memory_space<vmem>>, %arg7: memref<8x128xf32, #tpu.memory_space<vmem>>, %arg8: memref<!tpu.dma_semaphore, #tpu.memory_space<semaphore_mem>>) attributes {dimension_semantics = [#tpu.dimension_semantics<core_parallel>, #tpu.dimension_semantics<subcore_parallel>], iteration_bounds = array<i64: 2, 16>, scalar_prefetch = 0 : i64, scratch_operands = 4 : i64, tpu.core_type = #tpu.core_type<sc_vector_subcore>, window_params = [{transform_indices = #map}, {transform_indices = #map1}, {transform_indices = #map2}]} {
    %mul3A = arith.constant 2 : i32
    %mul3A_0 = arith.muli %arg1, %mul3A : i32
    %add3A = arith.addi %mul3A_0, %arg0 : i32
    %mul3A_1 = arith.constant 32 : i32
    %mul3A_2 = arith.muli %add3A, %mul3A_1 : i32
    "tpu.region"() ({
      %run_scoped3A = tpu.sem_alloc : memref<!tpu.dma_semaphore, #tpu.memory_space<semaphore_mem>>
      %dma_start3A_1824 = tpu.memref_slice %arg3[%mul3A_2] : memref<1024xi32, #tpu.memory_space<hbm>> -> memref<32xi32, #tpu.memory_space<hbm>>
      %dma_start3A_1825 = tpu.memref_slice %arg3[%mul3A_2] : memref<1024xi32, #tpu.memory_space<hbm>> -> memref<32xi32, #tpu.memory_space<hbm>>
      tpu.enqueue_dma source(%dma_start3A_1825 : memref<32xi32, #tpu.memory_space<hbm>>) target(%arg5 : memref<32xi32, #tpu.memory_space<vmem>>) target_semaphore(%run_scoped3A : memref<!tpu.dma_semaphore, #tpu.memory_space<semaphore_mem>>)
      %dma_wait3A_1826 = tpu.memref_slice %arg3[%mul3A_2] : memref<1024xi32, #tpu.memory_space<hbm>> -> memref<32xi32, #tpu.memory_space<hbm>>
      %dma_wait3A_1827 = tpu.memref_slice %arg3[%mul3A_2] : memref<1024xi32, #tpu.memory_space<hbm>> -> memref<32xi32, #tpu.memory_space<hbm>>
      tpu.wait_dma2 semaphore(%run_scoped3A : memref<!tpu.dma_semaphore, #tpu.memory_space<semaphore_mem>>) src(%dma_wait3A_1827 : memref<32xi32, #tpu.memory_space<hbm>>) dst(%arg5 : memref<32xi32, #tpu.memory_space<vmem>>)
      tpu.yield
    }) : () -> ()
    %get3A = arith.constant 0 : index
    %get3A_3 = tpu.vector_load %arg5[%get3A] {strides = array<i32>} : memref<32xi32, #tpu.memory_space<vmem>>, vector<16xi32>,
    %slice3A = vector.extract_strided_slice %get3A_3 {offsets = [0], sizes = [1], strides = [1]} : vector<16xi32> to vector<1xi32>
    %squeeze3A = vector.extract %slice3A[0] : i32 from vector<1xi32>
    %jit3A = arith.constant 128 : i32
    %div3A = arith.divsi %squeeze3A, %jit3A : i32
    %sign3A = arith.constant 0 : i32
    %sign3A_4 = arith.cmpi sgt, %squeeze3A, %sign3A : i32
    %sign3A_5 = arith.extui %sign3A_4 : i1 to i32
    %sign3A_6 = arith.constant 0 : i32
    %sign3A_7 = arith.cmpi slt, %squeeze3A, %sign3A_6 : i32
    %sign3A_8 = arith.extui %sign3A_7 : i1 to i32
    %sign3A_9 = arith.subi %sign3A_5, %sign3A_8 : i32
    %sign3A_10 = arith.constant 0 : i32
    %sign3A_11 = arith.cmpi sgt, %jit3A, %sign3A_10 : i32
    %sign3A_12 = arith.extui %sign3A_11 : i1 to i32
    %sign3A_13 = arith.constant 0 : i32
    %sign3A_14 = arith.cmpi slt, %jit3A, %sign3A_13 : i32
    %sign3A_15 = arith.extui %sign3A_14 : i1 to i32
    %sign3A_16 = arith.subi %sign3A_12, %sign3A_15 : i32
    %ne3A = arith.cmpi ne, %sign3A_9, %sign3A_16 : i32
    %rem3A = arith.remsi %squeeze3A, %jit3A : i32
    %ne3A_17 = arith.constant 0 : i32
    %ne3A_18 = arith.cmpi ne, %rem3A, %ne3A_17 : i32
    %and3A = arith.andi %ne3A, %ne3A_18 : i1
    %sub3A = arith.constant 1 : i32
    %sub3A_19 = arith.subi %div3A, %sub3A : i32
    %select_n3A = arith.select %and3A, %sub3A_19, %div3A : i32
    %mul3A_20 = arith.constant 128 : i32
    %mul3A_21 = arith.muli %select_n3A, %mul3A_20 : i32
    %multiple_of3A = tpu.assume_multiple %mul3A_21, 128 : i32
    %add3A_22 = arith.constant 0 : i32
    %add3A_23 = arith.addi %mul3A_2, %add3A_22 : i32
    %dma_start3A = arith.constant 0 : i32
    %dma_start3A_24 = arith.constant 0 : i32
    %dma_start3A_25 = tpu.memref_slice %arg6[%dma_start3A, %dma_start3A_24] : memref<32x128xf32, #tpu.memory_space<vmem>> -> memref<1x128xf32, #tpu.memory_space<vmem>>
    %dma_start3A_26 = tpu.memref_squeeze %dma_start3A_25 : memref<1x128xf32, #tpu.memory_space<vmem>> -> memref<128xf32, #tpu.memory_space<vmem>>
    %dma_start3A_27 = tpu.memref_slice %arg2[%add3A_23, %multiple_of3A] : memref<1024x100000xf32, #tpu.memory_space<hbm>> -> memref<1x128xf32, #tpu.memory_space<hbm>>
    %dma_start3A_28 = tpu.memref_squeeze %dma_start3A_27 : memref<1x128xf32, #tpu.memory_space<hbm>> -> memref<128xf32, #tpu.memory_space<hbm>>
    %dma_start3A_29 = arith.constant 0 : i32
    %dma_start3A_30 = tpu.memref_slice %arg6[%dma_start3A, %dma_start3A_29] : memref<32x128xf32, #tpu.memory_space<vmem>> -> memref<1x128xf32, #tpu.memory_space<vmem>>
    %dma_start3A_31 = tpu.memref_squeeze %dma_start3A_30 : memref<1x128xf32, #tpu.memory_space<vmem>> -> memref<128xf32, #tpu.memory_space<vmem>>
    %dma_start3A_32 = tpu.memref_slice %arg2[%add3A_23, %multiple_of3A] : memref<1024x100000xf32, #tpu.memory_space<hbm>> -> memref<1x128xf32, #tpu.memory_space<hbm>>
    %dma_start3A_33 = tpu.memref_squeeze %dma_start3A_32 : memref<1x128xf32, #tpu.memory_space<hbm>> -> memref<128xf32, #tpu.memory_space<hbm>>
    tpu.enqueue_dma source(%dma_start3A_33 : memref<128xf32, #tpu.memory_space<hbm>>) target(%dma_start3A_31 : memref<128xf32, #tpu.memory_space<vmem>>) target_semaphore(%arg8 : memref<!tpu.dma_semaphore, #tpu.memory_space<semaphore_mem>>)
    %slice3A_34 = vector.extract_strided_slice %get3A_3 {offsets = [1], sizes = [1], strides = [1]} : vector<16xi32> to vector<1xi32>
    %squeeze3A_35 = vector.extract %slice3A_34[0] : i32 from vector<1xi32>
    %jit3A_36 = arith.constant 128 : i32
    %div3A_37 = arith.divsi %squeeze3A_35, %jit3A_36 : i32
    %sign3A_38 = arith.constant 0 : i32
    %sign3A_39 = arith.cmpi sgt, %squeeze3A_35, %sign3A_38 : i32
    %sign3A_40 = arith.extui %sign3A_39 : i1 to i32
    %sign3A_41 = arith.constant 0 : i32
    %sign3A_42 = arith.cmpi slt, %squeeze3A_35, %sign3A_41 : i32
    %sign3A_43 = arith.extui %sign3A_42 : i1 to i32
    %sign3A_44 = arith.subi %sign3A_40, %sign3A_43 : i32
    %sign3A_45 = arith.constant 0 : i32
    %sign3A_46 = arith.cmpi sgt, %jit3A_36, %sign3A_45 : i32
    %sign3A_47 = arith.extui %sign3A_46 : i1 to i32
    %sign3A_48 = arith.constant 0 : i32
    %sign3A_49 = arith.cmpi slt, %jit3A_36, %sign3A_48 : i32
    %sign3A_50 = arith.extui %sign3A_49 : i1 to i32
    %sign3A_51 = arith.subi %sign3A_47, %sign3A_50 : i32
    %ne3A_52 = arith.cmpi ne, %sign3A_44, %sign3A_51 : i32
    %rem3A_53 = arith.remsi %squeeze3A_35, %jit3A_36 : i32
    %ne3A_54 = arith.constant 0 : i32
    %ne3A_55 = arith.cmpi ne, %rem3A_53, %ne3A_54 : i32
    %and3A_56 = arith.andi %ne3A_52, %ne3A_55 : i1
    %sub3A_57 = arith.constant 1 : i32
    %sub3A_58 = arith.subi %div3A_37, %sub3A_57 : i32
    %select_n3A_59 = arith.select %and3A_56, %sub3A_58, %div3A_37 : i32
    %mul3A_60 = arith.constant 128 : i32
    %mul3A_61 = arith.muli %select_n3A_59, %mul3A_60 : i32
    %multiple_of3A_62 = tpu.assume_multiple %mul3A_61, 128 : i32
    %add3A_63 = arith.constant 1 : i32
    %add3A_64 = arith.addi %mul3A_2, %add3A_63 : i32
    %dma_start3A_65 = arith.constant 1 : i32
    %dma_start3A_66 = arith.constant 0 : i32
    %dma_start3A_67 = tpu.memref_slice %arg6[%dma_start3A_65, %dma_start3A_66] : memref<32x128xf32, #tpu.memory_space<vmem>> -> memref<1x128xf32, #tpu.memory_space<vmem>>
    %dma_start3A_68 = tpu.memref_squeeze %dma_start3A_67 : memref<1x128xf32, #tpu.memory_space<vmem>> -> memref<128xf32, #tpu.memory_space<vmem>>
    %dma_start3A_69 = tpu.memref_slice %arg2[%add3A_64, %multiple_of3A_62] : memref<1024x100000xf32, #tpu.memory_space<hbm>> -> memref<1x128xf32, #tpu.memory_space<hbm>>
    %dma_start3A_70 = tpu.memref_squeeze %dma_start3A_69 : memref<1x128xf32, #tpu.memory_space<hbm>> -> memref<128xf32, #tpu.memory_space<hbm>>
    %dma_start3A_71 = arith.constant 0 : i32
    %dma_start3A_72 = tpu.memref_slice %arg6[%dma_start3A_65, %dma_start3A_71] : memref<32x128xf32, #tpu.memory_space<vmem>> -> memref<1x128xf32, #tpu.memory_space<vmem>>
    %dma_start3A_73 = tpu.memref_squeeze %dma_start3A_72 : memref<1x128xf32, #tpu.memory_space<vmem>> -> memref<128xf32, #tpu.memory_space<vmem>>
    %dma_start3A_74 = tpu.memref_slice %arg2[%add3A_64, %multiple_of3A_62] : memref<1024x100000xf32, #tpu.memory_space<hbm>> -> memref<1x128xf32, #tpu.memory_space<hbm>>
    %dma_start3A_75 = tpu.memref_squeeze %dma_start3A_74 : memref<1x128xf32, #tpu.memory_space<hbm>> -> memref<128xf32, #tpu.memory_space<hbm>>
    tpu.enqueue_dma source(%dma_start3A_75 : memref<128xf32, #tpu.memory_space<hbm>>) target(%dma_start3A_73 : memref<128xf32, #tpu.memory_space<vmem>>) target_semaphore(%arg8 : memref<!tpu.dma_semaphore, #tpu.memory_space<semaphore_mem>>)
    %slice3A_76 = vector.extract_strided_slice %get3A_3 {offsets = [2], sizes = [1], strides = [1]} : vector<16xi32> to vector<1xi32>
    %squeeze3A_77 = vector.extract %slice3A_76[0] : i32 from vector<1xi32>
    %jit3A_78 = arith.constant 128 : i32
    %div3A_79 = arith.divsi %squeeze3A_77, %jit3A_78 : i32
    %sign3A_80 = arith.constant 0 : i32
    %sign3A_81 = arith.cmpi sgt, %squeeze3A_77, %sign3A_80 : i32
    %sign3A_82 = arith.extui %sign3A_81 : i1 to i32
    %sign3A_83 = arith.constant 0 : i32
    %sign3A_84 = arith.cmpi slt, %squeeze3A_77, %sign3A_83 : i32
    %sign3A_85 = arith.extui %sign3A_84 : i1 to i32
    %sign3A_86 = arith.subi %sign3A_82, %sign3A_85 : i32
    %sign3A_87 = arith.constant 0 : i32
    %sign3A_88 = arith.cmpi sgt, %jit3A_78, %sign3A_87 : i32
    %sign3A_89 = arith.extui %sign3A_88 : i1 to i32
    %sign3A_90 = arith.constant 0 : i32
    %sign3A_91 = arith.cmpi slt, %jit3A_78, %sign3A_90 : i32
    %sign3A_92 = arith.extui %sign3A_91 : i1 to i32
    %sign3A_93 = arith.subi %sign3A_89, %sign3A_92 : i32
    %ne3A_94 = arith.cmpi ne, %sign3A_86, %sign3A_93 : i32
    %rem3A_95 = arith.remsi %squeeze3A_77, %jit3A_78 : i32
    %ne3A_96 = arith.constant 0 : i32
    %ne3A_97 = arith.cmpi ne, %rem3A_95, %ne3A_96 : i32
    %and3A_98 = arith.andi %ne3A_94, %ne3A_97 : i1
    %sub3A_99 = arith.constant 1 : i32
    %sub3A_100 = arith.subi %div3A_79, %sub3A_99 : i32
    %select_n3A_101 = arith.select %and3A_98, %sub3A_100, %div3A_79 : i32
    %mul3A_102 = arith.constant 128 : i32
    %mul3A_103 = arith.muli %select_n3A_101, %mul3A_102 : i32
    %multiple_of3A_104 = tpu.assume_multiple %mul3A_103, 128 : i32
    %add3A_105 = arith.constant 2 : i32
    %add3A_106 = arith.addi %mul3A_2, %add3A_105 : i32
    %dma_start3A_107 = arith.constant 2 : i32
    %dma_start3A_108 = arith.constant 0 : i32
    %dma_start3A_109 = tpu.memref_slice %arg6[%dma_start3A_107, %dma_start3A_108] : memref<32x128xf32, #tpu.memory_space<vmem>> -> memref<1x128xf32, #tpu.memory_space<vmem>>
    %dma_start3A_110 = tpu.memref_squeeze %dma_start3A_109 : memref<1x128xf32, #tpu.memory_space<vmem>> -> memref<128xf32, #tpu.memory_space<vmem>>
    %dma_start3A_111 = tpu.memref_slice %arg2[%add3A_106, %multiple_of3A_104] : memref<1024x100000xf32, #tpu.memory_space<hbm>> -> memref<1x128xf32, #tpu.memory_space<hbm>>
    %dma_start3A_112 = tpu.memref_squeeze %dma_start3A_111 : memref<1x128xf32, #tpu.memory_space<hbm>> -> memref<128xf32, #tpu.memory_space<hbm>>
    %dma_start3A_113 = arith.constant 0 : i32
    %dma_start3A_114 = tpu.memref_slice %arg6[%dma_start3A_107, %dma_start3A_113] : memref<32x128xf32, #tpu.memory_space<vmem>> -> memref<1x128xf32, #tpu.memory_space<vmem>>
    %dma_start3A_115 = tpu.memref_squeeze %dma_start3A_114 : memref<1x128xf32, #tpu.memory_space<vmem>> -> memref<128xf32, #tpu.memory_space<vmem>>
    %dma_start3A_116 = tpu.memref_slice %arg2[%add3A_106, %multiple_of3A_104] : memref<1024x100000xf32, #tpu.memory_space<hbm>> -> memref<1x128xf32, #tpu.memory_space<hbm>>
    %dma_start3A_117 = tpu.memref_squeeze %dma_start3A_116 : memref<1x128xf32, #tpu.memory_space<hbm>> -> memref<128xf32, #tpu.memory_space<hbm>>
    tpu.enqueue_dma source(%dma_start3A_117 : memref<128xf32, #tpu.memory_space<hbm>>) target(%dma_start3A_115 : memref<128xf32, #tpu.memory_space<vmem>>) target_semaphore(%arg8 : memref<!tpu.dma_semaphore, #tpu.memory_space<semaphore_mem>>)
    %slice3A_118 = vector.extract_strided_slice %get3A_3 {offsets = [3], sizes = [1], strides = [1]} : vector<16xi32> to vector<1xi32>
    %squeeze3A_119 = vector.extract %slice3A_118[0] : i32 from vector<1xi32>
    %jit3A_120 = arith.constant 128 : i32
    %div3A_121 = arith.divsi %squeeze3A_119, %jit3A_120 : i32
    %sign3A_122 = arith.constant 0 : i32
    %sign3A_123 = arith.cmpi sgt, %squeeze3A_119, %sign3A_122 : i32
    %sign3A_124 = arith.extui %sign3A_123 : i1 to i32
    %sign3A_125 = arith.constant 0 : i32
    %sign3A_126 = arith.cmpi slt, %squeeze3A_119, %sign3A_125 : i32
    %sign3A_127 = arith.extui %sign3A_126 : i1 to i32
    %sign3A_128 = arith.subi %sign3A_124, %sign3A_127 : i32
    %sign3A_129 = arith.constant 0 : i32
    %sign3A_130 = arith.cmpi sgt, %jit3A_120, %sign3A_129 : i32
    %sign3A_131 = arith.extui %sign3A_130 : i1 to i32
    %sign3A_132 = arith.constant 0 : i32
    %sign3A_133 = arith.cmpi slt, %jit3A_120, %sign3A_132 : i32
    %sign3A_134 = arith.extui %sign3A_133 : i1 to i32
    %sign3A_135 = arith.subi %sign3A_131, %sign3A_134 : i32
    %ne3A_136 = arith.cmpi ne, %sign3A_128, %sign3A_135 : i32
    %rem3A_137 = arith.remsi %squeeze3A_119, %jit3A_120 : i32
    %ne3A_138 = arith.constant 0 : i32
    %ne3A_139 = arith.cmpi ne, %rem3A_137, %ne3A_138 : i32
    %and3A_140 = arith.andi %ne3A_136, %ne3A_139 : i1
    %sub3A_141 = arith.constant 1 : i32
    %sub3A_142 = arith.subi %div3A_121, %sub3A_141 : i32
    %select_n3A_143 = arith.select %and3A_140, %sub3A_142, %div3A_121 : i32
    %mul3A_144 = arith.constant 128 : i32
    %mul3A_145 = arith.muli %select_n3A_143, %mul3A_144 : i32
    %multiple_of3A_146 = tpu.assume_multiple %mul3A_145, 128 : i32
    %add3A_147 = arith.constant 3 : i32
    %add3A_148 = arith.addi %mul3A_2, %add3A_147 : i32
    %dma_start3A_149 = arith.constant 3 : i32
    %dma_start3A_150 = arith.constant 0 : i32
    %dma_start3A_151 = tpu.memref_slice %arg6[%dma_start3A_149, %dma_start3A_150] : memref<32x128xf32, #tpu.memory_space<vmem>> -> memref<1x128xf32, #tpu.memory_space<vmem>>
    %dma_start3A_152 = tpu.memref_squeeze %dma_start3A_151 : memref<1x128xf32, #tpu.memory_space<vmem>> -> memref<128xf32, #tpu.memory_space<vmem>>
    %dma_start3A_153 = tpu.memref_slice %arg2[%add3A_148, %multiple_of3A_146] : memref<1024x100000xf32, #tpu.memory_space<hbm>> -> memref<1x128xf32, #tpu.memory_space<hbm>>
    %dma_start3A_154 = tpu.memref_squeeze %dma_start3A_153 : memref<1x128xf32, #tpu.memory_space<hbm>> -> memref<128xf32, #tpu.memory_space<hbm>>
    %dma_start3A_155 = arith.constant 0 : i32
    %dma_start3A_156 = tpu.memref_slice %arg6[%dma_start3A_149, %dma_start3A_155] : memref<32x128xf32, #tpu.memory_space<vmem>> -> memref<1x128xf32, #tpu.memory_space<vmem>>
    %dma_start3A_157 = tpu.memref_squeeze %dma_start3A_156 : memref<1x128xf32, #tpu.memory_space<vmem>> -> memref<128xf32, #tpu.memory_space<vmem>>
    %dma_start3A_158 = tpu.memref_slice %arg2[%add3A_148, %multiple_of3A_146] : memref<1024x100000xf32, #tpu.memory_space<hbm>> -> memref<1x128xf32, #tpu.memory_space<hbm>>
    %dma_start3A_159 = tpu.memref_squeeze %dma_start3A_158 : memref<1x128xf32, #tpu.memory_space<hbm>> -> memref<128xf32, #tpu.memory_space<hbm>>
    tpu.enqueue_dma source(%dma_start3A_159 : memref<128xf32, #tpu.memory_space<hbm>>) target(%dma_start3A_157 : memref<128xf32, #tpu.memory_space<vmem>>) target_semaphore(%arg8 : memref<!tpu.dma_semaphore, #tpu.memory_space<semaphore_mem>>)
    %slice3A_160 = vector.extract_strided_slice %get3A_3 {offsets = [4], sizes = [1], strides = [1]} : vector<16xi32> to vector<1xi32>
    %squeeze3A_161 = vector.extract %slice3A_160[0] : i32 from vector<1xi32>
    %jit3A_162 = arith.constant 128 : i32
    %div3A_163 = arith.divsi %squeeze3A_161, %jit3A_162 : i32
    %sign3A_164 = arith.constant 0 : i32
    %sign3A_165 = arith.cmpi sgt, %squeeze3A_161, %sign3A_164 : i32
    %sign3A_166 = arith.extui %sign3A_165 : i1 to i32
    %sign3A_167 = arith.constant 0 : i32
    %sign3A_168 = arith.cmpi slt, %squeeze3A_161, %sign3A_167 : i32
    %sign3A_169 = arith.extui %sign3A_168 : i1 to i32
    %sign3A_170 = arith.subi %sign3A_166, %sign3A_169 : i32
    %sign3A_171 = arith.constant 0 : i32
    %sign3A_172 = arith.cmpi sgt, %jit3A_162, %sign3A_171 : i32
    %sign3A_173 = arith.extui %sign3A_172 : i1 to i32
    %sign3A_174 = arith.constant 0 : i32
    %sign3A_175 = arith.cmpi slt, %jit3A_162, %sign3A_174 : i32
    %sign3A_176 = arith.extui %sign3A_175 : i1 to i32
    %sign3A_177 = arith.subi %sign3A_173, %sign3A_176 : i32
    %ne3A_178 = arith.cmpi ne, %sign3A_170, %sign3A_177 : i32
    %rem3A_179 = arith.remsi %squeeze3A_161, %jit3A_162 : i32
    %ne3A_180 = arith.constant 0 : i32
    %ne3A_181 = arith.cmpi ne, %rem3A_179, %ne3A_180 : i32
    %and3A_182 = arith.andi %ne3A_178, %ne3A_181 : i1
    %sub3A_183 = arith.constant 1 : i32
    %sub3A_184 = arith.subi %div3A_163, %sub3A_183 : i32
    %select_n3A_185 = arith.select %and3A_182, %sub3A_184, %div3A_163 : i32
    %mul3A_186 = arith.constant 128 : i32
    %mul3A_187 = arith.muli %select_n3A_185, %mul3A_186 : i32
    %multiple_of3A_188 = tpu.assume_multiple %mul3A_187, 128 : i32
    %add3A_189 = arith.constant 4 : i32
    %add3A_190 = arith.addi %mul3A_2, %add3A_189 : i32
    %dma_start3A_191 = arith.constant 4 : i32
    %dma_start3A_192 = arith.constant 0 : i32
    %dma_start3A_193 = tpu.memref_slice %arg6[%dma_start3A_191, %dma_start3A_192] : memref<32x128xf32, #tpu.memory_space<vmem>> -> memref<1x128xf32, #tpu.memory_space<vmem>>
    %dma_start3A_194 = tpu.memref_squeeze %dma_start3A_193 : memref<1x128xf32, #tpu.memory_space<vmem>> -> memref<128xf32, #tpu.memory_space<vmem>>
    %dma_start3A_195 = tpu.memref_slice %arg2[%add3A_190, %multiple_of3A_188] : memref<1024x100000xf32, #tpu.memory_space<hbm>> -> memref<1x128xf32, #tpu.memory_space<hbm>>
    %dma_start3A_196 = tpu.memref_squeeze %dma_start3A_195 : memref<1x128xf32, #tpu.memory_space<hbm>> -> memref<128xf32, #tpu.memory_space<hbm>>
    %dma_start3A_197 = arith.constant 0 : i32
    %dma_start3A_198 = tpu.memref_slice %arg6[%dma_start3A_191, %dma_start3A_197] : memref<32x128xf32, #tpu.memory_space<vmem>> -> memref<1x128xf32, #tpu.memory_space<vmem>>
    %dma_start3A_199 = tpu.memref_squeeze %dma_start3A_198 : memref<1x128xf32, #tpu.memory_space<vmem>> -> memref<128xf32, #tpu.memory_space<vmem>>
    %dma_start3A_200 = tpu.memref_slice %arg2[%add3A_190, %multiple_of3A_188] : memref<1024x100000xf32, #tpu.memory_space<hbm>> -> memref<1x128xf32, #tpu.memory_space<hbm>>
    %dma_start3A_201 = tpu.memref_squeeze %dma_start3A_200 : memref<1x128xf32, #tpu.memory_space<hbm>> -> memref<128xf32, #tpu.memory_space<hbm>>
    tpu.enqueue_dma source(%dma_start3A_201 : memref<128xf32, #tpu.memory_space<hbm>>) target(%dma_start3A_199 : memref<128xf32, #tpu.memory_space<vmem>>) target_semaphore(%arg8 : memref<!tpu.dma_semaphore, #tpu.memory_space<semaphore_mem>>)
    %slice3A_202 = vector.extract_strided_slice %get3A_3 {offsets = [5], sizes = [1], strides = [1]} : vector<16xi32> to vector<1xi32>
    %squeeze3A_203 = vector.extract %slice3A_202[0] : i32 from vector<1xi32>
    %jit3A_204 = arith.constant 128 : i32
    %div3A_205 = arith.divsi %squeeze3A_203, %jit3A_204 : i32
    %sign3A_206 = arith.constant 0 : i32
    %sign3A_207 = arith.cmpi sgt, %squeeze3A_203, %sign3A_206 : i32
    %sign3A_208 = arith.extui %sign3A_207 : i1 to i32
    %sign3A_209 = arith.constant 0 : i32
    %sign3A_210 = arith.cmpi slt, %squeeze3A_203, %sign3A_209 : i32
    %sign3A_211 = arith.extui %sign3A_210 : i1 to i32
    %sign3A_212 = arith.subi %sign3A_208, %sign3A_211 : i32
    %sign3A_213 = arith.constant 0 : i32
    %sign3A_214 = arith.cmpi sgt, %jit3A_204, %sign3A_213 : i32
    %sign3A_215 = arith.extui %sign3A_214 : i1 to i32
    %sign3A_216 = arith.constant 0 : i32
    %sign3A_217 = arith.cmpi slt, %jit3A_204, %sign3A_216 : i32
    %sign3A_218 = arith.extui %sign3A_217 : i1 to i32
    %sign3A_219 = arith.subi %sign3A_215, %sign3A_218 : i32
    %ne3A_220 = arith.cmpi ne, %sign3A_212, %sign3A_219 : i32
    %rem3A_221 = arith.remsi %squeeze3A_203, %jit3A_204 : i32
    %ne3A_222 = arith.constant 0 : i32
    %ne3A_223 = arith.cmpi ne, %rem3A_221, %ne3A_222 : i32
    %and3A_224 = arith.andi %ne3A_220, %ne3A_223 : i1
    %sub3A_225 = arith.constant 1 : i32
    %sub3A_226 = arith.subi %div3A_205, %sub3A_225 : i32
    %select_n3A_227 = arith.select %and3A_224, %sub3A_226, %div3A_205 : i32
    %mul3A_228 = arith.constant 128 : i32
    %mul3A_229 = arith.muli %select_n3A_227, %mul3A_228 : i32
    %multiple_of3A_230 = tpu.assume_multiple %mul3A_229, 128 : i32
    %add3A_231 = arith.constant 5 : i32
    %add3A_232 = arith.addi %mul3A_2, %add3A_231 : i32
    %dma_start3A_233 = arith.constant 5 : i32
    %dma_start3A_234 = arith.constant 0 : i32
    %dma_start3A_235 = tpu.memref_slice %arg6[%dma_start3A_233, %dma_start3A_234] : memref<32x128xf32, #tpu.memory_space<vmem>> -> memref<1x128xf32, #tpu.memory_space<vmem>>
    %dma_start3A_236 = tpu.memref_squeeze %dma_start3A_235 : memref<1x128xf32, #tpu.memory_space<vmem>> -> memref<128xf32, #tpu.memory_space<vmem>>
    %dma_start3A_237 = tpu.memref_slice %arg2[%add3A_232, %multiple_of3A_230] : memref<1024x100000xf32, #tpu.memory_space<hbm>> -> memref<1x128xf32, #tpu.memory_space<hbm>>
    %dma_start3A_238 = tpu.memref_squeeze %dma_start3A_237 : memref<1x128xf32, #tpu.memory_space<hbm>> -> memref<128xf32, #tpu.memory_space<hbm>>
    %dma_start3A_239 = arith.constant 0 : i32
    %dma_start3A_240 = tpu.memref_slice %arg6[%dma_start3A_233, %dma_start3A_239] : memref<32x128xf32, #tpu.memory_space<vmem>> -> memref<1x128xf32, #tpu.memory_space<vmem>>
    %dma_start3A_241 = tpu.memref_squeeze %dma_start3A_240 : memref<1x128xf32, #tpu.memory_space<vmem>> -> memref<128xf32, #tpu.memory_space<vmem>>
    %dma_start3A_242 = tpu.memref_slice %arg2[%add3A_232, %multiple_of3A_230] : memref<1024x100000xf32, #tpu.memory_space<hbm>> -> memref<1x128xf32, #tpu.memory_space<hbm>>
    %dma_start3A_243 = tpu.memref_squeeze %dma_start3A_242 : memref<1x128xf32, #tpu.memory_space<hbm>> -> memref<128xf32, #tpu.memory_space<hbm>>
    tpu.enqueue_dma source(%dma_start3A_243 : memref<128xf32, #tpu.memory_space<hbm>>) target(%dma_start3A_241 : memref<128xf32, #tpu.memory_space<vmem>>) target_semaphore(%arg8 : memref<!tpu.dma_semaphore, #tpu.memory_space<semaphore_mem>>)
    %slice3A_244 = vector.extract_strided_slice %get3A_3 {offsets = [6], sizes = [1], strides = [1]} : vector<16xi32> to vector<1xi32>
    %squeeze3A_245 = vector.extract %slice3A_244[0] : i32 from vector<1xi32>
    %jit3A_246 = arith.constant 128 : i32
    %div3A_247 = arith.divsi %squeeze3A_245, %jit3A_246 : i32
    %sign3A_248 = arith.constant 0 : i32
    %sign3A_249 = arith.cmpi sgt, %squeeze3A_245, %sign3A_248 : i32
    %sign3A_250 = arith.extui %sign3A_249 : i1 to i32
    %sign3A_251 = arith.constant 0 : i32
    %sign3A_252 = arith.cmpi slt, %squeeze3A_245, %sign3A_251 : i32
    %sign3A_253 = arith.extui %sign3A_252 : i1 to i32
    %sign3A_254 = arith.subi %sign3A_250, %sign3A_253 : i32
    %sign3A_255 = arith.constant 0 : i32
    %sign3A_256 = arith.cmpi sgt, %jit3A_246, %sign3A_255 : i32
    %sign3A_257 = arith.extui %sign3A_256 : i1 to i32
    %sign3A_258 = arith.constant 0 : i32
    %sign3A_259 = arith.cmpi slt, %jit3A_246, %sign3A_258 : i32
    %sign3A_260 = arith.extui %sign3A_259 : i1 to i32
    %sign3A_261 = arith.subi %sign3A_257, %sign3A_260 : i32
    %ne3A_262 = arith.cmpi ne, %sign3A_254, %sign3A_261 : i32
    %rem3A_263 = arith.remsi %squeeze3A_245, %jit3A_246 : i32
    %ne3A_264 = arith.constant 0 : i32
    %ne3A_265 = arith.cmpi ne, %rem3A_263, %ne3A_264 : i32
    %and3A_266 = arith.andi %ne3A_262, %ne3A_265 : i1
    %sub3A_267 = arith.constant 1 : i32
    %sub3A_268 = arith.subi %div3A_247, %sub3A_267 : i32
    %select_n3A_269 = arith.select %and3A_266, %sub3A_268, %div3A_247 : i32
    %mul3A_270 = arith.constant 128 : i32
    %mul3A_271 = arith.muli %select_n3A_269, %mul3A_270 : i32
    %multiple_of3A_272 = tpu.assume_multiple %mul3A_271, 128 : i32
    %add3A_273 = arith.constant 6 : i32
    %add3A_274 = arith.addi %mul3A_2, %add3A_273 : i32
    %dma_start3A_275 = arith.constant 6 : i32
    %dma_start3A_276 = arith.constant 0 : i32
    %dma_start3A_277 = tpu.memref_slice %arg6[%dma_start3A_275, %dma_start3A_276] : memref<32x128xf32, #tpu.memory_space<vmem>> -> memref<1x128xf32, #tpu.memory_space<vmem>>
    %dma_start3A_278 = tpu.memref_squeeze %dma_start3A_277 : memref<1x128xf32, #tpu.memory_space<vmem>> -> memref<128xf32, #tpu.memory_space<vmem>>
    %dma_start3A_279 = tpu.memref_slice %arg2[%add3A_274, %multiple_of3A_272] : memref<1024x100000xf32, #tpu.memory_space<hbm>> -> memref<1x128xf32, #tpu.memory_space<hbm>>
    %dma_start3A_280 = tpu.memref_squeeze %dma_start3A_279 : memref<1x128xf32, #tpu.memory_space<hbm>> -> memref<128xf32, #tpu.memory_space<hbm>>
    %dma_start3A_281 = arith.constant 0 : i32
    %dma_start3A_282 = tpu.memref_slice %arg6[%dma_start3A_275, %dma_start3A_281] : memref<32x128xf32, #tpu.memory_space<vmem>> -> memref<1x128xf32, #tpu.memory_space<vmem>>
    %dma_start3A_283 = tpu.memref_squeeze %dma_start3A_282 : memref<1x128xf32, #tpu.memory_space<vmem>> -> memref<128xf32, #tpu.memory_space<vmem>>
    %dma_start3A_284 = tpu.memref_slice %arg2[%add3A_274, %multiple_of3A_272] : memref<1024x100000xf32, #tpu.memory_space<hbm>> -> memref<1x128xf32, #tpu.memory_space<hbm>>
    %dma_start3A_285 = tpu.memref_squeeze %dma_start3A_284 : memref<1x128xf32, #tpu.memory_space<hbm>> -> memref<128xf32, #tpu.memory_space<hbm>>
    tpu.enqueue_dma source(%dma_start3A_285 : memref<128xf32, #tpu.memory_space<hbm>>) target(%dma_start3A_283 : memref<128xf32, #tpu.memory_space<vmem>>) target_semaphore(%arg8 : memref<!tpu.dma_semaphore, #tpu.memory_space<semaphore_mem>>)
    %slice3A_286 = vector.extract_strided_slice %get3A_3 {offsets = [7], sizes = [1], strides = [1]} : vector<16xi32> to vector<1xi32>
    %squeeze3A_287 = vector.extract %slice3A_286[0] : i32 from vector<1xi32>
    %jit3A_288 = arith.constant 128 : i32
    %div3A_289 = arith.divsi %squeeze3A_287, %jit3A_288 : i32
    %sign3A_290 = arith.constant 0 : i32
    %sign3A_291 = arith.cmpi sgt, %squeeze3A_287, %sign3A_290 : i32
    %sign3A_292 = arith.extui %sign3A_291 : i1 to i32
    %sign3A_293 = arith.constant 0 : i32
    %sign3A_294 = arith.cmpi slt, %squeeze3A_287, %sign3A_293 : i32
    %sign3A_295 = arith.extui %sign3A_294 : i1 to i32
    %sign3A_296 = arith.subi %sign3A_292, %sign3A_295 : i32
    %sign3A_297 = arith.constant 0 : i32
    %sign3A_298 = arith.cmpi sgt, %jit3A_288, %sign3A_297 : i32
    %sign3A_299 = arith.extui %sign3A_298 : i1 to i32
    %sign3A_300 = arith.constant 0 : i32
    %sign3A_301 = arith.cmpi slt, %jit3A_288, %sign3A_300 : i32
    %sign3A_302 = arith.extui %sign3A_301 : i1 to i32
    %sign3A_303 = arith.subi %sign3A_299, %sign3A_302 : i32
    %ne3A_304 = arith.cmpi ne, %sign3A_296, %sign3A_303 : i32
    %rem3A_305 = arith.remsi %squeeze3A_287, %jit3A_288 : i32
    %ne3A_306 = arith.constant 0 : i32
    %ne3A_307 = arith.cmpi ne, %rem3A_305, %ne3A_306 : i32
    %and3A_308 = arith.andi %ne3A_304, %ne3A_307 : i1
    %sub3A_309 = arith.constant 1 : i32
    %sub3A_310 = arith.subi %div3A_289, %sub3A_309 : i32
    %select_n3A_311 = arith.select %and3A_308, %sub3A_310, %div3A_289 : i32
    %mul3A_312 = arith.constant 128 : i32
    %mul3A_313 = arith.muli %select_n3A_311, %mul3A_312 : i32
    %multiple_of3A_314 = tpu.assume_multiple %mul3A_313, 128 : i32
    %add3A_315 = arith.constant 7 : i32
    %add3A_316 = arith.addi %mul3A_2, %add3A_315 : i32
    %dma_start3A_317 = arith.constant 7 : i32
    %dma_start3A_318 = arith.constant 0 : i32
    %dma_start3A_319 = tpu.memref_slice %arg6[%dma_start3A_317, %dma_start3A_318] : memref<32x128xf32, #tpu.memory_space<vmem>> -> memref<1x128xf32, #tpu.memory_space<vmem>>
    %dma_start3A_320 = tpu.memref_squeeze %dma_start3A_319 : memref<1x128xf32, #tpu.memory_space<vmem>> -> memref<128xf32, #tpu.memory_space<vmem>>
    %dma_start3A_321 = tpu.memref_slice %arg2[%add3A_316, %multiple_of3A_314] : memref<1024x100000xf32, #tpu.memory_space<hbm>> -> memref<1x128xf32, #tpu.memory_space<hbm>>
    %dma_start3A_322 = tpu.memref_squeeze %dma_start3A_321 : memref<1x128xf32, #tpu.memory_space<hbm>> -> memref<128xf32, #tpu.memory_space<hbm>>
    %dma_start3A_323 = arith.constant 0 : i32
    %dma_start3A_324 = tpu.memref_slice %arg6[%dma_start3A_317, %dma_start3A_323] : memref<32x128xf32, #tpu.memory_space<vmem>> -> memref<1x128xf32, #tpu.memory_space<vmem>>
    %dma_start3A_325 = tpu.memref_squeeze %dma_start3A_324 : memref<1x128xf32, #tpu.memory_space<vmem>> -> memref<128xf32, #tpu.memory_space<vmem>>
    %dma_start3A_326 = tpu.memref_slice %arg2[%add3A_316, %multiple_of3A_314] : memref<1024x100000xf32, #tpu.memory_space<hbm>> -> memref<1x128xf32, #tpu.memory_space<hbm>>
    %dma_start3A_327 = tpu.memref_squeeze %dma_start3A_326 : memref<1x128xf32, #tpu.memory_space<hbm>> -> memref<128xf32, #tpu.memory_space<hbm>>
    tpu.enqueue_dma source(%dma_start3A_327 : memref<128xf32, #tpu.memory_space<hbm>>) target(%dma_start3A_325 : memref<128xf32, #tpu.memory_space<vmem>>) target_semaphore(%arg8 : memref<!tpu.dma_semaphore, #tpu.memory_space<semaphore_mem>>)
    %slice3A_328 = vector.extract_strided_slice %get3A_3 {offsets = [8], sizes = [1], strides = [1]} : vector<16xi32> to vector<1xi32>
    %squeeze3A_329 = vector.extract %slice3A_328[0] : i32 from vector<1xi32>
    %jit3A_330 = arith.constant 128 : i32
    %div3A_331 = arith.divsi %squeeze3A_329, %jit3A_330 : i32
    %sign3A_332 = arith.constant 0 : i32
    %sign3A_333 = arith.cmpi sgt, %squeeze3A_329, %sign3A_332 : i32
    %sign3A_334 = arith.extui %sign3A_333 : i1 to i32
    %sign3A_335 = arith.constant 0 : i32
    %sign3A_336 = arith.cmpi slt, %squeeze3A_329, %sign3A_335 : i32
    %sign3A_337 = arith.extui %sign3A_336 : i1 to i32
    %sign3A_338 = arith.subi %sign3A_334, %sign3A_337 : i32
    %sign3A_339 = arith.constant 0 : i32
    %sign3A_340 = arith.cmpi sgt, %jit3A_330, %sign3A_339 : i32
    %sign3A_341 = arith.extui %sign3A_340 : i1 to i32
    %sign3A_342 = arith.constant 0 : i32
    %sign3A_343 = arith.cmpi slt, %jit3A_330, %sign3A_342 : i32
    %sign3A_344 = arith.extui %sign3A_343 : i1 to i32
    %sign3A_345 = arith.subi %sign3A_341, %sign3A_344 : i32
    %ne3A_346 = arith.cmpi ne, %sign3A_338, %sign3A_345 : i32
    %rem3A_347 = arith.remsi %squeeze3A_329, %jit3A_330 : i32
    %ne3A_348 = arith.constant 0 : i32
    %ne3A_349 = arith.cmpi ne, %rem3A_347, %ne3A_348 : i32
    %and3A_350 = arith.andi %ne3A_346, %ne3A_349 : i1
    %sub3A_351 = arith.constant 1 : i32
    %sub3A_352 = arith.subi %div3A_331, %sub3A_351 : i32
    %select_n3A_353 = arith.select %and3A_350, %sub3A_352, %div3A_331 : i32
    %mul3A_354 = arith.constant 128 : i32
    %mul3A_355 = arith.muli %select_n3A_353, %mul3A_354 : i32
    %multiple_of3A_356 = tpu.assume_multiple %mul3A_355, 128 : i32
    %add3A_357 = arith.constant 8 : i32
    %add3A_358 = arith.addi %mul3A_2, %add3A_357 : i32
    %dma_start3A_359 = arith.constant 8 : i32
    %dma_start3A_360 = arith.constant 0 : i32
    %dma_start3A_361 = tpu.memref_slice %arg6[%dma_start3A_359, %dma_start3A_360] : memref<32x128xf32, #tpu.memory_space<vmem>> -> memref<1x128xf32, #tpu.memory_space<vmem>>
    %dma_start3A_362 = tpu.memref_squeeze %dma_start3A_361 : memref<1x128xf32, #tpu.memory_space<vmem>> -> memref<128xf32, #tpu.memory_space<vmem>>
    %dma_start3A_363 = tpu.memref_slice %arg2[%add3A_358, %multiple_of3A_356] : memref<1024x100000xf32, #tpu.memory_space<hbm>> -> memref<1x128xf32, #tpu.memory_space<hbm>>
    %dma_start3A_364 = tpu.memref_squeeze %dma_start3A_363 : memref<1x128xf32, #tpu.memory_space<hbm>> -> memref<128xf32, #tpu.memory_space<hbm>>
    %dma_start3A_365 = arith.constant 0 : i32
    %dma_start3A_366 = tpu.memref_slice %arg6[%dma_start3A_359, %dma_start3A_365] : memref<32x128xf32, #tpu.memory_space<vmem>> -> memref<1x128xf32, #tpu.memory_space<vmem>>
    %dma_start3A_367 = tpu.memref_squeeze %dma_start3A_366 : memref<1x128xf32, #tpu.memory_space<vmem>> -> memref<128xf32, #tpu.memory_space<vmem>>
    %dma_start3A_368 = tpu.memref_slice %arg2[%add3A_358, %multiple_of3A_356] : memref<1024x100000xf32, #tpu.memory_space<hbm>> -> memref<1x128xf32, #tpu.memory_space<hbm>>
    %dma_start3A_369 = tpu.memref_squeeze %dma_start3A_368 : memref<1x128xf32, #tpu.memory_space<hbm>> -> memref<128xf32, #tpu.memory_space<hbm>>
    tpu.enqueue_dma source(%dma_start3A_369 : memref<128xf32, #tpu.memory_space<hbm>>) target(%dma_start3A_367 : memref<128xf32, #tpu.memory_space<vmem>>) target_semaphore(%arg8 : memref<!tpu.dma_semaphore, #tpu.memory_space<semaphore_mem>>)
    %slice3A_370 = vector.extract_strided_slice %get3A_3 {offsets = [9], sizes = [1], strides = [1]} : vector<16xi32> to vector<1xi32>
    %squeeze3A_371 = vector.extract %slice3A_370[0] : i32 from vector<1xi32>
    %jit3A_372 = arith.constant 128 : i32
    %div3A_373 = arith.divsi %squeeze3A_371, %jit3A_372 : i32
    %sign3A_374 = arith.constant 0 : i32
    %sign3A_375 = arith.cmpi sgt, %squeeze3A_371, %sign3A_374 : i32
    %sign3A_376 = arith.extui %sign3A_375 : i1 to i32
    %sign3A_377 = arith.constant 0 : i32
    %sign3A_378 = arith.cmpi slt, %squeeze3A_371, %sign3A_377 : i32
    %sign3A_379 = arith.extui %sign3A_378 : i1 to i32
    %sign3A_380 = arith.subi %sign3A_376, %sign3A_379 : i32
    %sign3A_381 = arith.constant 0 : i32
    %sign3A_382 = arith.cmpi sgt, %jit3A_372, %sign3A_381 : i32
    %sign3A_383 = arith.extui %sign3A_382 : i1 to i32
    %sign3A_384 = arith.constant 0 : i32
    %sign3A_385 = arith.cmpi slt, %jit3A_372, %sign3A_384 : i32
    %sign3A_386 = arith.extui %sign3A_385 : i1 to i32
    %sign3A_387 = arith.subi %sign3A_383, %sign3A_386 : i32
    %ne3A_388 = arith.cmpi ne, %sign3A_380, %sign3A_387 : i32
    %rem3A_389 = arith.remsi %squeeze3A_371, %jit3A_372 : i32
    %ne3A_390 = arith.constant 0 : i32
    %ne3A_391 = arith.cmpi ne, %rem3A_389, %ne3A_390 : i32
    %and3A_392 = arith.andi %ne3A_388, %ne3A_391 : i1
    %sub3A_393 = arith.constant 1 : i32
    %sub3A_394 = arith.subi %div3A_373, %sub3A_393 : i32
    %select_n3A_395 = arith.select %and3A_392, %sub3A_394, %div3A_373 : i32
    %mul3A_396 = arith.constant 128 : i32
    %mul3A_397 = arith.muli %select_n3A_395, %mul3A_396 : i32
    %multiple_of3A_398 = tpu.assume_multiple %mul3A_397, 128 : i32
    %add3A_399 = arith.constant 9 : i32
    %add3A_400 = arith.addi %mul3A_2, %add3A_399 : i32
    %dma_start3A_401 = arith.constant 9 : i32
    %dma_start3A_402 = arith.constant 0 : i32
    %dma_start3A_403 = tpu.memref_slice %arg6[%dma_start3A_401, %dma_start3A_402] : memref<32x128xf32, #tpu.memory_space<vmem>> -> memref<1x128xf32, #tpu.memory_space<vmem>>
    %dma_start3A_404 = tpu.memref_squeeze %dma_start3A_403 : memref<1x128xf32, #tpu.memory_space<vmem>> -> memref<128xf32, #tpu.memory_space<vmem>>
    %dma_start3A_405 = tpu.memref_slice %arg2[%add3A_400, %multiple_of3A_398] : memref<1024x100000xf32, #tpu.memory_space<hbm>> -> memref<1x128xf32, #tpu.memory_space<hbm>>
    %dma_start3A_406 = tpu.memref_squeeze %dma_start3A_405 : memref<1x128xf32, #tpu.memory_space<hbm>> -> memref<128xf32, #tpu.memory_space<hbm>>
    %dma_start3A_407 = arith.constant 0 : i32
    %dma_start3A_408 = tpu.memref_slice %arg6[%dma_start3A_401, %dma_start3A_407] : memref<32x128xf32, #tpu.memory_space<vmem>> -> memref<1x128xf32, #tpu.memory_space<vmem>>
    %dma_start3A_409 = tpu.memref_squeeze %dma_start3A_408 : memref<1x128xf32, #tpu.memory_space<vmem>> -> memref<128xf32, #tpu.memory_space<vmem>>
    %dma_start3A_410 = tpu.memref_slice %arg2[%add3A_400, %multiple_of3A_398] : memref<1024x100000xf32, #tpu.memory_space<hbm>> -> memref<1x128xf32, #tpu.memory_space<hbm>>
    %dma_start3A_411 = tpu.memref_squeeze %dma_start3A_410 : memref<1x128xf32, #tpu.memory_space<hbm>> -> memref<128xf32, #tpu.memory_space<hbm>>
    tpu.enqueue_dma source(%dma_start3A_411 : memref<128xf32, #tpu.memory_space<hbm>>) target(%dma_start3A_409 : memref<128xf32, #tpu.memory_space<vmem>>) target_semaphore(%arg8 : memref<!tpu.dma_semaphore, #tpu.memory_space<semaphore_mem>>)
    %slice3A_412 = vector.extract_strided_slice %get3A_3 {offsets = [10], sizes = [1], strides = [1]} : vector<16xi32> to vector<1xi32>
    %squeeze3A_413 = vector.extract %slice3A_412[0] : i32 from vector<1xi32>
    %jit3A_414 = arith.constant 128 : i32
    %div3A_415 = arith.divsi %squeeze3A_413, %jit3A_414 : i32
    %sign3A_416 = arith.constant 0 : i32
    %sign3A_417 = arith.cmpi sgt, %squeeze3A_413, %sign3A_416 : i32
    %sign3A_418 = arith.extui %sign3A_417 : i1 to i32
    %sign3A_419 = arith.constant 0 : i32
    %sign3A_420 = arith.cmpi slt, %squeeze3A_413, %sign3A_419 : i32
    %sign3A_421 = arith.extui %sign3A_420 : i1 to i32
    %sign3A_422 = arith.subi %sign3A_418, %sign3A_421 : i32
    %sign3A_423 = arith.constant 0 : i32
    %sign3A_424 = arith.cmpi sgt, %jit3A_414, %sign3A_423 : i32
    %sign3A_425 = arith.extui %sign3A_424 : i1 to i32
    %sign3A_426 = arith.constant 0 : i32
    %sign3A_427 = arith.cmpi slt, %jit3A_414, %sign3A_426 : i32
    %sign3A_428 = arith.extui %sign3A_427 : i1 to i32
    %sign3A_429 = arith.subi %sign3A_425, %sign3A_428 : i32
    %ne3A_430 = arith.cmpi ne, %sign3A_422, %sign3A_429 : i32
    %rem3A_431 = arith.remsi %squeeze3A_413, %jit3A_414 : i32
    %ne3A_432 = arith.constant 0 : i32
    %ne3A_433 = arith.cmpi ne, %rem3A_431, %ne3A_432 : i32
    %and3A_434 = arith.andi %ne3A_430, %ne3A_433 : i1
    %sub3A_435 = arith.constant 1 : i32
    %sub3A_436 = arith.subi %div3A_415, %sub3A_435 : i32
    %select_n3A_437 = arith.select %and3A_434, %sub3A_436, %div3A_415 : i32
    %mul3A_438 = arith.constant 128 : i32
    %mul3A_439 = arith.muli %select_n3A_437, %mul3A_438 : i32
    %multiple_of3A_440 = tpu.assume_multiple %mul3A_439, 128 : i32
    %add3A_441 = arith.constant 10 : i32
    %add3A_442 = arith.addi %mul3A_2, %add3A_441 : i32
    %dma_start3A_443 = arith.constant 10 : i32
    %dma_start3A_444 = arith.constant 0 : i32
    %dma_start3A_445 = tpu.memref_slice %arg6[%dma_start3A_443, %dma_start3A_444] : memref<32x128xf32, #tpu.memory_space<vmem>> -> memref<1x128xf32, #tpu.memory_space<vmem>>
    %dma_start3A_446 = tpu.memref_squeeze %dma_start3A_445 : memref<1x128xf32, #tpu.memory_space<vmem>> -> memref<128xf32, #tpu.memory_space<vmem>>
    %dma_start3A_447 = tpu.memref_slice %arg2[%add3A_442, %multiple_of3A_440] : memref<1024x100000xf32, #tpu.memory_space<hbm>> -> memref<1x128xf32, #tpu.memory_space<hbm>>
    %dma_start3A_448 = tpu.memref_squeeze %dma_start3A_447 : memref<1x128xf32, #tpu.memory_space<hbm>> -> memref<128xf32, #tpu.memory_space<hbm>>
    %dma_start3A_449 = arith.constant 0 : i32
    %dma_start3A_450 = tpu.memref_slice %arg6[%dma_start3A_443, %dma_start3A_449] : memref<32x128xf32, #tpu.memory_space<vmem>> -> memref<1x128xf32, #tpu.memory_space<vmem>>
    %dma_start3A_451 = tpu.memref_squeeze %dma_start3A_450 : memref<1x128xf32, #tpu.memory_space<vmem>> -> memref<128xf32, #tpu.memory_space<vmem>>
    %dma_start3A_452 = tpu.memref_slice %arg2[%add3A_442, %multiple_of3A_440] : memref<1024x100000xf32, #tpu.memory_space<hbm>> -> memref<1x128xf32, #tpu.memory_space<hbm>>
    %dma_start3A_453 = tpu.memref_squeeze %dma_start3A_452 : memref<1x128xf32, #tpu.memory_space<hbm>> -> memref<128xf32, #tpu.memory_space<hbm>>
    tpu.enqueue_dma source(%dma_start3A_453 : memref<128xf32, #tpu.memory_space<hbm>>) target(%dma_start3A_451 : memref<128xf32, #tpu.memory_space<vmem>>) target_semaphore(%arg8 : memref<!tpu.dma_semaphore, #tpu.memory_space<semaphore_mem>>)
    %slice3A_454 = vector.extract_strided_slice %get3A_3 {offsets = [11], sizes = [1], strides = [1]} : vector<16xi32> to vector<1xi32>
    %squeeze3A_455 = vector.extract %slice3A_454[0] : i32 from vector<1xi32>
    %jit3A_456 = arith.constant 128 : i32
    %div3A_457 = arith.divsi %squeeze3A_455, %jit3A_456 : i32
    %sign3A_458 = arith.constant 0 : i32
    %sign3A_459 = arith.cmpi sgt, %squeeze3A_455, %sign3A_458 : i32
    %sign3A_460 = arith.extui %sign3A_459 : i1 to i32
    %sign3A_461 = arith.constant 0 : i32
    %sign3A_462 = arith.cmpi slt, %squeeze3A_455, %sign3A_461 : i32
    %sign3A_463 = arith.extui %sign3A_462 : i1 to i32
    %sign3A_464 = arith.subi %sign3A_460, %sign3A_463 : i32
    %sign3A_465 = arith.constant 0 : i32
    %sign3A_466 = arith.cmpi sgt, %jit3A_456, %sign3A_465 : i32
    %sign3A_467 = arith.extui %sign3A_466 : i1 to i32
    %sign3A_468 = arith.constant 0 : i32
    %sign3A_469 = arith.cmpi slt, %jit3A_456, %sign3A_468 : i32
    %sign3A_470 = arith.extui %sign3A_469 : i1 to i32
    %sign3A_471 = arith.subi %sign3A_467, %sign3A_470 : i32
    %ne3A_472 = arith.cmpi ne, %sign3A_464, %sign3A_471 : i32
    %rem3A_473 = arith.remsi %squeeze3A_455, %jit3A_456 : i32
    %ne3A_474 = arith.constant 0 : i32
    %ne3A_475 = arith.cmpi ne, %rem3A_473, %ne3A_474 : i32
    %and3A_476 = arith.andi %ne3A_472, %ne3A_475 : i1
    %sub3A_477 = arith.constant 1 : i32
    %sub3A_478 = arith.subi %div3A_457, %sub3A_477 : i32
    %select_n3A_479 = arith.select %and3A_476, %sub3A_478, %div3A_457 : i32
    %mul3A_480 = arith.constant 128 : i32
    %mul3A_481 = arith.muli %select_n3A_479, %mul3A_480 : i32
    %multiple_of3A_482 = tpu.assume_multiple %mul3A_481, 128 : i32
    %add3A_483 = arith.constant 11 : i32
    %add3A_484 = arith.addi %mul3A_2, %add3A_483 : i32
    %dma_start3A_485 = arith.constant 11 : i32
    %dma_start3A_486 = arith.constant 0 : i32
    %dma_start3A_487 = tpu.memref_slice %arg6[%dma_start3A_485, %dma_start3A_486] : memref<32x128xf32, #tpu.memory_space<vmem>> -> memref<1x128xf32, #tpu.memory_space<vmem>>
    %dma_start3A_488 = tpu.memref_squeeze %dma_start3A_487 : memref<1x128xf32, #tpu.memory_space<vmem>> -> memref<128xf32, #tpu.memory_space<vmem>>
    %dma_start3A_489 = tpu.memref_slice %arg2[%add3A_484, %multiple_of3A_482] : memref<1024x100000xf32, #tpu.memory_space<hbm>> -> memref<1x128xf32, #tpu.memory_space<hbm>>
    %dma_start3A_490 = tpu.memref_squeeze %dma_start3A_489 : memref<1x128xf32, #tpu.memory_space<hbm>> -> memref<128xf32, #tpu.memory_space<hbm>>
    %dma_start3A_491 = arith.constant 0 : i32
    %dma_start3A_492 = tpu.memref_slice %arg6[%dma_start3A_485, %dma_start3A_491] : memref<32x128xf32, #tpu.memory_space<vmem>> -> memref<1x128xf32, #tpu.memory_space<vmem>>
    %dma_start3A_493 = tpu.memref_squeeze %dma_start3A_492 : memref<1x128xf32, #tpu.memory_space<vmem>> -> memref<128xf32, #tpu.memory_space<vmem>>
    %dma_start3A_494 = tpu.memref_slice %arg2[%add3A_484, %multiple_of3A_482] : memref<1024x100000xf32, #tpu.memory_space<hbm>> -> memref<1x128xf32, #tpu.memory_space<hbm>>
    %dma_start3A_495 = tpu.memref_squeeze %dma_start3A_494 : memref<1x128xf32, #tpu.memory_space<hbm>> -> memref<128xf32, #tpu.memory_space<hbm>>
    tpu.enqueue_dma source(%dma_start3A_495 : memref<128xf32, #tpu.memory_space<hbm>>) target(%dma_start3A_493 : memref<128xf32, #tpu.memory_space<vmem>>) target_semaphore(%arg8 : memref<!tpu.dma_semaphore, #tpu.memory_space<semaphore_mem>>)
    %slice3A_496 = vector.extract_strided_slice %get3A_3 {offsets = [12], sizes = [1], strides = [1]} : vector<16xi32> to vector<1xi32>
    %squeeze3A_497 = vector.extract %slice3A_496[0] : i32 from vector<1xi32>
    %jit3A_498 = arith.constant 128 : i32
    %div3A_499 = arith.divsi %squeeze3A_497, %jit3A_498 : i32
    %sign3A_500 = arith.constant 0 : i32
    %sign3A_501 = arith.cmpi sgt, %squeeze3A_497, %sign3A_500 : i32
    %sign3A_502 = arith.extui %sign3A_501 : i1 to i32
    %sign3A_503 = arith.constant 0 : i32
    %sign3A_504 = arith.cmpi slt, %squeeze3A_497, %sign3A_503 : i32
    %sign3A_505 = arith.extui %sign3A_504 : i1 to i32
    %sign3A_506 = arith.subi %sign3A_502, %sign3A_505 : i32
    %sign3A_507 = arith.constant 0 : i32
    %sign3A_508 = arith.cmpi sgt, %jit3A_498, %sign3A_507 : i32
    %sign3A_509 = arith.extui %sign3A_508 : i1 to i32
    %sign3A_510 = arith.constant 0 : i32
    %sign3A_511 = arith.cmpi slt, %jit3A_498, %sign3A_510 : i32
    %sign3A_512 = arith.extui %sign3A_511 : i1 to i32
    %sign3A_513 = arith.subi %sign3A_509, %sign3A_512 : i32
    %ne3A_514 = arith.cmpi ne, %sign3A_506, %sign3A_513 : i32
    %rem3A_515 = arith.remsi %squeeze3A_497, %jit3A_498 : i32
    %ne3A_516 = arith.constant 0 : i32
    %ne3A_517 = arith.cmpi ne, %rem3A_515, %ne3A_516 : i32
    %and3A_518 = arith.andi %ne3A_514, %ne3A_517 : i1
    %sub3A_519 = arith.constant 1 : i32
    %sub3A_520 = arith.subi %div3A_499, %sub3A_519 : i32
    %select_n3A_521 = arith.select %and3A_518, %sub3A_520, %div3A_499 : i32
    %mul3A_522 = arith.constant 128 : i32
    %mul3A_523 = arith.muli %select_n3A_521, %mul3A_522 : i32
    %multiple_of3A_524 = tpu.assume_multiple %mul3A_523, 128 : i32
    %add3A_525 = arith.constant 12 : i32
    %add3A_526 = arith.addi %mul3A_2, %add3A_525 : i32
    %dma_start3A_527 = arith.constant 12 : i32
    %dma_start3A_528 = arith.constant 0 : i32
    %dma_start3A_529 = tpu.memref_slice %arg6[%dma_start3A_527, %dma_start3A_528] : memref<32x128xf32, #tpu.memory_space<vmem>> -> memref<1x128xf32, #tpu.memory_space<vmem>>
    %dma_start3A_530 = tpu.memref_squeeze %dma_start3A_529 : memref<1x128xf32, #tpu.memory_space<vmem>> -> memref<128xf32, #tpu.memory_space<vmem>>
    %dma_start3A_531 = tpu.memref_slice %arg2[%add3A_526, %multiple_of3A_524] : memref<1024x100000xf32, #tpu.memory_space<hbm>> -> memref<1x128xf32, #tpu.memory_space<hbm>>
    %dma_start3A_532 = tpu.memref_squeeze %dma_start3A_531 : memref<1x128xf32, #tpu.memory_space<hbm>> -> memref<128xf32, #tpu.memory_space<hbm>>
    %dma_start3A_533 = arith.constant 0 : i32
    %dma_start3A_534 = tpu.memref_slice %arg6[%dma_start3A_527, %dma_start3A_533] : memref<32x128xf32, #tpu.memory_space<vmem>> -> memref<1x128xf32, #tpu.memory_space<vmem>>
    %dma_start3A_535 = tpu.memref_squeeze %dma_start3A_534 : memref<1x128xf32, #tpu.memory_space<vmem>> -> memref<128xf32, #tpu.memory_space<vmem>>
    %dma_start3A_536 = tpu.memref_slice %arg2[%add3A_526, %multiple_of3A_524] : memref<1024x100000xf32, #tpu.memory_space<hbm>> -> memref<1x128xf32, #tpu.memory_space<hbm>>
    %dma_start3A_537 = tpu.memref_squeeze %dma_start3A_536 : memref<1x128xf32, #tpu.memory_space<hbm>> -> memref<128xf32, #tpu.memory_space<hbm>>
    tpu.enqueue_dma source(%dma_start3A_537 : memref<128xf32, #tpu.memory_space<hbm>>) target(%dma_start3A_535 : memref<128xf32, #tpu.memory_space<vmem>>) target_semaphore(%arg8 : memref<!tpu.dma_semaphore, #tpu.memory_space<semaphore_mem>>)
    %slice3A_538 = vector.extract_strided_slice %get3A_3 {offsets = [13], sizes = [1], strides = [1]} : vector<16xi32> to vector<1xi32>
    %squeeze3A_539 = vector.extract %slice3A_538[0] : i32 from vector<1xi32>
    %jit3A_540 = arith.constant 128 : i32
    %div3A_541 = arith.divsi %squeeze3A_539, %jit3A_540 : i32
    %sign3A_542 = arith.constant 0 : i32
    %sign3A_543 = arith.cmpi sgt, %squeeze3A_539, %sign3A_542 : i32
    %sign3A_544 = arith.extui %sign3A_543 : i1 to i32
    %sign3A_545 = arith.constant 0 : i32
    %sign3A_546 = arith.cmpi slt, %squeeze3A_539, %sign3A_545 : i32
    %sign3A_547 = arith.extui %sign3A_546 : i1 to i32
    %sign3A_548 = arith.subi %sign3A_544, %sign3A_547 : i32
    %sign3A_549 = arith.constant 0 : i32
    %sign3A_550 = arith.cmpi sgt, %jit3A_540, %sign3A_549 : i32
    %sign3A_551 = arith.extui %sign3A_550 : i1 to i32
    %sign3A_552 = arith.constant 0 : i32
    %sign3A_553 = arith.cmpi slt, %jit3A_540, %sign3A_552 : i32
    %sign3A_554 = arith.extui %sign3A_553 : i1 to i32
    %sign3A_555 = arith.subi %sign3A_551, %sign3A_554 : i32
    %ne3A_556 = arith.cmpi ne, %sign3A_548, %sign3A_555 : i32
    %rem3A_557 = arith.remsi %squeeze3A_539, %jit3A_540 : i32
    %ne3A_558 = arith.constant 0 : i32
    %ne3A_559 = arith.cmpi ne, %rem3A_557, %ne3A_558 : i32
    %and3A_560 = arith.andi %ne3A_556, %ne3A_559 : i1
    %sub3A_561 = arith.constant 1 : i32
    %sub3A_562 = arith.subi %div3A_541, %sub3A_561 : i32
    %select_n3A_563 = arith.select %and3A_560, %sub3A_562, %div3A_541 : i32
    %mul3A_564 = arith.constant 128 : i32
    %mul3A_565 = arith.muli %select_n3A_563, %mul3A_564 : i32
    %multiple_of3A_566 = tpu.assume_multiple %mul3A_565, 128 : i32
    %add3A_567 = arith.constant 13 : i32
    %add3A_568 = arith.addi %mul3A_2, %add3A_567 : i32
    %dma_start3A_569 = arith.constant 13 : i32
    %dma_start3A_570 = arith.constant 0 : i32
    %dma_start3A_571 = tpu.memref_slice %arg6[%dma_start3A_569, %dma_start3A_570] : memref<32x128xf32, #tpu.memory_space<vmem>> -> memref<1x128xf32, #tpu.memory_space<vmem>>
    %dma_start3A_572 = tpu.memref_squeeze %dma_start3A_571 : memref<1x128xf32, #tpu.memory_space<vmem>> -> memref<128xf32, #tpu.memory_space<vmem>>
    %dma_start3A_573 = tpu.memref_slice %arg2[%add3A_568, %multiple_of3A_566] : memref<1024x100000xf32, #tpu.memory_space<hbm>> -> memref<1x128xf32, #tpu.memory_space<hbm>>
    %dma_start3A_574 = tpu.memref_squeeze %dma_start3A_573 : memref<1x128xf32, #tpu.memory_space<hbm>> -> memref<128xf32, #tpu.memory_space<hbm>>
    %dma_start3A_575 = arith.constant 0 : i32
    %dma_start3A_576 = tpu.memref_slice %arg6[%dma_start3A_569, %dma_start3A_575] : memref<32x128xf32, #tpu.memory_space<vmem>> -> memref<1x128xf32, #tpu.memory_space<vmem>>
    %dma_start3A_577 = tpu.memref_squeeze %dma_start3A_576 : memref<1x128xf32, #tpu.memory_space<vmem>> -> memref<128xf32, #tpu.memory_space<vmem>>
    %dma_start3A_578 = tpu.memref_slice %arg2[%add3A_568, %multiple_of3A_566] : memref<1024x100000xf32, #tpu.memory_space<hbm>> -> memref<1x128xf32, #tpu.memory_space<hbm>>
    %dma_start3A_579 = tpu.memref_squeeze %dma_start3A_578 : memref<1x128xf32, #tpu.memory_space<hbm>> -> memref<128xf32, #tpu.memory_space<hbm>>
    tpu.enqueue_dma source(%dma_start3A_579 : memref<128xf32, #tpu.memory_space<hbm>>) target(%dma_start3A_577 : memref<128xf32, #tpu.memory_space<vmem>>) target_semaphore(%arg8 : memref<!tpu.dma_semaphore, #tpu.memory_space<semaphore_mem>>)
    %slice3A_580 = vector.extract_strided_slice %get3A_3 {offsets = [14], sizes = [1], strides = [1]} : vector<16xi32> to vector<1xi32>
    %squeeze3A_581 = vector.extract %slice3A_580[0] : i32 from vector<1xi32>
    %jit3A_582 = arith.constant 128 : i32
    %div3A_583 = arith.divsi %squeeze3A_581, %jit3A_582 : i32
    %sign3A_584 = arith.constant 0 : i32
    %sign3A_585 = arith.cmpi sgt, %squeeze3A_581, %sign3A_584 : i32
    %sign3A_586 = arith.extui %sign3A_585 : i1 to i32
    %sign3A_587 = arith.constant 0 : i32
    %sign3A_588 = arith.cmpi slt, %squeeze3A_581, %sign3A_587 : i32
    %sign3A_589 = arith.extui %sign3A_588 : i1 to i32
    %sign3A_590 = arith.subi %sign3A_586, %sign3A_589 : i32
    %sign3A_591 = arith.constant 0 : i32
    %sign3A_592 = arith.cmpi sgt, %jit3A_582, %sign3A_591 : i32
    %sign3A_593 = arith.extui %sign3A_592 : i1 to i32
    %sign3A_594 = arith.constant 0 : i32
    %sign3A_595 = arith.cmpi slt, %jit3A_582, %sign3A_594 : i32
    %sign3A_596 = arith.extui %sign3A_595 : i1 to i32
    %sign3A_597 = arith.subi %sign3A_593, %sign3A_596 : i32
    %ne3A_598 = arith.cmpi ne, %sign3A_590, %sign3A_597 : i32
    %rem3A_599 = arith.remsi %squeeze3A_581, %jit3A_582 : i32
    %ne3A_600 = arith.constant 0 : i32
    %ne3A_601 = arith.cmpi ne, %rem3A_599, %ne3A_600 : i32
    %and3A_602 = arith.andi %ne3A_598, %ne3A_601 : i1
    %sub3A_603 = arith.constant 1 : i32
    %sub3A_604 = arith.subi %div3A_583, %sub3A_603 : i32
    %select_n3A_605 = arith.select %and3A_602, %sub3A_604, %div3A_583 : i32
    %mul3A_606 = arith.constant 128 : i32
    %mul3A_607 = arith.muli %select_n3A_605, %mul3A_606 : i32
    %multiple_of3A_608 = tpu.assume_multiple %mul3A_607, 128 : i32
    %add3A_609 = arith.constant 14 : i32
    %add3A_610 = arith.addi %mul3A_2, %add3A_609 : i32
    %dma_start3A_611 = arith.constant 14 : i32
    %dma_start3A_612 = arith.constant 0 : i32
    %dma_start3A_613 = tpu.memref_slice %arg6[%dma_start3A_611, %dma_start3A_612] : memref<32x128xf32, #tpu.memory_space<vmem>> -> memref<1x128xf32, #tpu.memory_space<vmem>>
    %dma_start3A_614 = tpu.memref_squeeze %dma_start3A_613 : memref<1x128xf32, #tpu.memory_space<vmem>> -> memref<128xf32, #tpu.memory_space<vmem>>
    %dma_start3A_615 = tpu.memref_slice %arg2[%add3A_610, %multiple_of3A_608] : memref<1024x100000xf32, #tpu.memory_space<hbm>> -> memref<1x128xf32, #tpu.memory_space<hbm>>
    %dma_start3A_616 = tpu.memref_squeeze %dma_start3A_615 : memref<1x128xf32, #tpu.memory_space<hbm>> -> memref<128xf32, #tpu.memory_space<hbm>>
    %dma_start3A_617 = arith.constant 0 : i32
    %dma_start3A_618 = tpu.memref_slice %arg6[%dma_start3A_611, %dma_start3A_617] : memref<32x128xf32, #tpu.memory_space<vmem>> -> memref<1x128xf32, #tpu.memory_space<vmem>>
    %dma_start3A_619 = tpu.memref_squeeze %dma_start3A_618 : memref<1x128xf32, #tpu.memory_space<vmem>> -> memref<128xf32, #tpu.memory_space<vmem>>
    %dma_start3A_620 = tpu.memref_slice %arg2[%add3A_610, %multiple_of3A_608] : memref<1024x100000xf32, #tpu.memory_space<hbm>> -> memref<1x128xf32, #tpu.memory_space<hbm>>
    %dma_start3A_621 = tpu.memref_squeeze %dma_start3A_620 : memref<1x128xf32, #tpu.memory_space<hbm>> -> memref<128xf32, #tpu.memory_space<hbm>>
    tpu.enqueue_dma source(%dma_start3A_621 : memref<128xf32, #tpu.memory_space<hbm>>) target(%dma_start3A_619 : memref<128xf32, #tpu.memory_space<vmem>>) target_semaphore(%arg8 : memref<!tpu.dma_semaphore, #tpu.memory_space<semaphore_mem>>)
    %slice3A_622 = vector.extract_strided_slice %get3A_3 {offsets = [15], sizes = [1], strides = [1]} : vector<16xi32> to vector<1xi32>
    %squeeze3A_623 = vector.extract %slice3A_622[0] : i32 from vector<1xi32>
    %jit3A_624 = arith.constant 128 : i32
    %div3A_625 = arith.divsi %squeeze3A_623, %jit3A_624 : i32
    %sign3A_626 = arith.constant 0 : i32
    %sign3A_627 = arith.cmpi sgt, %squeeze3A_623, %sign3A_626 : i32
    %sign3A_628 = arith.extui %sign3A_627 : i1 to i32
    %sign3A_629 = arith.constant 0 : i32
    %sign3A_630 = arith.cmpi slt, %squeeze3A_623, %sign3A_629 : i32
    %sign3A_631 = arith.extui %sign3A_630 : i1 to i32
    %sign3A_632 = arith.subi %sign3A_628, %sign3A_631 : i32
    %sign3A_633 = arith.constant 0 : i32
    %sign3A_634 = arith.cmpi sgt, %jit3A_624, %sign3A_633 : i32
    %sign3A_635 = arith.extui %sign3A_634 : i1 to i32
    %sign3A_636 = arith.constant 0 : i32
    %sign3A_637 = arith.cmpi slt, %jit3A_624, %sign3A_636 : i32
    %sign3A_638 = arith.extui %sign3A_637 : i1 to i32
    %sign3A_639 = arith.subi %sign3A_635, %sign3A_638 : i32
    %ne3A_640 = arith.cmpi ne, %sign3A_632, %sign3A_639 : i32
    %rem3A_641 = arith.remsi %squeeze3A_623, %jit3A_624 : i32
    %ne3A_642 = arith.constant 0 : i32
    %ne3A_643 = arith.cmpi ne, %rem3A_641, %ne3A_642 : i32
    %and3A_644 = arith.andi %ne3A_640, %ne3A_643 : i1
    %sub3A_645 = arith.constant 1 : i32
    %sub3A_646 = arith.subi %div3A_625, %sub3A_645 : i32
    %select_n3A_647 = arith.select %and3A_644, %sub3A_646, %div3A_625 : i32
    %mul3A_648 = arith.constant 128 : i32
    %mul3A_649 = arith.muli %select_n3A_647, %mul3A_648 : i32
    %multiple_of3A_650 = tpu.assume_multiple %mul3A_649, 128 : i32
    %add3A_651 = arith.constant 15 : i32
    %add3A_652 = arith.addi %mul3A_2, %add3A_651 : i32
    %dma_start3A_653 = arith.constant 15 : i32
    %dma_start3A_654 = arith.constant 0 : i32
    %dma_start3A_655 = tpu.memref_slice %arg6[%dma_start3A_653, %dma_start3A_654] : memref<32x128xf32, #tpu.memory_space<vmem>> -> memref<1x128xf32, #tpu.memory_space<vmem>>
    %dma_start3A_656 = tpu.memref_squeeze %dma_start3A_655 : memref<1x128xf32, #tpu.memory_space<vmem>> -> memref<128xf32, #tpu.memory_space<vmem>>
    %dma_start3A_657 = tpu.memref_slice %arg2[%add3A_652, %multiple_of3A_650] : memref<1024x100000xf32, #tpu.memory_space<hbm>> -> memref<1x128xf32, #tpu.memory_space<hbm>>
    %dma_start3A_658 = tpu.memref_squeeze %dma_start3A_657 : memref<1x128xf32, #tpu.memory_space<hbm>> -> memref<128xf32, #tpu.memory_space<hbm>>
    %dma_start3A_659 = arith.constant 0 : i32
    %dma_start3A_660 = tpu.memref_slice %arg6[%dma_start3A_653, %dma_start3A_659] : memref<32x128xf32, #tpu.memory_space<vmem>> -> memref<1x128xf32, #tpu.memory_space<vmem>>
    %dma_start3A_661 = tpu.memref_squeeze %dma_start3A_660 : memref<1x128xf32, #tpu.memory_space<vmem>> -> memref<128xf32, #tpu.memory_space<vmem>>
    %dma_start3A_662 = tpu.memref_slice %arg2[%add3A_652, %multiple_of3A_650] : memref<1024x100000xf32, #tpu.memory_space<hbm>> -> memref<1x128xf32, #tpu.memory_space<hbm>>
    %dma_start3A_663 = tpu.memref_squeeze %dma_start3A_662 : memref<1x128xf32, #tpu.memory_space<hbm>> -> memref<128xf32, #tpu.memory_space<hbm>>
    tpu.enqueue_dma source(%dma_start3A_663 : memref<128xf32, #tpu.memory_space<hbm>>) target(%dma_start3A_661 : memref<128xf32, #tpu.memory_space<vmem>>) target_semaphore(%arg8 : memref<!tpu.dma_semaphore, #tpu.memory_space<semaphore_mem>>)
    %dma_wait3A = arith.constant 0 : i32
    %dma_wait3A_664 = arith.constant 0 : i32
    %dma_wait3A_665 = tpu.memref_slice %arg6[%dma_wait3A, %dma_wait3A_664] : memref<32x128xf32, #tpu.memory_space<vmem>> -> memref<1x128xf32, #tpu.memory_space<vmem>>
    %dma_wait3A_666 = tpu.memref_squeeze %dma_wait3A_665 : memref<1x128xf32, #tpu.memory_space<vmem>> -> memref<128xf32, #tpu.memory_space<vmem>>
    %dma_wait3A_667 = tpu.memref_slice %arg2[%add3A_23, %multiple_of3A] : memref<1024x100000xf32, #tpu.memory_space<hbm>> -> memref<1x128xf32, #tpu.memory_space<hbm>>
    %dma_wait3A_668 = tpu.memref_squeeze %dma_wait3A_667 : memref<1x128xf32, #tpu.memory_space<hbm>> -> memref<128xf32, #tpu.memory_space<hbm>>
    %dma_wait3A_669 = arith.constant 0 : i32
    %dma_wait3A_670 = tpu.memref_slice %arg6[%dma_wait3A, %dma_wait3A_669] : memref<32x128xf32, #tpu.memory_space<vmem>> -> memref<1x128xf32, #tpu.memory_space<vmem>>
    %dma_wait3A_671 = tpu.memref_squeeze %dma_wait3A_670 : memref<1x128xf32, #tpu.memory_space<vmem>> -> memref<128xf32, #tpu.memory_space<vmem>>
    %dma_wait3A_672 = tpu.memref_slice %arg2[%add3A_23, %multiple_of3A] : memref<1024x100000xf32, #tpu.memory_space<hbm>> -> memref<1x128xf32, #tpu.memory_space<hbm>>
    %dma_wait3A_673 = tpu.memref_squeeze %dma_wait3A_672 : memref<1x128xf32, #tpu.memory_space<hbm>> -> memref<128xf32, #tpu.memory_space<hbm>>
    tpu.wait_dma2 semaphore(%arg8 : memref<!tpu.dma_semaphore, #tpu.memory_space<semaphore_mem>>) src(%dma_wait3A_673 : memref<128xf32, #tpu.memory_space<hbm>>) dst(%dma_wait3A_671 : memref<128xf32, #tpu.memory_space<vmem>>)
    %dma_wait3A_674 = arith.constant 1 : i32
    %dma_wait3A_675 = arith.constant 0 : i32
    %dma_wait3A_676 = tpu.memref_slice %arg6[%dma_wait3A_674, %dma_wait3A_675] : memref<32x128xf32, #tpu.memory_space<vmem>> -> memref<1x128xf32, #tpu.memory_space<vmem>>
    %dma_wait3A_677 = tpu.memref_squeeze %dma_wait3A_676 : memref<1x128xf32, #tpu.memory_space<vmem>> -> memref<128xf32, #tpu.memory_space<vmem>>
    %dma_wait3A_678 = tpu.memref_slice %arg2[%add3A_64, %multiple_of3A_62] : memref<1024x100000xf32, #tpu.memory_space<hbm>> -> memref<1x128xf32, #tpu.memory_space<hbm>>
    %dma_wait3A_679 = tpu.memref_squeeze %dma_wait3A_678 : memref<1x128xf32, #tpu.memory_space<hbm>> -> memref<128xf32, #tpu.memory_space<hbm>>
    %dma_wait3A_680 = arith.constant 0 : i32
    %dma_wait3A_681 = tpu.memref_slice %arg6[%dma_wait3A_674, %dma_wait3A_680] : memref<32x128xf32, #tpu.memory_space<vmem>> -> memref<1x128xf32, #tpu.memory_space<vmem>>
    %dma_wait3A_682 = tpu.memref_squeeze %dma_wait3A_681 : memref<1x128xf32, #tpu.memory_space<vmem>> -> memref<128xf32, #tpu.memory_space<vmem>>
    %dma_wait3A_683 = tpu.memref_slice %arg2[%add3A_64, %multiple_of3A_62] : memref<1024x100000xf32, #tpu.memory_space<hbm>> -> memref<1x128xf32, #tpu.memory_space<hbm>>
    %dma_wait3A_684 = tpu.memref_squeeze %dma_wait3A_683 : memref<1x128xf32, #tpu.memory_space<hbm>> -> memref<128xf32, #tpu.memory_space<hbm>>
    tpu.wait_dma2 semaphore(%arg8 : memref<!tpu.dma_semaphore, #tpu.memory_space<semaphore_mem>>) src(%dma_wait3A_684 : memref<128xf32, #tpu.memory_space<hbm>>) dst(%dma_wait3A_682 : memref<128xf32, #tpu.memory_space<vmem>>)
    %dma_wait3A_685 = arith.constant 2 : i32
    %dma_wait3A_686 = arith.constant 0 : i32
    %dma_wait3A_687 = tpu.memref_slice %arg6[%dma_wait3A_685, %dma_wait3A_686] : memref<32x128xf32, #tpu.memory_space<vmem>> -> memref<1x128xf32, #tpu.memory_space<vmem>>
    %dma_wait3A_688 = tpu.memref_squeeze %dma_wait3A_687 : memref<1x128xf32, #tpu.memory_space<vmem>> -> memref<128xf32, #tpu.memory_space<vmem>>
    %dma_wait3A_689 = tpu.memref_slice %arg2[%add3A_106, %multiple_of3A_104] : memref<1024x100000xf32, #tpu.memory_space<hbm>> -> memref<1x128xf32, #tpu.memory_space<hbm>>
    %dma_wait3A_690 = tpu.memref_squeeze %dma_wait3A_689 : memref<1x128xf32, #tpu.memory_space<hbm>> -> memref<128xf32, #tpu.memory_space<hbm>>
    %dma_wait3A_691 = arith.constant 0 : i32
    %dma_wait3A_692 = tpu.memref_slice %arg6[%dma_wait3A_685, %dma_wait3A_691] : memref<32x128xf32, #tpu.memory_space<vmem>> -> memref<1x128xf32, #tpu.memory_space<vmem>>
    %dma_wait3A_693 = tpu.memref_squeeze %dma_wait3A_692 : memref<1x128xf32, #tpu.memory_space<vmem>> -> memref<128xf32, #tpu.memory_space<vmem>>
    %dma_wait3A_694 = tpu.memref_slice %arg2[%add3A_106, %multiple_of3A_104] : memref<1024x100000xf32, #tpu.memory_space<hbm>> -> memref<1x128xf32, #tpu.memory_space<hbm>>
    %dma_wait3A_695 = tpu.memref_squeeze %dma_wait3A_694 : memref<1x128xf32, #tpu.memory_space<hbm>> -> memref<128xf32, #tpu.memory_space<hbm>>
    tpu.wait_dma2 semaphore(%arg8 : memref<!tpu.dma_semaphore, #tpu.memory_space<semaphore_mem>>) src(%dma_wait3A_695 : memref<128xf32, #tpu.memory_space<hbm>>) dst(%dma_wait3A_693 : memref<128xf32, #tpu.memory_space<vmem>>)
    %dma_wait3A_696 = arith.constant 3 : i32
    %dma_wait3A_697 = arith.constant 0 : i32
    %dma_wait3A_698 = tpu.memref_slice %arg6[%dma_wait3A_696, %dma_wait3A_697] : memref<32x128xf32, #tpu.memory_space<vmem>> -> memref<1x128xf32, #tpu.memory_space<vmem>>
    %dma_wait3A_699 = tpu.memref_squeeze %dma_wait3A_698 : memref<1x128xf32, #tpu.memory_space<vmem>> -> memref<128xf32, #tpu.memory_space<vmem>>
    %dma_wait3A_700 = tpu.memref_slice %arg2[%add3A_148, %multiple_of3A_146] : memref<1024x100000xf32, #tpu.memory_space<hbm>> -> memref<1x128xf32, #tpu.memory_space<hbm>>
    %dma_wait3A_701 = tpu.memref_squeeze %dma_wait3A_700 : memref<1x128xf32, #tpu.memory_space<hbm>> -> memref<128xf32, #tpu.memory_space<hbm>>
    %dma_wait3A_702 = arith.constant 0 : i32
    %dma_wait3A_703 = tpu.memref_slice %arg6[%dma_wait3A_696, %dma_wait3A_702] : memref<32x128xf32, #tpu.memory_space<vmem>> -> memref<1x128xf32, #tpu.memory_space<vmem>>
    %dma_wait3A_704 = tpu.memref_squeeze %dma_wait3A_703 : memref<1x128xf32, #tpu.memory_space<vmem>> -> memref<128xf32, #tpu.memory_space<vmem>>
    %dma_wait3A_705 = tpu.memref_slice %arg2[%add3A_148, %multiple_of3A_146] : memref<1024x100000xf32, #tpu.memory_space<hbm>> -> memref<1x128xf32, #tpu.memory_space<hbm>>
    %dma_wait3A_706 = tpu.memref_squeeze %dma_wait3A_705 : memref<1x128xf32, #tpu.memory_space<hbm>> -> memref<128xf32, #tpu.memory_space<hbm>>
    tpu.wait_dma2 semaphore(%arg8 : memref<!tpu.dma_semaphore, #tpu.memory_space<semaphore_mem>>) src(%dma_wait3A_706 : memref<128xf32, #tpu.memory_space<hbm>>) dst(%dma_wait3A_704 : memref<128xf32, #tpu.memory_space<vmem>>)
    %dma_wait3A_707 = arith.constant 4 : i32
    %dma_wait3A_708 = arith.constant 0 : i32
    %dma_wait3A_709 = tpu.memref_slice %arg6[%dma_wait3A_707, %dma_wait3A_708] : memref<32x128xf32, #tpu.memory_space<vmem>> -> memref<1x128xf32, #tpu.memory_space<vmem>>
    %dma_wait3A_710 = tpu.memref_squeeze %dma_wait3A_709 : memref<1x128xf32, #tpu.memory_space<vmem>> -> memref<128xf32, #tpu.memory_space<vmem>>
    %dma_wait3A_711 = tpu.memref_slice %arg2[%add3A_190, %multiple_of3A_188] : memref<1024x100000xf32, #tpu.memory_space<hbm>> -> memref<1x128xf32, #tpu.memory_space<hbm>>
    %dma_wait3A_712 = tpu.memref_squeeze %dma_wait3A_711 : memref<1x128xf32, #tpu.memory_space<hbm>> -> memref<128xf32, #tpu.memory_space<hbm>>
    %dma_wait3A_713 = arith.constant 0 : i32
    %dma_wait3A_714 = tpu.memref_slice %arg6[%dma_wait3A_707, %dma_wait3A_713] : memref<32x128xf32, #tpu.memory_space<vmem>> -> memref<1x128xf32, #tpu.memory_space<vmem>>
    %dma_wait3A_715 = tpu.memref_squeeze %dma_wait3A_714 : memref<1x128xf32, #tpu.memory_space<vmem>> -> memref<128xf32, #tpu.memory_space<vmem>>
    %dma_wait3A_716 = tpu.memref_slice %arg2[%add3A_190, %multiple_of3A_188] : memref<1024x100000xf32, #tpu.memory_space<hbm>> -> memref<1x128xf32, #tpu.memory_space<hbm>>
    %dma_wait3A_717 = tpu.memref_squeeze %dma_wait3A_716 : memref<1x128xf32, #tpu.memory_space<hbm>> -> memref<128xf32, #tpu.memory_space<hbm>>
    tpu.wait_dma2 semaphore(%arg8 : memref<!tpu.dma_semaphore, #tpu.memory_space<semaphore_mem>>) src(%dma_wait3A_717 : memref<128xf32, #tpu.memory_space<hbm>>) dst(%dma_wait3A_715 : memref<128xf32, #tpu.memory_space<vmem>>)
    %dma_wait3A_718 = arith.constant 5 : i32
    %dma_wait3A_719 = arith.constant 0 : i32
    %dma_wait3A_720 = tpu.memref_slice %arg6[%dma_wait3A_718, %dma_wait3A_719] : memref<32x128xf32, #tpu.memory_space<vmem>> -> memref<1x128xf32, #tpu.memory_space<vmem>>
    %dma_wait3A_721 = tpu.memref_squeeze %dma_wait3A_720 : memref<1x128xf32, #tpu.memory_space<vmem>> -> memref<128xf32, #tpu.memory_space<vmem>>
    %dma_wait3A_722 = tpu.memref_slice %arg2[%add3A_232, %multiple_of3A_230] : memref<1024x100000xf32, #tpu.memory_space<hbm>> -> memref<1x128xf32, #tpu.memory_space<hbm>>
    %dma_wait3A_723 = tpu.memref_squeeze %dma_wait3A_722 : memref<1x128xf32, #tpu.memory_space<hbm>> -> memref<128xf32, #tpu.memory_space<hbm>>
    %dma_wait3A_724 = arith.constant 0 : i32
    %dma_wait3A_725 = tpu.memref_slice %arg6[%dma_wait3A_718, %dma_wait3A_724] : memref<32x128xf32, #tpu.memory_space<vmem>> -> memref<1x128xf32, #tpu.memory_space<vmem>>
    %dma_wait3A_726 = tpu.memref_squeeze %dma_wait3A_725 : memref<1x128xf32, #tpu.memory_space<vmem>> -> memref<128xf32, #tpu.memory_space<vmem>>
    %dma_wait3A_727 = tpu.memref_slice %arg2[%add3A_232, %multiple_of3A_230] : memref<1024x100000xf32, #tpu.memory_space<hbm>> -> memref<1x128xf32, #tpu.memory_space<hbm>>
    %dma_wait3A_728 = tpu.memref_squeeze %dma_wait3A_727 : memref<1x128xf32, #tpu.memory_space<hbm>> -> memref<128xf32, #tpu.memory_space<hbm>>
    tpu.wait_dma2 semaphore(%arg8 : memref<!tpu.dma_semaphore, #tpu.memory_space<semaphore_mem>>) src(%dma_wait3A_728 : memref<128xf32, #tpu.memory_space<hbm>>) dst(%dma_wait3A_726 : memref<128xf32, #tpu.memory_space<vmem>>)
    %dma_wait3A_729 = arith.constant 6 : i32
    %dma_wait3A_730 = arith.constant 0 : i32
    %dma_wait3A_731 = tpu.memref_slice %arg6[%dma_wait3A_729, %dma_wait3A_730] : memref<32x128xf32, #tpu.memory_space<vmem>> -> memref<1x128xf32, #tpu.memory_space<vmem>>
    %dma_wait3A_732 = tpu.memref_squeeze %dma_wait3A_731 : memref<1x128xf32, #tpu.memory_space<vmem>> -> memref<128xf32, #tpu.memory_space<vmem>>
    %dma_wait3A_733 = tpu.memref_slice %arg2[%add3A_274, %multiple_of3A_272] : memref<1024x100000xf32, #tpu.memory_space<hbm>> -> memref<1x128xf32, #tpu.memory_space<hbm>>
    %dma_wait3A_734 = tpu.memref_squeeze %dma_wait3A_733 : memref<1x128xf32, #tpu.memory_space<hbm>> -> memref<128xf32, #tpu.memory_space<hbm>>
    %dma_wait3A_735 = arith.constant 0 : i32
    %dma_wait3A_736 = tpu.memref_slice %arg6[%dma_wait3A_729, %dma_wait3A_735] : memref<32x128xf32, #tpu.memory_space<vmem>> -> memref<1x128xf32, #tpu.memory_space<vmem>>
    %dma_wait3A_737 = tpu.memref_squeeze %dma_wait3A_736 : memref<1x128xf32, #tpu.memory_space<vmem>> -> memref<128xf32, #tpu.memory_space<vmem>>
    %dma_wait3A_738 = tpu.memref_slice %arg2[%add3A_274, %multiple_of3A_272] : memref<1024x100000xf32, #tpu.memory_space<hbm>> -> memref<1x128xf32, #tpu.memory_space<hbm>>
    %dma_wait3A_739 = tpu.memref_squeeze %dma_wait3A_738 : memref<1x128xf32, #tpu.memory_space<hbm>> -> memref<128xf32, #tpu.memory_space<hbm>>
    tpu.wait_dma2 semaphore(%arg8 : memref<!tpu.dma_semaphore, #tpu.memory_space<semaphore_mem>>) src(%dma_wait3A_739 : memref<128xf32, #tpu.memory_space<hbm>>) dst(%dma_wait3A_737 : memref<128xf32, #tpu.memory_space<vmem>>)
    %dma_wait3A_740 = arith.constant 7 : i32
    %dma_wait3A_741 = arith.constant 0 : i32
    %dma_wait3A_742 = tpu.memref_slice %arg6[%dma_wait3A_740, %dma_wait3A_741] : memref<32x128xf32, #tpu.memory_space<vmem>> -> memref<1x128xf32, #tpu.memory_space<vmem>>
    %dma_wait3A_743 = tpu.memref_squeeze %dma_wait3A_742 : memref<1x128xf32, #tpu.memory_space<vmem>> -> memref<128xf32, #tpu.memory_space<vmem>>
    %dma_wait3A_744 = tpu.memref_slice %arg2[%add3A_316, %multiple_of3A_314] : memref<1024x100000xf32, #tpu.memory_space<hbm>> -> memref<1x128xf32, #tpu.memory_space<hbm>>
    %dma_wait3A_745 = tpu.memref_squeeze %dma_wait3A_744 : memref<1x128xf32, #tpu.memory_space<hbm>> -> memref<128xf32, #tpu.memory_space<hbm>>
    %dma_wait3A_746 = arith.constant 0 : i32
    %dma_wait3A_747 = tpu.memref_slice %arg6[%dma_wait3A_740, %dma_wait3A_746] : memref<32x128xf32, #tpu.memory_space<vmem>> -> memref<1x128xf32, #tpu.memory_space<vmem>>
    %dma_wait3A_748 = tpu.memref_squeeze %dma_wait3A_747 : memref<1x128xf32, #tpu.memory_space<vmem>> -> memref<128xf32, #tpu.memory_space<vmem>>
    %dma_wait3A_749 = tpu.memref_slice %arg2[%add3A_316, %multiple_of3A_314] : memref<1024x100000xf32, #tpu.memory_space<hbm>> -> memref<1x128xf32, #tpu.memory_space<hbm>>
    %dma_wait3A_750 = tpu.memref_squeeze %dma_wait3A_749 : memref<1x128xf32, #tpu.memory_space<hbm>> -> memref<128xf32, #tpu.memory_space<hbm>>
    tpu.wait_dma2 semaphore(%arg8 : memref<!tpu.dma_semaphore, #tpu.memory_space<semaphore_mem>>) src(%dma_wait3A_750 : memref<128xf32, #tpu.memory_space<hbm>>) dst(%dma_wait3A_748 : memref<128xf32, #tpu.memory_space<vmem>>)
    %dma_wait3A_751 = arith.constant 8 : i32
    %dma_wait3A_752 = arith.constant 0 : i32
    %dma_wait3A_753 = tpu.memref_slice %arg6[%dma_wait3A_751, %dma_wait3A_752] : memref<32x128xf32, #tpu.memory_space<vmem>> -> memref<1x128xf32, #tpu.memory_space<vmem>>
    %dma_wait3A_754 = tpu.memref_squeeze %dma_wait3A_753 : memref<1x128xf32, #tpu.memory_space<vmem>> -> memref<128xf32, #tpu.memory_space<vmem>>
    %dma_wait3A_755 = tpu.memref_slice %arg2[%add3A_358, %multiple_of3A_356] : memref<1024x100000xf32, #tpu.memory_space<hbm>> -> memref<1x128xf32, #tpu.memory_space<hbm>>
    %dma_wait3A_756 = tpu.memref_squeeze %dma_wait3A_755 : memref<1x128xf32, #tpu.memory_space<hbm>> -> memref<128xf32, #tpu.memory_space<hbm>>
    %dma_wait3A_757 = arith.constant 0 : i32
    %dma_wait3A_758 = tpu.memref_slice %arg6[%dma_wait3A_751, %dma_wait3A_757] : memref<32x128xf32, #tpu.memory_space<vmem>> -> memref<1x128xf32, #tpu.memory_space<vmem>>
    %dma_wait3A_759 = tpu.memref_squeeze %dma_wait3A_758 : memref<1x128xf32, #tpu.memory_space<vmem>> -> memref<128xf32, #tpu.memory_space<vmem>>
    %dma_wait3A_760 = tpu.memref_slice %arg2[%add3A_358, %multiple_of3A_356] : memref<1024x100000xf32, #tpu.memory_space<hbm>> -> memref<1x128xf32, #tpu.memory_space<hbm>>
    %dma_wait3A_761 = tpu.memref_squeeze %dma_wait3A_760 : memref<1x128xf32, #tpu.memory_space<hbm>> -> memref<128xf32, #tpu.memory_space<hbm>>
    tpu.wait_dma2 semaphore(%arg8 : memref<!tpu.dma_semaphore, #tpu.memory_space<semaphore_mem>>) src(%dma_wait3A_761 : memref<128xf32, #tpu.memory_space<hbm>>) dst(%dma_wait3A_759 : memref<128xf32, #tpu.memory_space<vmem>>)
    %dma_wait3A_762 = arith.constant 9 : i32
    %dma_wait3A_763 = arith.constant 0 : i32
    %dma_wait3A_764 = tpu.memref_slice %arg6[%dma_wait3A_762, %dma_wait3A_763] : memref<32x128xf32, #tpu.memory_space<vmem>> -> memref<1x128xf32, #tpu.memory_space<vmem>>
    %dma_wait3A_765 = tpu.memref_squeeze %dma_wait3A_764 : memref<1x128xf32, #tpu.memory_space<vmem>> -> memref<128xf32, #tpu.memory_space<vmem>>
    %dma_wait3A_766 = tpu.memref_slice %arg2[%add3A_400, %multiple_of3A_398] : memref<1024x100000xf32, #tpu.memory_space<hbm>> -> memref<1x128xf32, #tpu.memory_space<hbm>>
    %dma_wait3A_767 = tpu.memref_squeeze %dma_wait3A_766 : memref<1x128xf32, #tpu.memory_space<hbm>> -> memref<128xf32, #tpu.memory_space<hbm>>
    %dma_wait3A_768 = arith.constant 0 : i32
    %dma_wait3A_769 = tpu.memref_slice %arg6[%dma_wait3A_762, %dma_wait3A_768] : memref<32x128xf32, #tpu.memory_space<vmem>> -> memref<1x128xf32, #tpu.memory_space<vmem>>
    %dma_wait3A_770 = tpu.memref_squeeze %dma_wait3A_769 : memref<1x128xf32, #tpu.memory_space<vmem>> -> memref<128xf32, #tpu.memory_space<vmem>>
    %dma_wait3A_771 = tpu.memref_slice %arg2[%add3A_400, %multiple_of3A_398] : memref<1024x100000xf32, #tpu.memory_space<hbm>> -> memref<1x128xf32, #tpu.memory_space<hbm>>
    %dma_wait3A_772 = tpu.memref_squeeze %dma_wait3A_771 : memref<1x128xf32, #tpu.memory_space<hbm>> -> memref<128xf32, #tpu.memory_space<hbm>>
    tpu.wait_dma2 semaphore(%arg8 : memref<!tpu.dma_semaphore, #tpu.memory_space<semaphore_mem>>) src(%dma_wait3A_772 : memref<128xf32, #tpu.memory_space<hbm>>) dst(%dma_wait3A_770 : memref<128xf32, #tpu.memory_space<vmem>>)
    %dma_wait3A_773 = arith.constant 10 : i32
    %dma_wait3A_774 = arith.constant 0 : i32
    %dma_wait3A_775 = tpu.memref_slice %arg6[%dma_wait3A_773, %dma_wait3A_774] : memref<32x128xf32, #tpu.memory_space<vmem>> -> memref<1x128xf32, #tpu.memory_space<vmem>>
    %dma_wait3A_776 = tpu.memref_squeeze %dma_wait3A_775 : memref<1x128xf32, #tpu.memory_space<vmem>> -> memref<128xf32, #tpu.memory_space<vmem>>
    %dma_wait3A_777 = tpu.memref_slice %arg2[%add3A_442, %multiple_of3A_440] : memref<1024x100000xf32, #tpu.memory_space<hbm>> -> memref<1x128xf32, #tpu.memory_space<hbm>>
    %dma_wait3A_778 = tpu.memref_squeeze %dma_wait3A_777 : memref<1x128xf32, #tpu.memory_space<hbm>> -> memref<128xf32, #tpu.memory_space<hbm>>
    %dma_wait3A_779 = arith.constant 0 : i32
    %dma_wait3A_780 = tpu.memref_slice %arg6[%dma_wait3A_773, %dma_wait3A_779] : memref<32x128xf32, #tpu.memory_space<vmem>> -> memref<1x128xf32, #tpu.memory_space<vmem>>
    %dma_wait3A_781 = tpu.memref_squeeze %dma_wait3A_780 : memref<1x128xf32, #tpu.memory_space<vmem>> -> memref<128xf32, #tpu.memory_space<vmem>>
    %dma_wait3A_782 = tpu.memref_slice %arg2[%add3A_442, %multiple_of3A_440] : memref<1024x100000xf32, #tpu.memory_space<hbm>> -> memref<1x128xf32, #tpu.memory_space<hbm>>
    %dma_wait3A_783 = tpu.memref_squeeze %dma_wait3A_782 : memref<1x128xf32, #tpu.memory_space<hbm>> -> memref<128xf32, #tpu.memory_space<hbm>>
    tpu.wait_dma2 semaphore(%arg8 : memref<!tpu.dma_semaphore, #tpu.memory_space<semaphore_mem>>) src(%dma_wait3A_783 : memref<128xf32, #tpu.memory_space<hbm>>) dst(%dma_wait3A_781 : memref<128xf32, #tpu.memory_space<vmem>>)
    %dma_wait3A_784 = arith.constant 11 : i32
    %dma_wait3A_785 = arith.constant 0 : i32
    %dma_wait3A_786 = tpu.memref_slice %arg6[%dma_wait3A_784, %dma_wait3A_785] : memref<32x128xf32, #tpu.memory_space<vmem>> -> memref<1x128xf32, #tpu.memory_space<vmem>>
    %dma_wait3A_787 = tpu.memref_squeeze %dma_wait3A_786 : memref<1x128xf32, #tpu.memory_space<vmem>> -> memref<128xf32, #tpu.memory_space<vmem>>
    %dma_wait3A_788 = tpu.memref_slice %arg2[%add3A_484, %multiple_of3A_482] : memref<1024x100000xf32, #tpu.memory_space<hbm>> -> memref<1x128xf32, #tpu.memory_space<hbm>>
    %dma_wait3A_789 = tpu.memref_squeeze %dma_wait3A_788 : memref<1x128xf32, #tpu.memory_space<hbm>> -> memref<128xf32, #tpu.memory_space<hbm>>
    %dma_wait3A_790 = arith.constant 0 : i32
    %dma_wait3A_791 = tpu.memref_slice %arg6[%dma_wait3A_784, %dma_wait3A_790] : memref<32x128xf32, #tpu.memory_space<vmem>> -> memref<1x128xf32, #tpu.memory_space<vmem>>
    %dma_wait3A_792 = tpu.memref_squeeze %dma_wait3A_791 : memref<1x128xf32, #tpu.memory_space<vmem>> -> memref<128xf32, #tpu.memory_space<vmem>>
    %dma_wait3A_793 = tpu.memref_slice %arg2[%add3A_484, %multiple_of3A_482] : memref<1024x100000xf32, #tpu.memory_space<hbm>> -> memref<1x128xf32, #tpu.memory_space<hbm>>
    %dma_wait3A_794 = tpu.memref_squeeze %dma_wait3A_793 : memref<1x128xf32, #tpu.memory_space<hbm>> -> memref<128xf32, #tpu.memory_space<hbm>>
    tpu.wait_dma2 semaphore(%arg8 : memref<!tpu.dma_semaphore, #tpu.memory_space<semaphore_mem>>) src(%dma_wait3A_794 : memref<128xf32, #tpu.memory_space<hbm>>) dst(%dma_wait3A_792 : memref<128xf32, #tpu.memory_space<vmem>>)
    %dma_wait3A_795 = arith.constant 12 : i32
    %dma_wait3A_796 = arith.constant 0 : i32
    %dma_wait3A_797 = tpu.memref_slice %arg6[%dma_wait3A_795, %dma_wait3A_796] : memref<32x128xf32, #tpu.memory_space<vmem>> -> memref<1x128xf32, #tpu.memory_space<vmem>>
    %dma_wait3A_798 = tpu.memref_squeeze %dma_wait3A_797 : memref<1x128xf32, #tpu.memory_space<vmem>> -> memref<128xf32, #tpu.memory_space<vmem>>
    %dma_wait3A_799 = tpu.memref_slice %arg2[%add3A_526, %multiple_of3A_524] : memref<1024x100000xf32, #tpu.memory_space<hbm>> -> memref<1x128xf32, #tpu.memory_space<hbm>>
    %dma_wait3A_800 = tpu.memref_squeeze %dma_wait3A_799 : memref<1x128xf32, #tpu.memory_space<hbm>> -> memref<128xf32, #tpu.memory_space<hbm>>
    %dma_wait3A_801 = arith.constant 0 : i32
    %dma_wait3A_802 = tpu.memref_slice %arg6[%dma_wait3A_795, %dma_wait3A_801] : memref<32x128xf32, #tpu.memory_space<vmem>> -> memref<1x128xf32, #tpu.memory_space<vmem>>
    %dma_wait3A_803 = tpu.memref_squeeze %dma_wait3A_802 : memref<1x128xf32, #tpu.memory_space<vmem>> -> memref<128xf32, #tpu.memory_space<vmem>>
    %dma_wait3A_804 = tpu.memref_slice %arg2[%add3A_526, %multiple_of3A_524] : memref<1024x100000xf32, #tpu.memory_space<hbm>> -> memref<1x128xf32, #tpu.memory_space<hbm>>
    %dma_wait3A_805 = tpu.memref_squeeze %dma_wait3A_804 : memref<1x128xf32, #tpu.memory_space<hbm>> -> memref<128xf32, #tpu.memory_space<hbm>>
    tpu.wait_dma2 semaphore(%arg8 : memref<!tpu.dma_semaphore, #tpu.memory_space<semaphore_mem>>) src(%dma_wait3A_805 : memref<128xf32, #tpu.memory_space<hbm>>) dst(%dma_wait3A_803 : memref<128xf32, #tpu.memory_space<vmem>>)
    %dma_wait3A_806 = arith.constant 13 : i32
    %dma_wait3A_807 = arith.constant 0 : i32
    %dma_wait3A_808 = tpu.memref_slice %arg6[%dma_wait3A_806, %dma_wait3A_807] : memref<32x128xf32, #tpu.memory_space<vmem>> -> memref<1x128xf32, #tpu.memory_space<vmem>>
    %dma_wait3A_809 = tpu.memref_squeeze %dma_wait3A_808 : memref<1x128xf32, #tpu.memory_space<vmem>> -> memref<128xf32, #tpu.memory_space<vmem>>
    %dma_wait3A_810 = tpu.memref_slice %arg2[%add3A_568, %multiple_of3A_566] : memref<1024x100000xf32, #tpu.memory_space<hbm>> -> memref<1x128xf32, #tpu.memory_space<hbm>>
    %dma_wait3A_811 = tpu.memref_squeeze %dma_wait3A_810 : memref<1x128xf32, #tpu.memory_space<hbm>> -> memref<128xf32, #tpu.memory_space<hbm>>
    %dma_wait3A_812 = arith.constant 0 : i32
    %dma_wait3A_813 = tpu.memref_slice %arg6[%dma_wait3A_806, %dma_wait3A_812] : memref<32x128xf32, #tpu.memory_space<vmem>> -> memref<1x128xf32, #tpu.memory_space<vmem>>
    %dma_wait3A_814 = tpu.memref_squeeze %dma_wait3A_813 : memref<1x128xf32, #tpu.memory_space<vmem>> -> memref<128xf32, #tpu.memory_space<vmem>>
    %dma_wait3A_815 = tpu.memref_slice %arg2[%add3A_568, %multiple_of3A_566] : memref<1024x100000xf32, #tpu.memory_space<hbm>> -> memref<1x128xf32, #tpu.memory_space<hbm>>
    %dma_wait3A_816 = tpu.memref_squeeze %dma_wait3A_815 : memref<1x128xf32, #tpu.memory_space<hbm>> -> memref<128xf32, #tpu.memory_space<hbm>>
    tpu.wait_dma2 semaphore(%arg8 : memref<!tpu.dma_semaphore, #tpu.memory_space<semaphore_mem>>) src(%dma_wait3A_816 : memref<128xf32, #tpu.memory_space<hbm>>) dst(%dma_wait3A_814 : memref<128xf32, #tpu.memory_space<vmem>>)
    %dma_wait3A_817 = arith.constant 14 : i32
    %dma_wait3A_818 = arith.constant 0 : i32
    %dma_wait3A_819 = tpu.memref_slice %arg6[%dma_wait3A_817, %dma_wait3A_818] : memref<32x128xf32, #tpu.memory_space<vmem>> -> memref<1x128xf32, #tpu.memory_space<vmem>>
    %dma_wait3A_820 = tpu.memref_squeeze %dma_wait3A_819 : memref<1x128xf32, #tpu.memory_space<vmem>> -> memref<128xf32, #tpu.memory_space<vmem>>
    %dma_wait3A_821 = tpu.memref_slice %arg2[%add3A_610, %multiple_of3A_608] : memref<1024x100000xf32, #tpu.memory_space<hbm>> -> memref<1x128xf32, #tpu.memory_space<hbm>>
    %dma_wait3A_822 = tpu.memref_squeeze %dma_wait3A_821 : memref<1x128xf32, #tpu.memory_space<hbm>> -> memref<128xf32, #tpu.memory_space<hbm>>
    %dma_wait3A_823 = arith.constant 0 : i32
    %dma_wait3A_824 = tpu.memref_slice %arg6[%dma_wait3A_817, %dma_wait3A_823] : memref<32x128xf32, #tpu.memory_space<vmem>> -> memref<1x128xf32, #tpu.memory_space<vmem>>
    %dma_wait3A_825 = tpu.memref_squeeze %dma_wait3A_824 : memref<1x128xf32, #tpu.memory_space<vmem>> -> memref<128xf32, #tpu.memory_space<vmem>>
    %dma_wait3A_826 = tpu.memref_slice %arg2[%add3A_610, %multiple_of3A_608] : memref<1024x100000xf32, #tpu.memory_space<hbm>> -> memref<1x128xf32, #tpu.memory_space<hbm>>
    %dma_wait3A_827 = tpu.memref_squeeze %dma_wait3A_826 : memref<1x128xf32, #tpu.memory_space<hbm>> -> memref<128xf32, #tpu.memory_space<hbm>>
    tpu.wait_dma2 semaphore(%arg8 : memref<!tpu.dma_semaphore, #tpu.memory_space<semaphore_mem>>) src(%dma_wait3A_827 : memref<128xf32, #tpu.memory_space<hbm>>) dst(%dma_wait3A_825 : memref<128xf32, #tpu.memory_space<vmem>>)
    %dma_wait3A_828 = arith.constant 15 : i32
    %dma_wait3A_829 = arith.constant 0 : i32
    %dma_wait3A_830 = tpu.memref_slice %arg6[%dma_wait3A_828, %dma_wait3A_829] : memref<32x128xf32, #tpu.memory_space<vmem>> -> memref<1x128xf32, #tpu.memory_space<vmem>>
    %dma_wait3A_831 = tpu.memref_squeeze %dma_wait3A_830 : memref<1x128xf32, #tpu.memory_space<vmem>> -> memref<128xf32, #tpu.memory_space<vmem>>
    %dma_wait3A_832 = tpu.memref_slice %arg2[%add3A_652, %multiple_of3A_650] : memref<1024x100000xf32, #tpu.memory_space<hbm>> -> memref<1x128xf32, #tpu.memory_space<hbm>>
    %dma_wait3A_833 = tpu.memref_squeeze %dma_wait3A_832 : memref<1x128xf32, #tpu.memory_space<hbm>> -> memref<128xf32, #tpu.memory_space<hbm>>
    %dma_wait3A_834 = arith.constant 0 : i32
    %dma_wait3A_835 = tpu.memref_slice %arg6[%dma_wait3A_828, %dma_wait3A_834] : memref<32x128xf32, #tpu.memory_space<vmem>> -> memref<1x128xf32, #tpu.memory_space<vmem>>
    %dma_wait3A_836 = tpu.memref_squeeze %dma_wait3A_835 : memref<1x128xf32, #tpu.memory_space<vmem>> -> memref<128xf32, #tpu.memory_space<vmem>>
    %dma_wait3A_837 = tpu.memref_slice %arg2[%add3A_652, %multiple_of3A_650] : memref<1024x100000xf32, #tpu.memory_space<hbm>> -> memref<1x128xf32, #tpu.memory_space<hbm>>
    %dma_wait3A_838 = tpu.memref_squeeze %dma_wait3A_837 : memref<1x128xf32, #tpu.memory_space<hbm>> -> memref<128xf32, #tpu.memory_space<hbm>>
    tpu.wait_dma2 semaphore(%arg8 : memref<!tpu.dma_semaphore, #tpu.memory_space<semaphore_mem>>) src(%dma_wait3A_838 : memref<128xf32, #tpu.memory_space<hbm>>) dst(%dma_wait3A_836 : memref<128xf32, #tpu.memory_space<vmem>>)
    %get3A_839 = arith.constant 16 : index
    %get3A_840 = tpu.vector_load %arg5[%get3A_839] {strides = array<i32>} : memref<32xi32, #tpu.memory_space<vmem>>, vector<16xi32>,
    %slice3A_841 = vector.extract_strided_slice %get3A_840 {offsets = [0], sizes = [1], strides = [1]} : vector<16xi32> to vector<1xi32>
    %squeeze3A_842 = vector.extract %slice3A_841[0] : i32 from vector<1xi32>
    %jit3A_843 = arith.constant 128 : i32
    %div3A_844 = arith.divsi %squeeze3A_842, %jit3A_843 : i32
    %sign3A_845 = arith.constant 0 : i32
    %sign3A_846 = arith.cmpi sgt, %squeeze3A_842, %sign3A_845 : i32
    %sign3A_847 = arith.extui %sign3A_846 : i1 to i32
    %sign3A_848 = arith.constant 0 : i32
    %sign3A_849 = arith.cmpi slt, %squeeze3A_842, %sign3A_848 : i32
    %sign3A_850 = arith.extui %sign3A_849 : i1 to i32
    %sign3A_851 = arith.subi %sign3A_847, %sign3A_850 : i32
    %sign3A_852 = arith.constant 0 : i32
    %sign3A_853 = arith.cmpi sgt, %jit3A_843, %sign3A_852 : i32
    %sign3A_854 = arith.extui %sign3A_853 : i1 to i32
    %sign3A_855 = arith.constant 0 : i32
    %sign3A_856 = arith.cmpi slt, %jit3A_843, %sign3A_855 : i32
    %sign3A_857 = arith.extui %sign3A_856 : i1 to i32
    %sign3A_858 = arith.subi %sign3A_854, %sign3A_857 : i32
    %ne3A_859 = arith.cmpi ne, %sign3A_851, %sign3A_858 : i32
    %rem3A_860 = arith.remsi %squeeze3A_842, %jit3A_843 : i32
    %ne3A_861 = arith.constant 0 : i32
    %ne3A_862 = arith.cmpi ne, %rem3A_860, %ne3A_861 : i32
    %and3A_863 = arith.andi %ne3A_859, %ne3A_862 : i1
    %sub3A_864 = arith.constant 1 : i32
    %sub3A_865 = arith.subi %div3A_844, %sub3A_864 : i32
    %select_n3A_866 = arith.select %and3A_863, %sub3A_865, %div3A_844 : i32
    %mul3A_867 = arith.constant 128 : i32
    %mul3A_868 = arith.muli %select_n3A_866, %mul3A_867 : i32
    %multiple_of3A_869 = tpu.assume_multiple %mul3A_868, 128 : i32
    %add3A_870 = arith.constant 16 : i32
    %add3A_871 = arith.addi %mul3A_2, %add3A_870 : i32
    %dma_start3A_872 = arith.constant 16 : i32
    %dma_start3A_873 = arith.constant 0 : i32
    %dma_start3A_874 = tpu.memref_slice %arg6[%dma_start3A_872, %dma_start3A_873] : memref<32x128xf32, #tpu.memory_space<vmem>> -> memref<1x128xf32, #tpu.memory_space<vmem>>
    %dma_start3A_875 = tpu.memref_squeeze %dma_start3A_874 : memref<1x128xf32, #tpu.memory_space<vmem>> -> memref<128xf32, #tpu.memory_space<vmem>>
    %dma_start3A_876 = tpu.memref_slice %arg2[%add3A_871, %multiple_of3A_869] : memref<1024x100000xf32, #tpu.memory_space<hbm>> -> memref<1x128xf32, #tpu.memory_space<hbm>>
    %dma_start3A_877 = tpu.memref_squeeze %dma_start3A_876 : memref<1x128xf32, #tpu.memory_space<hbm>> -> memref<128xf32, #tpu.memory_space<hbm>>
    %dma_start3A_878 = arith.constant 0 : i32
    %dma_start3A_879 = tpu.memref_slice %arg6[%dma_start3A_872, %dma_start3A_878] : memref<32x128xf32, #tpu.memory_space<vmem>> -> memref<1x128xf32, #tpu.memory_space<vmem>>
    %dma_start3A_880 = tpu.memref_squeeze %dma_start3A_879 : memref<1x128xf32, #tpu.memory_space<vmem>> -> memref<128xf32, #tpu.memory_space<vmem>>
    %dma_start3A_881 = tpu.memref_slice %arg2[%add3A_871, %multiple_of3A_869] : memref<1024x100000xf32, #tpu.memory_space<hbm>> -> memref<1x128xf32, #tpu.memory_space<hbm>>
    %dma_start3A_882 = tpu.memref_squeeze %dma_start3A_881 : memref<1x128xf32, #tpu.memory_space<hbm>> -> memref<128xf32, #tpu.memory_space<hbm>>
    tpu.enqueue_dma source(%dma_start3A_882 : memref<128xf32, #tpu.memory_space<hbm>>) target(%dma_start3A_880 : memref<128xf32, #tpu.memory_space<vmem>>) target_semaphore(%arg8 : memref<!tpu.dma_semaphore, #tpu.memory_space<semaphore_mem>>)
    %slice3A_883 = vector.extract_strided_slice %get3A_840 {offsets = [1], sizes = [1], strides = [1]} : vector<16xi32> to vector<1xi32>
    %squeeze3A_884 = vector.extract %slice3A_883[0] : i32 from vector<1xi32>
    %jit3A_885 = arith.constant 128 : i32
    %div3A_886 = arith.divsi %squeeze3A_884, %jit3A_885 : i32
    %sign3A_887 = arith.constant 0 : i32
    %sign3A_888 = arith.cmpi sgt, %squeeze3A_884, %sign3A_887 : i32
    %sign3A_889 = arith.extui %sign3A_888 : i1 to i32
    %sign3A_890 = arith.constant 0 : i32
    %sign3A_891 = arith.cmpi slt, %squeeze3A_884, %sign3A_890 : i32
    %sign3A_892 = arith.extui %sign3A_891 : i1 to i32
    %sign3A_893 = arith.subi %sign3A_889, %sign3A_892 : i32
    %sign3A_894 = arith.constant 0 : i32
    %sign3A_895 = arith.cmpi sgt, %jit3A_885, %sign3A_894 : i32
    %sign3A_896 = arith.extui %sign3A_895 : i1 to i32
    %sign3A_897 = arith.constant 0 : i32
    %sign3A_898 = arith.cmpi slt, %jit3A_885, %sign3A_897 : i32
    %sign3A_899 = arith.extui %sign3A_898 : i1 to i32
    %sign3A_900 = arith.subi %sign3A_896, %sign3A_899 : i32
    %ne3A_901 = arith.cmpi ne, %sign3A_893, %sign3A_900 : i32
    %rem3A_902 = arith.remsi %squeeze3A_884, %jit3A_885 : i32
    %ne3A_903 = arith.constant 0 : i32
    %ne3A_904 = arith.cmpi ne, %rem3A_902, %ne3A_903 : i32
    %and3A_905 = arith.andi %ne3A_901, %ne3A_904 : i1
    %sub3A_906 = arith.constant 1 : i32
    %sub3A_907 = arith.subi %div3A_886, %sub3A_906 : i32
    %select_n3A_908 = arith.select %and3A_905, %sub3A_907, %div3A_886 : i32
    %mul3A_909 = arith.constant 128 : i32
    %mul3A_910 = arith.muli %select_n3A_908, %mul3A_909 : i32
    %multiple_of3A_911 = tpu.assume_multiple %mul3A_910, 128 : i32
    %add3A_912 = arith.constant 17 : i32
    %add3A_913 = arith.addi %mul3A_2, %add3A_912 : i32
    %dma_start3A_914 = arith.constant 17 : i32
    %dma_start3A_915 = arith.constant 0 : i32
    %dma_start3A_916 = tpu.memref_slice %arg6[%dma_start3A_914, %dma_start3A_915] : memref<32x128xf32, #tpu.memory_space<vmem>> -> memref<1x128xf32, #tpu.memory_space<vmem>>
    %dma_start3A_917 = tpu.memref_squeeze %dma_start3A_916 : memref<1x128xf32, #tpu.memory_space<vmem>> -> memref<128xf32, #tpu.memory_space<vmem>>
    %dma_start3A_918 = tpu.memref_slice %arg2[%add3A_913, %multiple_of3A_911] : memref<1024x100000xf32, #tpu.memory_space<hbm>> -> memref<1x128xf32, #tpu.memory_space<hbm>>
    %dma_start3A_919 = tpu.memref_squeeze %dma_start3A_918 : memref<1x128xf32, #tpu.memory_space<hbm>> -> memref<128xf32, #tpu.memory_space<hbm>>
    %dma_start3A_920 = arith.constant 0 : i32
    %dma_start3A_921 = tpu.memref_slice %arg6[%dma_start3A_914, %dma_start3A_920] : memref<32x128xf32, #tpu.memory_space<vmem>> -> memref<1x128xf32, #tpu.memory_space<vmem>>
    %dma_start3A_922 = tpu.memref_squeeze %dma_start3A_921 : memref<1x128xf32, #tpu.memory_space<vmem>> -> memref<128xf32, #tpu.memory_space<vmem>>
    %dma_start3A_923 = tpu.memref_slice %arg2[%add3A_913, %multiple_of3A_911] : memref<1024x100000xf32, #tpu.memory_space<hbm>> -> memref<1x128xf32, #tpu.memory_space<hbm>>
    %dma_start3A_924 = tpu.memref_squeeze %dma_start3A_923 : memref<1x128xf32, #tpu.memory_space<hbm>> -> memref<128xf32, #tpu.memory_space<hbm>>
    tpu.enqueue_dma source(%dma_start3A_924 : memref<128xf32, #tpu.memory_space<hbm>>) target(%dma_start3A_922 : memref<128xf32, #tpu.memory_space<vmem>>) target_semaphore(%arg8 : memref<!tpu.dma_semaphore, #tpu.memory_space<semaphore_mem>>)
    %slice3A_925 = vector.extract_strided_slice %get3A_840 {offsets = [2], sizes = [1], strides = [1]} : vector<16xi32> to vector<1xi32>
    %squeeze3A_926 = vector.extract %slice3A_925[0] : i32 from vector<1xi32>
    %jit3A_927 = arith.constant 128 : i32
    %div3A_928 = arith.divsi %squeeze3A_926, %jit3A_927 : i32
    %sign3A_929 = arith.constant 0 : i32
    %sign3A_930 = arith.cmpi sgt, %squeeze3A_926, %sign3A_929 : i32
    %sign3A_931 = arith.extui %sign3A_930 : i1 to i32
    %sign3A_932 = arith.constant 0 : i32
    %sign3A_933 = arith.cmpi slt, %squeeze3A_926, %sign3A_932 : i32
    %sign3A_934 = arith.extui %sign3A_933 : i1 to i32
    %sign3A_935 = arith.subi %sign3A_931, %sign3A_934 : i32
    %sign3A_936 = arith.constant 0 : i32
    %sign3A_937 = arith.cmpi sgt, %jit3A_927, %sign3A_936 : i32
    %sign3A_938 = arith.extui %sign3A_937 : i1 to i32
    %sign3A_939 = arith.constant 0 : i32
    %sign3A_940 = arith.cmpi slt, %jit3A_927, %sign3A_939 : i32
    %sign3A_941 = arith.extui %sign3A_940 : i1 to i32
    %sign3A_942 = arith.subi %sign3A_938, %sign3A_941 : i32
    %ne3A_943 = arith.cmpi ne, %sign3A_935, %sign3A_942 : i32
    %rem3A_944 = arith.remsi %squeeze3A_926, %jit3A_927 : i32
    %ne3A_945 = arith.constant 0 : i32
    %ne3A_946 = arith.cmpi ne, %rem3A_944, %ne3A_945 : i32
    %and3A_947 = arith.andi %ne3A_943, %ne3A_946 : i1
    %sub3A_948 = arith.constant 1 : i32
    %sub3A_949 = arith.subi %div3A_928, %sub3A_948 : i32
    %select_n3A_950 = arith.select %and3A_947, %sub3A_949, %div3A_928 : i32
    %mul3A_951 = arith.constant 128 : i32
    %mul3A_952 = arith.muli %select_n3A_950, %mul3A_951 : i32
    %multiple_of3A_953 = tpu.assume_multiple %mul3A_952, 128 : i32
    %add3A_954 = arith.constant 18 : i32
    %add3A_955 = arith.addi %mul3A_2, %add3A_954 : i32
    %dma_start3A_956 = arith.constant 18 : i32
    %dma_start3A_957 = arith.constant 0 : i32
    %dma_start3A_958 = tpu.memref_slice %arg6[%dma_start3A_956, %dma_start3A_957] : memref<32x128xf32, #tpu.memory_space<vmem>> -> memref<1x128xf32, #tpu.memory_space<vmem>>
    %dma_start3A_959 = tpu.memref_squeeze %dma_start3A_958 : memref<1x128xf32, #tpu.memory_space<vmem>> -> memref<128xf32, #tpu.memory_space<vmem>>
    %dma_start3A_960 = tpu.memref_slice %arg2[%add3A_955, %multiple_of3A_953] : memref<1024x100000xf32, #tpu.memory_space<hbm>> -> memref<1x128xf32, #tpu.memory_space<hbm>>
    %dma_start3A_961 = tpu.memref_squeeze %dma_start3A_960 : memref<1x128xf32, #tpu.memory_space<hbm>> -> memref<128xf32, #tpu.memory_space<hbm>>
    %dma_start3A_962 = arith.constant 0 : i32
    %dma_start3A_963 = tpu.memref_slice %arg6[%dma_start3A_956, %dma_start3A_962] : memref<32x128xf32, #tpu.memory_space<vmem>> -> memref<1x128xf32, #tpu.memory_space<vmem>>
    %dma_start3A_964 = tpu.memref_squeeze %dma_start3A_963 : memref<1x128xf32, #tpu.memory_space<vmem>> -> memref<128xf32, #tpu.memory_space<vmem>>
    %dma_start3A_965 = tpu.memref_slice %arg2[%add3A_955, %multiple_of3A_953] : memref<1024x100000xf32, #tpu.memory_space<hbm>> -> memref<1x128xf32, #tpu.memory_space<hbm>>
    %dma_start3A_966 = tpu.memref_squeeze %dma_start3A_965 : memref<1x128xf32, #tpu.memory_space<hbm>> -> memref<128xf32, #tpu.memory_space<hbm>>
    tpu.enqueue_dma source(%dma_start3A_966 : memref<128xf32, #tpu.memory_space<hbm>>) target(%dma_start3A_964 : memref<128xf32, #tpu.memory_space<vmem>>) target_semaphore(%arg8 : memref<!tpu.dma_semaphore, #tpu.memory_space<semaphore_mem>>)
    %slice3A_967 = vector.extract_strided_slice %get3A_840 {offsets = [3], sizes = [1], strides = [1]} : vector<16xi32> to vector<1xi32>
    %squeeze3A_968 = vector.extract %slice3A_967[0] : i32 from vector<1xi32>
    %jit3A_969 = arith.constant 128 : i32
    %div3A_970 = arith.divsi %squeeze3A_968, %jit3A_969 : i32
    %sign3A_971 = arith.constant 0 : i32
    %sign3A_972 = arith.cmpi sgt, %squeeze3A_968, %sign3A_971 : i32
    %sign3A_973 = arith.extui %sign3A_972 : i1 to i32
    %sign3A_974 = arith.constant 0 : i32
    %sign3A_975 = arith.cmpi slt, %squeeze3A_968, %sign3A_974 : i32
    %sign3A_976 = arith.extui %sign3A_975 : i1 to i32
    %sign3A_977 = arith.subi %sign3A_973, %sign3A_976 : i32
    %sign3A_978 = arith.constant 0 : i32
    %sign3A_979 = arith.cmpi sgt, %jit3A_969, %sign3A_978 : i32
    %sign3A_980 = arith.extui %sign3A_979 : i1 to i32
    %sign3A_981 = arith.constant 0 : i32
    %sign3A_982 = arith.cmpi slt, %jit3A_969, %sign3A_981 : i32
    %sign3A_983 = arith.extui %sign3A_982 : i1 to i32
    %sign3A_984 = arith.subi %sign3A_980, %sign3A_983 : i32
    %ne3A_985 = arith.cmpi ne, %sign3A_977, %sign3A_984 : i32
    %rem3A_986 = arith.remsi %squeeze3A_968, %jit3A_969 : i32
    %ne3A_987 = arith.constant 0 : i32
    %ne3A_988 = arith.cmpi ne, %rem3A_986, %ne3A_987 : i32
    %and3A_989 = arith.andi %ne3A_985, %ne3A_988 : i1
    %sub3A_990 = arith.constant 1 : i32
    %sub3A_991 = arith.subi %div3A_970, %sub3A_990 : i32
    %select_n3A_992 = arith.select %and3A_989, %sub3A_991, %div3A_970 : i32
    %mul3A_993 = arith.constant 128 : i32
    %mul3A_994 = arith.muli %select_n3A_992, %mul3A_993 : i32
    %multiple_of3A_995 = tpu.assume_multiple %mul3A_994, 128 : i32
    %add3A_996 = arith.constant 19 : i32
    %add3A_997 = arith.addi %mul3A_2, %add3A_996 : i32
    %dma_start3A_998 = arith.constant 19 : i32
    %dma_start3A_999 = arith.constant 0 : i32
    %dma_start3A_1000 = tpu.memref_slice %arg6[%dma_start3A_998, %dma_start3A_999] : memref<32x128xf32, #tpu.memory_space<vmem>> -> memref<1x128xf32, #tpu.memory_space<vmem>>
    %dma_start3A_1001 = tpu.memref_squeeze %dma_start3A_1000 : memref<1x128xf32, #tpu.memory_space<vmem>> -> memref<128xf32, #tpu.memory_space<vmem>>
    %dma_start3A_1002 = tpu.memref_slice %arg2[%add3A_997, %multiple_of3A_995] : memref<1024x100000xf32, #tpu.memory_space<hbm>> -> memref<1x128xf32, #tpu.memory_space<hbm>>
    %dma_start3A_1003 = tpu.memref_squeeze %dma_start3A_1002 : memref<1x128xf32, #tpu.memory_space<hbm>> -> memref<128xf32, #tpu.memory_space<hbm>>
    %dma_start3A_1004 = arith.constant 0 : i32
    %dma_start3A_1005 = tpu.memref_slice %arg6[%dma_start3A_998, %dma_start3A_1004] : memref<32x128xf32, #tpu.memory_space<vmem>> -> memref<1x128xf32, #tpu.memory_space<vmem>>
    %dma_start3A_1006 = tpu.memref_squeeze %dma_start3A_1005 : memref<1x128xf32, #tpu.memory_space<vmem>> -> memref<128xf32, #tpu.memory_space<vmem>>
    %dma_start3A_1007 = tpu.memref_slice %arg2[%add3A_997, %multiple_of3A_995] : memref<1024x100000xf32, #tpu.memory_space<hbm>> -> memref<1x128xf32, #tpu.memory_space<hbm>>
    %dma_start3A_1008 = tpu.memref_squeeze %dma_start3A_1007 : memref<1x128xf32, #tpu.memory_space<hbm>> -> memref<128xf32, #tpu.memory_space<hbm>>
    tpu.enqueue_dma source(%dma_start3A_1008 : memref<128xf32, #tpu.memory_space<hbm>>) target(%dma_start3A_1006 : memref<128xf32, #tpu.memory_space<vmem>>) target_semaphore(%arg8 : memref<!tpu.dma_semaphore, #tpu.memory_space<semaphore_mem>>)
    %slice3A_1009 = vector.extract_strided_slice %get3A_840 {offsets = [4], sizes = [1], strides = [1]} : vector<16xi32> to vector<1xi32>
    %squeeze3A_1010 = vector.extract %slice3A_1009[0] : i32 from vector<1xi32>
    %jit3A_1011 = arith.constant 128 : i32
    %div3A_1012 = arith.divsi %squeeze3A_1010, %jit3A_1011 : i32
    %sign3A_1013 = arith.constant 0 : i32
    %sign3A_1014 = arith.cmpi sgt, %squeeze3A_1010, %sign3A_1013 : i32
    %sign3A_1015 = arith.extui %sign3A_1014 : i1 to i32
    %sign3A_1016 = arith.constant 0 : i32
    %sign3A_1017 = arith.cmpi slt, %squeeze3A_1010, %sign3A_1016 : i32
    %sign3A_1018 = arith.extui %sign3A_1017 : i1 to i32
    %sign3A_1019 = arith.subi %sign3A_1015, %sign3A_1018 : i32
    %sign3A_1020 = arith.constant 0 : i32
    %sign3A_1021 = arith.cmpi sgt, %jit3A_1011, %sign3A_1020 : i32
    %sign3A_1022 = arith.extui %sign3A_1021 : i1 to i32
    %sign3A_1023 = arith.constant 0 : i32
    %sign3A_1024 = arith.cmpi slt, %jit3A_1011, %sign3A_1023 : i32
    %sign3A_1025 = arith.extui %sign3A_1024 : i1 to i32
    %sign3A_1026 = arith.subi %sign3A_1022, %sign3A_1025 : i32
    %ne3A_1027 = arith.cmpi ne, %sign3A_1019, %sign3A_1026 : i32
    %rem3A_1028 = arith.remsi %squeeze3A_1010, %jit3A_1011 : i32
    %ne3A_1029 = arith.constant 0 : i32
    %ne3A_1030 = arith.cmpi ne, %rem3A_1028, %ne3A_1029 : i32
    %and3A_1031 = arith.andi %ne3A_1027, %ne3A_1030 : i1
    %sub3A_1032 = arith.constant 1 : i32
    %sub3A_1033 = arith.subi %div3A_1012, %sub3A_1032 : i32
    %select_n3A_1034 = arith.select %and3A_1031, %sub3A_1033, %div3A_1012 : i32
    %mul3A_1035 = arith.constant 128 : i32
    %mul3A_1036 = arith.muli %select_n3A_1034, %mul3A_1035 : i32
    %multiple_of3A_1037 = tpu.assume_multiple %mul3A_1036, 128 : i32
    %add3A_1038 = arith.constant 20 : i32
    %add3A_1039 = arith.addi %mul3A_2, %add3A_1038 : i32
    %dma_start3A_1040 = arith.constant 20 : i32
    %dma_start3A_1041 = arith.constant 0 : i32
    %dma_start3A_1042 = tpu.memref_slice %arg6[%dma_start3A_1040, %dma_start3A_1041] : memref<32x128xf32, #tpu.memory_space<vmem>> -> memref<1x128xf32, #tpu.memory_space<vmem>>
    %dma_start3A_1043 = tpu.memref_squeeze %dma_start3A_1042 : memref<1x128xf32, #tpu.memory_space<vmem>> -> memref<128xf32, #tpu.memory_space<vmem>>
    %dma_start3A_1044 = tpu.memref_slice %arg2[%add3A_1039, %multiple_of3A_1037] : memref<1024x100000xf32, #tpu.memory_space<hbm>> -> memref<1x128xf32, #tpu.memory_space<hbm>>
    %dma_start3A_1045 = tpu.memref_squeeze %dma_start3A_1044 : memref<1x128xf32, #tpu.memory_space<hbm>> -> memref<128xf32, #tpu.memory_space<hbm>>
    %dma_start3A_1046 = arith.constant 0 : i32
    %dma_start3A_1047 = tpu.memref_slice %arg6[%dma_start3A_1040, %dma_start3A_1046] : memref<32x128xf32, #tpu.memory_space<vmem>> -> memref<1x128xf32, #tpu.memory_space<vmem>>
    %dma_start3A_1048 = tpu.memref_squeeze %dma_start3A_1047 : memref<1x128xf32, #tpu.memory_space<vmem>> -> memref<128xf32, #tpu.memory_space<vmem>>
    %dma_start3A_1049 = tpu.memref_slice %arg2[%add3A_1039, %multiple_of3A_1037] : memref<1024x100000xf32, #tpu.memory_space<hbm>> -> memref<1x128xf32, #tpu.memory_space<hbm>>
    %dma_start3A_1050 = tpu.memref_squeeze %dma_start3A_1049 : memref<1x128xf32, #tpu.memory_space<hbm>> -> memref<128xf32, #tpu.memory_space<hbm>>
    tpu.enqueue_dma source(%dma_start3A_1050 : memref<128xf32, #tpu.memory_space<hbm>>) target(%dma_start3A_1048 : memref<128xf32, #tpu.memory_space<vmem>>) target_semaphore(%arg8 : memref<!tpu.dma_semaphore, #tpu.memory_space<semaphore_mem>>)
    %slice3A_1051 = vector.extract_strided_slice %get3A_840 {offsets = [5], sizes = [1], strides = [1]} : vector<16xi32> to vector<1xi32>
    %squeeze3A_1052 = vector.extract %slice3A_1051[0] : i32 from vector<1xi32>
    %jit3A_1053 = arith.constant 128 : i32
    %div3A_1054 = arith.divsi %squeeze3A_1052, %jit3A_1053 : i32
    %sign3A_1055 = arith.constant 0 : i32
    %sign3A_1056 = arith.cmpi sgt, %squeeze3A_1052, %sign3A_1055 : i32
    %sign3A_1057 = arith.extui %sign3A_1056 : i1 to i32
    %sign3A_1058 = arith.constant 0 : i32
    %sign3A_1059 = arith.cmpi slt, %squeeze3A_1052, %sign3A_1058 : i32
    %sign3A_1060 = arith.extui %sign3A_1059 : i1 to i32
    %sign3A_1061 = arith.subi %sign3A_1057, %sign3A_1060 : i32
    %sign3A_1062 = arith.constant 0 : i32
    %sign3A_1063 = arith.cmpi sgt, %jit3A_1053, %sign3A_1062 : i32
    %sign3A_1064 = arith.extui %sign3A_1063 : i1 to i32
    %sign3A_1065 = arith.constant 0 : i32
    %sign3A_1066 = arith.cmpi slt, %jit3A_1053, %sign3A_1065 : i32
    %sign3A_1067 = arith.extui %sign3A_1066 : i1 to i32
    %sign3A_1068 = arith.subi %sign3A_1064, %sign3A_1067 : i32
    %ne3A_1069 = arith.cmpi ne, %sign3A_1061, %sign3A_1068 : i32
    %rem3A_1070 = arith.remsi %squeeze3A_1052, %jit3A_1053 : i32
    %ne3A_1071 = arith.constant 0 : i32
    %ne3A_1072 = arith.cmpi ne, %rem3A_1070, %ne3A_1071 : i32
    %and3A_1073 = arith.andi %ne3A_1069, %ne3A_1072 : i1
    %sub3A_1074 = arith.constant 1 : i32
    %sub3A_1075 = arith.subi %div3A_1054, %sub3A_1074 : i32
    %select_n3A_1076 = arith.select %and3A_1073, %sub3A_1075, %div3A_1054 : i32
    %mul3A_1077 = arith.constant 128 : i32
    %mul3A_1078 = arith.muli %select_n3A_1076, %mul3A_1077 : i32
    %multiple_of3A_1079 = tpu.assume_multiple %mul3A_1078, 128 : i32
    %add3A_1080 = arith.constant 21 : i32
    %add3A_1081 = arith.addi %mul3A_2, %add3A_1080 : i32
    %dma_start3A_1082 = arith.constant 21 : i32
    %dma_start3A_1083 = arith.constant 0 : i32
    %dma_start3A_1084 = tpu.memref_slice %arg6[%dma_start3A_1082, %dma_start3A_1083] : memref<32x128xf32, #tpu.memory_space<vmem>> -> memref<1x128xf32, #tpu.memory_space<vmem>>
    %dma_start3A_1085 = tpu.memref_squeeze %dma_start3A_1084 : memref<1x128xf32, #tpu.memory_space<vmem>> -> memref<128xf32, #tpu.memory_space<vmem>>
    %dma_start3A_1086 = tpu.memref_slice %arg2[%add3A_1081, %multiple_of3A_1079] : memref<1024x100000xf32, #tpu.memory_space<hbm>> -> memref<1x128xf32, #tpu.memory_space<hbm>>
    %dma_start3A_1087 = tpu.memref_squeeze %dma_start3A_1086 : memref<1x128xf32, #tpu.memory_space<hbm>> -> memref<128xf32, #tpu.memory_space<hbm>>
    %dma_start3A_1088 = arith.constant 0 : i32
    %dma_start3A_1089 = tpu.memref_slice %arg6[%dma_start3A_1082, %dma_start3A_1088] : memref<32x128xf32, #tpu.memory_space<vmem>> -> memref<1x128xf32, #tpu.memory_space<vmem>>
    %dma_start3A_1090 = tpu.memref_squeeze %dma_start3A_1089 : memref<1x128xf32, #tpu.memory_space<vmem>> -> memref<128xf32, #tpu.memory_space<vmem>>
    %dma_start3A_1091 = tpu.memref_slice %arg2[%add3A_1081, %multiple_of3A_1079] : memref<1024x100000xf32, #tpu.memory_space<hbm>> -> memref<1x128xf32, #tpu.memory_space<hbm>>
    %dma_start3A_1092 = tpu.memref_squeeze %dma_start3A_1091 : memref<1x128xf32, #tpu.memory_space<hbm>> -> memref<128xf32, #tpu.memory_space<hbm>>
    tpu.enqueue_dma source(%dma_start3A_1092 : memref<128xf32, #tpu.memory_space<hbm>>) target(%dma_start3A_1090 : memref<128xf32, #tpu.memory_space<vmem>>) target_semaphore(%arg8 : memref<!tpu.dma_semaphore, #tpu.memory_space<semaphore_mem>>)
    %slice3A_1093 = vector.extract_strided_slice %get3A_840 {offsets = [6], sizes = [1], strides = [1]} : vector<16xi32> to vector<1xi32>
    %squeeze3A_1094 = vector.extract %slice3A_1093[0] : i32 from vector<1xi32>
    %jit3A_1095 = arith.constant 128 : i32
    %div3A_1096 = arith.divsi %squeeze3A_1094, %jit3A_1095 : i32
    %sign3A_1097 = arith.constant 0 : i32
    %sign3A_1098 = arith.cmpi sgt, %squeeze3A_1094, %sign3A_1097 : i32
    %sign3A_1099 = arith.extui %sign3A_1098 : i1 to i32
    %sign3A_1100 = arith.constant 0 : i32
    %sign3A_1101 = arith.cmpi slt, %squeeze3A_1094, %sign3A_1100 : i32
    %sign3A_1102 = arith.extui %sign3A_1101 : i1 to i32
    %sign3A_1103 = arith.subi %sign3A_1099, %sign3A_1102 : i32
    %sign3A_1104 = arith.constant 0 : i32
    %sign3A_1105 = arith.cmpi sgt, %jit3A_1095, %sign3A_1104 : i32
    %sign3A_1106 = arith.extui %sign3A_1105 : i1 to i32
    %sign3A_1107 = arith.constant 0 : i32
    %sign3A_1108 = arith.cmpi slt, %jit3A_1095, %sign3A_1107 : i32
    %sign3A_1109 = arith.extui %sign3A_1108 : i1 to i32
    %sign3A_1110 = arith.subi %sign3A_1106, %sign3A_1109 : i32
    %ne3A_1111 = arith.cmpi ne, %sign3A_1103, %sign3A_1110 : i32
    %rem3A_1112 = arith.remsi %squeeze3A_1094, %jit3A_1095 : i32
    %ne3A_1113 = arith.constant 0 : i32
    %ne3A_1114 = arith.cmpi ne, %rem3A_1112, %ne3A_1113 : i32
    %and3A_1115 = arith.andi %ne3A_1111, %ne3A_1114 : i1
    %sub3A_1116 = arith.constant 1 : i32
    %sub3A_1117 = arith.subi %div3A_1096, %sub3A_1116 : i32
    %select_n3A_1118 = arith.select %and3A_1115, %sub3A_1117, %div3A_1096 : i32
    %mul3A_1119 = arith.constant 128 : i32
    %mul3A_1120 = arith.muli %select_n3A_1118, %mul3A_1119 : i32
    %multiple_of3A_1121 = tpu.assume_multiple %mul3A_1120, 128 : i32
    %add3A_1122 = arith.constant 22 : i32
    %add3A_1123 = arith.addi %mul3A_2, %add3A_1122 : i32
    %dma_start3A_1124 = arith.constant 22 : i32
    %dma_start3A_1125 = arith.constant 0 : i32
    %dma_start3A_1126 = tpu.memref_slice %arg6[%dma_start3A_1124, %dma_start3A_1125] : memref<32x128xf32, #tpu.memory_space<vmem>> -> memref<1x128xf32, #tpu.memory_space<vmem>>
    %dma_start3A_1127 = tpu.memref_squeeze %dma_start3A_1126 : memref<1x128xf32, #tpu.memory_space<vmem>> -> memref<128xf32, #tpu.memory_space<vmem>>
    %dma_start3A_1128 = tpu.memref_slice %arg2[%add3A_1123, %multiple_of3A_1121] : memref<1024x100000xf32, #tpu.memory_space<hbm>> -> memref<1x128xf32, #tpu.memory_space<hbm>>
    %dma_start3A_1129 = tpu.memref_squeeze %dma_start3A_1128 : memref<1x128xf32, #tpu.memory_space<hbm>> -> memref<128xf32, #tpu.memory_space<hbm>>
    %dma_start3A_1130 = arith.constant 0 : i32
    %dma_start3A_1131 = tpu.memref_slice %arg6[%dma_start3A_1124, %dma_start3A_1130] : memref<32x128xf32, #tpu.memory_space<vmem>> -> memref<1x128xf32, #tpu.memory_space<vmem>>
    %dma_start3A_1132 = tpu.memref_squeeze %dma_start3A_1131 : memref<1x128xf32, #tpu.memory_space<vmem>> -> memref<128xf32, #tpu.memory_space<vmem>>
    %dma_start3A_1133 = tpu.memref_slice %arg2[%add3A_1123, %multiple_of3A_1121] : memref<1024x100000xf32, #tpu.memory_space<hbm>> -> memref<1x128xf32, #tpu.memory_space<hbm>>
    %dma_start3A_1134 = tpu.memref_squeeze %dma_start3A_1133 : memref<1x128xf32, #tpu.memory_space<hbm>> -> memref<128xf32, #tpu.memory_space<hbm>>
    tpu.enqueue_dma source(%dma_start3A_1134 : memref<128xf32, #tpu.memory_space<hbm>>) target(%dma_start3A_1132 : memref<128xf32, #tpu.memory_space<vmem>>) target_semaphore(%arg8 : memref<!tpu.dma_semaphore, #tpu.memory_space<semaphore_mem>>)
    %slice3A_1135 = vector.extract_strided_slice %get3A_840 {offsets = [7], sizes = [1], strides = [1]} : vector<16xi32> to vector<1xi32>
    %squeeze3A_1136 = vector.extract %slice3A_1135[0] : i32 from vector<1xi32>
    %jit3A_1137 = arith.constant 128 : i32
    %div3A_1138 = arith.divsi %squeeze3A_1136, %jit3A_1137 : i32
    %sign3A_1139 = arith.constant 0 : i32
    %sign3A_1140 = arith.cmpi sgt, %squeeze3A_1136, %sign3A_1139 : i32
    %sign3A_1141 = arith.extui %sign3A_1140 : i1 to i32
    %sign3A_1142 = arith.constant 0 : i32
    %sign3A_1143 = arith.cmpi slt, %squeeze3A_1136, %sign3A_1142 : i32
    %sign3A_1144 = arith.extui %sign3A_1143 : i1 to i32
    %sign3A_1145 = arith.subi %sign3A_1141, %sign3A_1144 : i32
    %sign3A_1146 = arith.constant 0 : i32
    %sign3A_1147 = arith.cmpi sgt, %jit3A_1137, %sign3A_1146 : i32
    %sign3A_1148 = arith.extui %sign3A_1147 : i1 to i32
    %sign3A_1149 = arith.constant 0 : i32
    %sign3A_1150 = arith.cmpi slt, %jit3A_1137, %sign3A_1149 : i32
    %sign3A_1151 = arith.extui %sign3A_1150 : i1 to i32
    %sign3A_1152 = arith.subi %sign3A_1148, %sign3A_1151 : i32
    %ne3A_1153 = arith.cmpi ne, %sign3A_1145, %sign3A_1152 : i32
    %rem3A_1154 = arith.remsi %squeeze3A_1136, %jit3A_1137 : i32
    %ne3A_1155 = arith.constant 0 : i32
    %ne3A_1156 = arith.cmpi ne, %rem3A_1154, %ne3A_1155 : i32
    %and3A_1157 = arith.andi %ne3A_1153, %ne3A_1156 : i1
    %sub3A_1158 = arith.constant 1 : i32
    %sub3A_1159 = arith.subi %div3A_1138, %sub3A_1158 : i32
    %select_n3A_1160 = arith.select %and3A_1157, %sub3A_1159, %div3A_1138 : i32
    %mul3A_1161 = arith.constant 128 : i32
    %mul3A_1162 = arith.muli %select_n3A_1160, %mul3A_1161 : i32
    %multiple_of3A_1163 = tpu.assume_multiple %mul3A_1162, 128 : i32
    %add3A_1164 = arith.constant 23 : i32
    %add3A_1165 = arith.addi %mul3A_2, %add3A_1164 : i32
    %dma_start3A_1166 = arith.constant 23 : i32
    %dma_start3A_1167 = arith.constant 0 : i32
    %dma_start3A_1168 = tpu.memref_slice %arg6[%dma_start3A_1166, %dma_start3A_1167] : memref<32x128xf32, #tpu.memory_space<vmem>> -> memref<1x128xf32, #tpu.memory_space<vmem>>
    %dma_start3A_1169 = tpu.memref_squeeze %dma_start3A_1168 : memref<1x128xf32, #tpu.memory_space<vmem>> -> memref<128xf32, #tpu.memory_space<vmem>>
    %dma_start3A_1170 = tpu.memref_slice %arg2[%add3A_1165, %multiple_of3A_1163] : memref<1024x100000xf32, #tpu.memory_space<hbm>> -> memref<1x128xf32, #tpu.memory_space<hbm>>
    %dma_start3A_1171 = tpu.memref_squeeze %dma_start3A_1170 : memref<1x128xf32, #tpu.memory_space<hbm>> -> memref<128xf32, #tpu.memory_space<hbm>>
    %dma_start3A_1172 = arith.constant 0 : i32
    %dma_start3A_1173 = tpu.memref_slice %arg6[%dma_start3A_1166, %dma_start3A_1172] : memref<32x128xf32, #tpu.memory_space<vmem>> -> memref<1x128xf32, #tpu.memory_space<vmem>>
    %dma_start3A_1174 = tpu.memref_squeeze %dma_start3A_1173 : memref<1x128xf32, #tpu.memory_space<vmem>> -> memref<128xf32, #tpu.memory_space<vmem>>
    %dma_start3A_1175 = tpu.memref_slice %arg2[%add3A_1165, %multiple_of3A_1163] : memref<1024x100000xf32, #tpu.memory_space<hbm>> -> memref<1x128xf32, #tpu.memory_space<hbm>>
    %dma_start3A_1176 = tpu.memref_squeeze %dma_start3A_1175 : memref<1x128xf32, #tpu.memory_space<hbm>> -> memref<128xf32, #tpu.memory_space<hbm>>
    tpu.enqueue_dma source(%dma_start3A_1176 : memref<128xf32, #tpu.memory_space<hbm>>) target(%dma_start3A_1174 : memref<128xf32, #tpu.memory_space<vmem>>) target_semaphore(%arg8 : memref<!tpu.dma_semaphore, #tpu.memory_space<semaphore_mem>>)
    %slice3A_1177 = vector.extract_strided_slice %get3A_840 {offsets = [8], sizes = [1], strides = [1]} : vector<16xi32> to vector<1xi32>
    %squeeze3A_1178 = vector.extract %slice3A_1177[0] : i32 from vector<1xi32>
    %jit3A_1179 = arith.constant 128 : i32
    %div3A_1180 = arith.divsi %squeeze3A_1178, %jit3A_1179 : i32
    %sign3A_1181 = arith.constant 0 : i32
    %sign3A_1182 = arith.cmpi sgt, %squeeze3A_1178, %sign3A_1181 : i32
    %sign3A_1183 = arith.extui %sign3A_1182 : i1 to i32
    %sign3A_1184 = arith.constant 0 : i32
    %sign3A_1185 = arith.cmpi slt, %squeeze3A_1178, %sign3A_1184 : i32
    %sign3A_1186 = arith.extui %sign3A_1185 : i1 to i32
    %sign3A_1187 = arith.subi %sign3A_1183, %sign3A_1186 : i32
    %sign3A_1188 = arith.constant 0 : i32
    %sign3A_1189 = arith.cmpi sgt, %jit3A_1179, %sign3A_1188 : i32
    %sign3A_1190 = arith.extui %sign3A_1189 : i1 to i32
    %sign3A_1191 = arith.constant 0 : i32
    %sign3A_1192 = arith.cmpi slt, %jit3A_1179, %sign3A_1191 : i32
    %sign3A_1193 = arith.extui %sign3A_1192 : i1 to i32
    %sign3A_1194 = arith.subi %sign3A_1190, %sign3A_1193 : i32
    %ne3A_1195 = arith.cmpi ne, %sign3A_1187, %sign3A_1194 : i32
    %rem3A_1196 = arith.remsi %squeeze3A_1178, %jit3A_1179 : i32
    %ne3A_1197 = arith.constant 0 : i32
    %ne3A_1198 = arith.cmpi ne, %rem3A_1196, %ne3A_1197 : i32
    %and3A_1199 = arith.andi %ne3A_1195, %ne3A_1198 : i1
    %sub3A_1200 = arith.constant 1 : i32
    %sub3A_1201 = arith.subi %div3A_1180, %sub3A_1200 : i32
    %select_n3A_1202 = arith.select %and3A_1199, %sub3A_1201, %div3A_1180 : i32
    %mul3A_1203 = arith.constant 128 : i32
    %mul3A_1204 = arith.muli %select_n3A_1202, %mul3A_1203 : i32
    %multiple_of3A_1205 = tpu.assume_multiple %mul3A_1204, 128 : i32
    %add3A_1206 = arith.constant 24 : i32
    %add3A_1207 = arith.addi %mul3A_2, %add3A_1206 : i32
    %dma_start3A_1208 = arith.constant 24 : i32
    %dma_start3A_1209 = arith.constant 0 : i32
    %dma_start3A_1210 = tpu.memref_slice %arg6[%dma_start3A_1208, %dma_start3A_1209] : memref<32x128xf32, #tpu.memory_space<vmem>> -> memref<1x128xf32, #tpu.memory_space<vmem>>
    %dma_start3A_1211 = tpu.memref_squeeze %dma_start3A_1210 : memref<1x128xf32, #tpu.memory_space<vmem>> -> memref<128xf32, #tpu.memory_space<vmem>>
    %dma_start3A_1212 = tpu.memref_slice %arg2[%add3A_1207, %multiple_of3A_1205] : memref<1024x100000xf32, #tpu.memory_space<hbm>> -> memref<1x128xf32, #tpu.memory_space<hbm>>
    %dma_start3A_1213 = tpu.memref_squeeze %dma_start3A_1212 : memref<1x128xf32, #tpu.memory_space<hbm>> -> memref<128xf32, #tpu.memory_space<hbm>>
    %dma_start3A_1214 = arith.constant 0 : i32
    %dma_start3A_1215 = tpu.memref_slice %arg6[%dma_start3A_1208, %dma_start3A_1214] : memref<32x128xf32, #tpu.memory_space<vmem>> -> memref<1x128xf32, #tpu.memory_space<vmem>>
    %dma_start3A_1216 = tpu.memref_squeeze %dma_start3A_1215 : memref<1x128xf32, #tpu.memory_space<vmem>> -> memref<128xf32, #tpu.memory_space<vmem>>
    %dma_start3A_1217 = tpu.memref_slice %arg2[%add3A_1207, %multiple_of3A_1205] : memref<1024x100000xf32, #tpu.memory_space<hbm>> -> memref<1x128xf32, #tpu.memory_space<hbm>>
    %dma_start3A_1218 = tpu.memref_squeeze %dma_start3A_1217 : memref<1x128xf32, #tpu.memory_space<hbm>> -> memref<128xf32, #tpu.memory_space<hbm>>
    tpu.enqueue_dma source(%dma_start3A_1218 : memref<128xf32, #tpu.memory_space<hbm>>) target(%dma_start3A_1216 : memref<128xf32, #tpu.memory_space<vmem>>) target_semaphore(%arg8 : memref<!tpu.dma_semaphore, #tpu.memory_space<semaphore_mem>>)
    %slice3A_1219 = vector.extract_strided_slice %get3A_840 {offsets = [9], sizes = [1], strides = [1]} : vector<16xi32> to vector<1xi32>
    %squeeze3A_1220 = vector.extract %slice3A_1219[0] : i32 from vector<1xi32>
    %jit3A_1221 = arith.constant 128 : i32
    %div3A_1222 = arith.divsi %squeeze3A_1220, %jit3A_1221 : i32
    %sign3A_1223 = arith.constant 0 : i32
    %sign3A_1224 = arith.cmpi sgt, %squeeze3A_1220, %sign3A_1223 : i32
    %sign3A_1225 = arith.extui %sign3A_1224 : i1 to i32
    %sign3A_1226 = arith.constant 0 : i32
    %sign3A_1227 = arith.cmpi slt, %squeeze3A_1220, %sign3A_1226 : i32
    %sign3A_1228 = arith.extui %sign3A_1227 : i1 to i32
    %sign3A_1229 = arith.subi %sign3A_1225, %sign3A_1228 : i32
    %sign3A_1230 = arith.constant 0 : i32
    %sign3A_1231 = arith.cmpi sgt, %jit3A_1221, %sign3A_1230 : i32
    %sign3A_1232 = arith.extui %sign3A_1231 : i1 to i32
    %sign3A_1233 = arith.constant 0 : i32
    %sign3A_1234 = arith.cmpi slt, %jit3A_1221, %sign3A_1233 : i32
    %sign3A_1235 = arith.extui %sign3A_1234 : i1 to i32
    %sign3A_1236 = arith.subi %sign3A_1232, %sign3A_1235 : i32
    %ne3A_1237 = arith.cmpi ne, %sign3A_1229, %sign3A_1236 : i32
    %rem3A_1238 = arith.remsi %squeeze3A_1220, %jit3A_1221 : i32
    %ne3A_1239 = arith.constant 0 : i32
    %ne3A_1240 = arith.cmpi ne, %rem3A_1238, %ne3A_1239 : i32
    %and3A_1241 = arith.andi %ne3A_1237, %ne3A_1240 : i1
    %sub3A_1242 = arith.constant 1 : i32
    %sub3A_1243 = arith.subi %div3A_1222, %sub3A_1242 : i32
    %select_n3A_1244 = arith.select %and3A_1241, %sub3A_1243, %div3A_1222 : i32
    %mul3A_1245 = arith.constant 128 : i32
    %mul3A_1246 = arith.muli %select_n3A_1244, %mul3A_1245 : i32
    %multiple_of3A_1247 = tpu.assume_multiple %mul3A_1246, 128 : i32
    %add3A_1248 = arith.constant 25 : i32
    %add3A_1249 = arith.addi %mul3A_2, %add3A_1248 : i32
    %dma_start3A_1250 = arith.constant 25 : i32
    %dma_start3A_1251 = arith.constant 0 : i32
    %dma_start3A_1252 = tpu.memref_slice %arg6[%dma_start3A_1250, %dma_start3A_1251] : memref<32x128xf32, #tpu.memory_space<vmem>> -> memref<1x128xf32, #tpu.memory_space<vmem>>
    %dma_start3A_1253 = tpu.memref_squeeze %dma_start3A_1252 : memref<1x128xf32, #tpu.memory_space<vmem>> -> memref<128xf32, #tpu.memory_space<vmem>>
    %dma_start3A_1254 = tpu.memref_slice %arg2[%add3A_1249, %multiple_of3A_1247] : memref<1024x100000xf32, #tpu.memory_space<hbm>> -> memref<1x128xf32, #tpu.memory_space<hbm>>
    %dma_start3A_1255 = tpu.memref_squeeze %dma_start3A_1254 : memref<1x128xf32, #tpu.memory_space<hbm>> -> memref<128xf32, #tpu.memory_space<hbm>>
    %dma_start3A_1256 = arith.constant 0 : i32
    %dma_start3A_1257 = tpu.memref_slice %arg6[%dma_start3A_1250, %dma_start3A_1256] : memref<32x128xf32, #tpu.memory_space<vmem>> -> memref<1x128xf32, #tpu.memory_space<vmem>>
    %dma_start3A_1258 = tpu.memref_squeeze %dma_start3A_1257 : memref<1x128xf32, #tpu.memory_space<vmem>> -> memref<128xf32, #tpu.memory_space<vmem>>
    %dma_start3A_1259 = tpu.memref_slice %arg2[%add3A_1249, %multiple_of3A_1247] : memref<1024x100000xf32, #tpu.memory_space<hbm>> -> memref<1x128xf32, #tpu.memory_space<hbm>>
    %dma_start3A_1260 = tpu.memref_squeeze %dma_start3A_1259 : memref<1x128xf32, #tpu.memory_space<hbm>> -> memref<128xf32, #tpu.memory_space<hbm>>
    tpu.enqueue_dma source(%dma_start3A_1260 : memref<128xf32, #tpu.memory_space<hbm>>) target(%dma_start3A_1258 : memref<128xf32, #tpu.memory_space<vmem>>) target_semaphore(%arg8 : memref<!tpu.dma_semaphore, #tpu.memory_space<semaphore_mem>>)
    %slice3A_1261 = vector.extract_strided_slice %get3A_840 {offsets = [10], sizes = [1], strides = [1]} : vector<16xi32> to vector<1xi32>
    %squeeze3A_1262 = vector.extract %slice3A_1261[0] : i32 from vector<1xi32>
    %jit3A_1263 = arith.constant 128 : i32
    %div3A_1264 = arith.divsi %squeeze3A_1262, %jit3A_1263 : i32
    %sign3A_1265 = arith.constant 0 : i32
    %sign3A_1266 = arith.cmpi sgt, %squeeze3A_1262, %sign3A_1265 : i32
    %sign3A_1267 = arith.extui %sign3A_1266 : i1 to i32
    %sign3A_1268 = arith.constant 0 : i32
    %sign3A_1269 = arith.cmpi slt, %squeeze3A_1262, %sign3A_1268 : i32
    %sign3A_1270 = arith.extui %sign3A_1269 : i1 to i32
    %sign3A_1271 = arith.subi %sign3A_1267, %sign3A_1270 : i32
    %sign3A_1272 = arith.constant 0 : i32
    %sign3A_1273 = arith.cmpi sgt, %jit3A_1263, %sign3A_1272 : i32
    %sign3A_1274 = arith.extui %sign3A_1273 : i1 to i32
    %sign3A_1275 = arith.constant 0 : i32
    %sign3A_1276 = arith.cmpi slt, %jit3A_1263, %sign3A_1275 : i32
    %sign3A_1277 = arith.extui %sign3A_1276 : i1 to i32
    %sign3A_1278 = arith.subi %sign3A_1274, %sign3A_1277 : i32
    %ne3A_1279 = arith.cmpi ne, %sign3A_1271, %sign3A_1278 : i32
    %rem3A_1280 = arith.remsi %squeeze3A_1262, %jit3A_1263 : i32
    %ne3A_1281 = arith.constant 0 : i32
    %ne3A_1282 = arith.cmpi ne, %rem3A_1280, %ne3A_1281 : i32
    %and3A_1283 = arith.andi %ne3A_1279, %ne3A_1282 : i1
    %sub3A_1284 = arith.constant 1 : i32
    %sub3A_1285 = arith.subi %div3A_1264, %sub3A_1284 : i32
    %select_n3A_1286 = arith.select %and3A_1283, %sub3A_1285, %div3A_1264 : i32
    %mul3A_1287 = arith.constant 128 : i32
    %mul3A_1288 = arith.muli %select_n3A_1286, %mul3A_1287 : i32
    %multiple_of3A_1289 = tpu.assume_multiple %mul3A_1288, 128 : i32
    %add3A_1290 = arith.constant 26 : i32
    %add3A_1291 = arith.addi %mul3A_2, %add3A_1290 : i32
    %dma_start3A_1292 = arith.constant 26 : i32
    %dma_start3A_1293 = arith.constant 0 : i32
    %dma_start3A_1294 = tpu.memref_slice %arg6[%dma_start3A_1292, %dma_start3A_1293] : memref<32x128xf32, #tpu.memory_space<vmem>> -> memref<1x128xf32, #tpu.memory_space<vmem>>
    %dma_start3A_1295 = tpu.memref_squeeze %dma_start3A_1294 : memref<1x128xf32, #tpu.memory_space<vmem>> -> memref<128xf32, #tpu.memory_space<vmem>>
    %dma_start3A_1296 = tpu.memref_slice %arg2[%add3A_1291, %multiple_of3A_1289] : memref<1024x100000xf32, #tpu.memory_space<hbm>> -> memref<1x128xf32, #tpu.memory_space<hbm>>
    %dma_start3A_1297 = tpu.memref_squeeze %dma_start3A_1296 : memref<1x128xf32, #tpu.memory_space<hbm>> -> memref<128xf32, #tpu.memory_space<hbm>>
    %dma_start3A_1298 = arith.constant 0 : i32
    %dma_start3A_1299 = tpu.memref_slice %arg6[%dma_start3A_1292, %dma_start3A_1298] : memref<32x128xf32, #tpu.memory_space<vmem>> -> memref<1x128xf32, #tpu.memory_space<vmem>>
    %dma_start3A_1300 = tpu.memref_squeeze %dma_start3A_1299 : memref<1x128xf32, #tpu.memory_space<vmem>> -> memref<128xf32, #tpu.memory_space<vmem>>
    %dma_start3A_1301 = tpu.memref_slice %arg2[%add3A_1291, %multiple_of3A_1289] : memref<1024x100000xf32, #tpu.memory_space<hbm>> -> memref<1x128xf32, #tpu.memory_space<hbm>>
    %dma_start3A_1302 = tpu.memref_squeeze %dma_start3A_1301 : memref<1x128xf32, #tpu.memory_space<hbm>> -> memref<128xf32, #tpu.memory_space<hbm>>
    tpu.enqueue_dma source(%dma_start3A_1302 : memref<128xf32, #tpu.memory_space<hbm>>) target(%dma_start3A_1300 : memref<128xf32, #tpu.memory_space<vmem>>) target_semaphore(%arg8 : memref<!tpu.dma_semaphore, #tpu.memory_space<semaphore_mem>>)
    %slice3A_1303 = vector.extract_strided_slice %get3A_840 {offsets = [11], sizes = [1], strides = [1]} : vector<16xi32> to vector<1xi32>
    %squeeze3A_1304 = vector.extract %slice3A_1303[0] : i32 from vector<1xi32>
    %jit3A_1305 = arith.constant 128 : i32
    %div3A_1306 = arith.divsi %squeeze3A_1304, %jit3A_1305 : i32
    %sign3A_1307 = arith.constant 0 : i32
    %sign3A_1308 = arith.cmpi sgt, %squeeze3A_1304, %sign3A_1307 : i32
    %sign3A_1309 = arith.extui %sign3A_1308 : i1 to i32
    %sign3A_1310 = arith.constant 0 : i32
    %sign3A_1311 = arith.cmpi slt, %squeeze3A_1304, %sign3A_1310 : i32
    %sign3A_1312 = arith.extui %sign3A_1311 : i1 to i32
    %sign3A_1313 = arith.subi %sign3A_1309, %sign3A_1312 : i32
    %sign3A_1314 = arith.constant 0 : i32
    %sign3A_1315 = arith.cmpi sgt, %jit3A_1305, %sign3A_1314 : i32
    %sign3A_1316 = arith.extui %sign3A_1315 : i1 to i32
    %sign3A_1317 = arith.constant 0 : i32
    %sign3A_1318 = arith.cmpi slt, %jit3A_1305, %sign3A_1317 : i32
    %sign3A_1319 = arith.extui %sign3A_1318 : i1 to i32
    %sign3A_1320 = arith.subi %sign3A_1316, %sign3A_1319 : i32
    %ne3A_1321 = arith.cmpi ne, %sign3A_1313, %sign3A_1320 : i32
    %rem3A_1322 = arith.remsi %squeeze3A_1304, %jit3A_1305 : i32
    %ne3A_1323 = arith.constant 0 : i32
    %ne3A_1324 = arith.cmpi ne, %rem3A_1322, %ne3A_1323 : i32
    %and3A_1325 = arith.andi %ne3A_1321, %ne3A_1324 : i1
    %sub3A_1326 = arith.constant 1 : i32
    %sub3A_1327 = arith.subi %div3A_1306, %sub3A_1326 : i32
    %select_n3A_1328 = arith.select %and3A_1325, %sub3A_1327, %div3A_1306 : i32
    %mul3A_1329 = arith.constant 128 : i32
    %mul3A_1330 = arith.muli %select_n3A_1328, %mul3A_1329 : i32
    %multiple_of3A_1331 = tpu.assume_multiple %mul3A_1330, 128 : i32
    %add3A_1332 = arith.constant 27 : i32
    %add3A_1333 = arith.addi %mul3A_2, %add3A_1332 : i32
    %dma_start3A_1334 = arith.constant 27 : i32
    %dma_start3A_1335 = arith.constant 0 : i32
    %dma_start3A_1336 = tpu.memref_slice %arg6[%dma_start3A_1334, %dma_start3A_1335] : memref<32x128xf32, #tpu.memory_space<vmem>> -> memref<1x128xf32, #tpu.memory_space<vmem>>
    %dma_start3A_1337 = tpu.memref_squeeze %dma_start3A_1336 : memref<1x128xf32, #tpu.memory_space<vmem>> -> memref<128xf32, #tpu.memory_space<vmem>>
    %dma_start3A_1338 = tpu.memref_slice %arg2[%add3A_1333, %multiple_of3A_1331] : memref<1024x100000xf32, #tpu.memory_space<hbm>> -> memref<1x128xf32, #tpu.memory_space<hbm>>
    %dma_start3A_1339 = tpu.memref_squeeze %dma_start3A_1338 : memref<1x128xf32, #tpu.memory_space<hbm>> -> memref<128xf32, #tpu.memory_space<hbm>>
    %dma_start3A_1340 = arith.constant 0 : i32
    %dma_start3A_1341 = tpu.memref_slice %arg6[%dma_start3A_1334, %dma_start3A_1340] : memref<32x128xf32, #tpu.memory_space<vmem>> -> memref<1x128xf32, #tpu.memory_space<vmem>>
    %dma_start3A_1342 = tpu.memref_squeeze %dma_start3A_1341 : memref<1x128xf32, #tpu.memory_space<vmem>> -> memref<128xf32, #tpu.memory_space<vmem>>
    %dma_start3A_1343 = tpu.memref_slice %arg2[%add3A_1333, %multiple_of3A_1331] : memref<1024x100000xf32, #tpu.memory_space<hbm>> -> memref<1x128xf32, #tpu.memory_space<hbm>>
    %dma_start3A_1344 = tpu.memref_squeeze %dma_start3A_1343 : memref<1x128xf32, #tpu.memory_space<hbm>> -> memref<128xf32, #tpu.memory_space<hbm>>
    tpu.enqueue_dma source(%dma_start3A_1344 : memref<128xf32, #tpu.memory_space<hbm>>) target(%dma_start3A_1342 : memref<128xf32, #tpu.memory_space<vmem>>) target_semaphore(%arg8 : memref<!tpu.dma_semaphore, #tpu.memory_space<semaphore_mem>>)
    %slice3A_1345 = vector.extract_strided_slice %get3A_840 {offsets = [12], sizes = [1], strides = [1]} : vector<16xi32> to vector<1xi32>
    %squeeze3A_1346 = vector.extract %slice3A_1345[0] : i32 from vector<1xi32>
    %jit3A_1347 = arith.constant 128 : i32
    %div3A_1348 = arith.divsi %squeeze3A_1346, %jit3A_1347 : i32
    %sign3A_1349 = arith.constant 0 : i32
    %sign3A_1350 = arith.cmpi sgt, %squeeze3A_1346, %sign3A_1349 : i32
    %sign3A_1351 = arith.extui %sign3A_1350 : i1 to i32
    %sign3A_1352 = arith.constant 0 : i32
    %sign3A_1353 = arith.cmpi slt, %squeeze3A_1346, %sign3A_1352 : i32
    %sign3A_1354 = arith.extui %sign3A_1353 : i1 to i32
    %sign3A_1355 = arith.subi %sign3A_1351, %sign3A_1354 : i32
    %sign3A_1356 = arith.constant 0 : i32
    %sign3A_1357 = arith.cmpi sgt, %jit3A_1347, %sign3A_1356 : i32
    %sign3A_1358 = arith.extui %sign3A_1357 : i1 to i32
    %sign3A_1359 = arith.constant 0 : i32
    %sign3A_1360 = arith.cmpi slt, %jit3A_1347, %sign3A_1359 : i32
    %sign3A_1361 = arith.extui %sign3A_1360 : i1 to i32
    %sign3A_1362 = arith.subi %sign3A_1358, %sign3A_1361 : i32
    %ne3A_1363 = arith.cmpi ne, %sign3A_1355, %sign3A_1362 : i32
    %rem3A_1364 = arith.remsi %squeeze3A_1346, %jit3A_1347 : i32
    %ne3A_1365 = arith.constant 0 : i32
    %ne3A_1366 = arith.cmpi ne, %rem3A_1364, %ne3A_1365 : i32
    %and3A_1367 = arith.andi %ne3A_1363, %ne3A_1366 : i1
    %sub3A_1368 = arith.constant 1 : i32
    %sub3A_1369 = arith.subi %div3A_1348, %sub3A_1368 : i32
    %select_n3A_1370 = arith.select %and3A_1367, %sub3A_1369, %div3A_1348 : i32
    %mul3A_1371 = arith.constant 128 : i32
    %mul3A_1372 = arith.muli %select_n3A_1370, %mul3A_1371 : i32
    %multiple_of3A_1373 = tpu.assume_multiple %mul3A_1372, 128 : i32
    %add3A_1374 = arith.constant 28 : i32
    %add3A_1375 = arith.addi %mul3A_2, %add3A_1374 : i32
    %dma_start3A_1376 = arith.constant 28 : i32
    %dma_start3A_1377 = arith.constant 0 : i32
    %dma_start3A_1378 = tpu.memref_slice %arg6[%dma_start3A_1376, %dma_start3A_1377] : memref<32x128xf32, #tpu.memory_space<vmem>> -> memref<1x128xf32, #tpu.memory_space<vmem>>
    %dma_start3A_1379 = tpu.memref_squeeze %dma_start3A_1378 : memref<1x128xf32, #tpu.memory_space<vmem>> -> memref<128xf32, #tpu.memory_space<vmem>>
    %dma_start3A_1380 = tpu.memref_slice %arg2[%add3A_1375, %multiple_of3A_1373] : memref<1024x100000xf32, #tpu.memory_space<hbm>> -> memref<1x128xf32, #tpu.memory_space<hbm>>
    %dma_start3A_1381 = tpu.memref_squeeze %dma_start3A_1380 : memref<1x128xf32, #tpu.memory_space<hbm>> -> memref<128xf32, #tpu.memory_space<hbm>>
    %dma_start3A_1382 = arith.constant 0 : i32
    %dma_start3A_1383 = tpu.memref_slice %arg6[%dma_start3A_1376, %dma_start3A_1382] : memref<32x128xf32, #tpu.memory_space<vmem>> -> memref<1x128xf32, #tpu.memory_space<vmem>>
    %dma_start3A_1384 = tpu.memref_squeeze %dma_start3A_1383 : memref<1x128xf32, #tpu.memory_space<vmem>> -> memref<128xf32, #tpu.memory_space<vmem>>
    %dma_start3A_1385 = tpu.memref_slice %arg2[%add3A_1375, %multiple_of3A_1373] : memref<1024x100000xf32, #tpu.memory_space<hbm>> -> memref<1x128xf32, #tpu.memory_space<hbm>>
    %dma_start3A_1386 = tpu.memref_squeeze %dma_start3A_1385 : memref<1x128xf32, #tpu.memory_space<hbm>> -> memref<128xf32, #tpu.memory_space<hbm>>
    tpu.enqueue_dma source(%dma_start3A_1386 : memref<128xf32, #tpu.memory_space<hbm>>) target(%dma_start3A_1384 : memref<128xf32, #tpu.memory_space<vmem>>) target_semaphore(%arg8 : memref<!tpu.dma_semaphore, #tpu.memory_space<semaphore_mem>>)
    %slice3A_1387 = vector.extract_strided_slice %get3A_840 {offsets = [13], sizes = [1], strides = [1]} : vector<16xi32> to vector<1xi32>
    %squeeze3A_1388 = vector.extract %slice3A_1387[0] : i32 from vector<1xi32>
    %jit3A_1389 = arith.constant 128 : i32
    %div3A_1390 = arith.divsi %squeeze3A_1388, %jit3A_1389 : i32
    %sign3A_1391 = arith.constant 0 : i32
    %sign3A_1392 = arith.cmpi sgt, %squeeze3A_1388, %sign3A_1391 : i32
    %sign3A_1393 = arith.extui %sign3A_1392 : i1 to i32
    %sign3A_1394 = arith.constant 0 : i32
    %sign3A_1395 = arith.cmpi slt, %squeeze3A_1388, %sign3A_1394 : i32
    %sign3A_1396 = arith.extui %sign3A_1395 : i1 to i32
    %sign3A_1397 = arith.subi %sign3A_1393, %sign3A_1396 : i32
    %sign3A_1398 = arith.constant 0 : i32
    %sign3A_1399 = arith.cmpi sgt, %jit3A_1389, %sign3A_1398 : i32
    %sign3A_1400 = arith.extui %sign3A_1399 : i1 to i32
    %sign3A_1401 = arith.constant 0 : i32
    %sign3A_1402 = arith.cmpi slt, %jit3A_1389, %sign3A_1401 : i32
    %sign3A_1403 = arith.extui %sign3A_1402 : i1 to i32
    %sign3A_1404 = arith.subi %sign3A_1400, %sign3A_1403 : i32
    %ne3A_1405 = arith.cmpi ne, %sign3A_1397, %sign3A_1404 : i32
    %rem3A_1406 = arith.remsi %squeeze3A_1388, %jit3A_1389 : i32
    %ne3A_1407 = arith.constant 0 : i32
    %ne3A_1408 = arith.cmpi ne, %rem3A_1406, %ne3A_1407 : i32
    %and3A_1409 = arith.andi %ne3A_1405, %ne3A_1408 : i1
    %sub3A_1410 = arith.constant 1 : i32
    %sub3A_1411 = arith.subi %div3A_1390, %sub3A_1410 : i32
    %select_n3A_1412 = arith.select %and3A_1409, %sub3A_1411, %div3A_1390 : i32
    %mul3A_1413 = arith.constant 128 : i32
    %mul3A_1414 = arith.muli %select_n3A_1412, %mul3A_1413 : i32
    %multiple_of3A_1415 = tpu.assume_multiple %mul3A_1414, 128 : i32
    %add3A_1416 = arith.constant 29 : i32
    %add3A_1417 = arith.addi %mul3A_2, %add3A_1416 : i32
    %dma_start3A_1418 = arith.constant 29 : i32
    %dma_start3A_1419 = arith.constant 0 : i32
    %dma_start3A_1420 = tpu.memref_slice %arg6[%dma_start3A_1418, %dma_start3A_1419] : memref<32x128xf32, #tpu.memory_space<vmem>> -> memref<1x128xf32, #tpu.memory_space<vmem>>
    %dma_start3A_1421 = tpu.memref_squeeze %dma_start3A_1420 : memref<1x128xf32, #tpu.memory_space<vmem>> -> memref<128xf32, #tpu.memory_space<vmem>>
    %dma_start3A_1422 = tpu.memref_slice %arg2[%add3A_1417, %multiple_of3A_1415] : memref<1024x100000xf32, #tpu.memory_space<hbm>> -> memref<1x128xf32, #tpu.memory_space<hbm>>
    %dma_start3A_1423 = tpu.memref_squeeze %dma_start3A_1422 : memref<1x128xf32, #tpu.memory_space<hbm>> -> memref<128xf32, #tpu.memory_space<hbm>>
    %dma_start3A_1424 = arith.constant 0 : i32
    %dma_start3A_1425 = tpu.memref_slice %arg6[%dma_start3A_1418, %dma_start3A_1424] : memref<32x128xf32, #tpu.memory_space<vmem>> -> memref<1x128xf32, #tpu.memory_space<vmem>>
    %dma_start3A_1426 = tpu.memref_squeeze %dma_start3A_1425 : memref<1x128xf32, #tpu.memory_space<vmem>> -> memref<128xf32, #tpu.memory_space<vmem>>
    %dma_start3A_1427 = tpu.memref_slice %arg2[%add3A_1417, %multiple_of3A_1415] : memref<1024x100000xf32, #tpu.memory_space<hbm>> -> memref<1x128xf32, #tpu.memory_space<hbm>>
    %dma_start3A_1428 = tpu.memref_squeeze %dma_start3A_1427 : memref<1x128xf32, #tpu.memory_space<hbm>> -> memref<128xf32, #tpu.memory_space<hbm>>
    tpu.enqueue_dma source(%dma_start3A_1428 : memref<128xf32, #tpu.memory_space<hbm>>) target(%dma_start3A_1426 : memref<128xf32, #tpu.memory_space<vmem>>) target_semaphore(%arg8 : memref<!tpu.dma_semaphore, #tpu.memory_space<semaphore_mem>>)
    %slice3A_1429 = vector.extract_strided_slice %get3A_840 {offsets = [14], sizes = [1], strides = [1]} : vector<16xi32> to vector<1xi32>
    %squeeze3A_1430 = vector.extract %slice3A_1429[0] : i32 from vector<1xi32>
    %jit3A_1431 = arith.constant 128 : i32
    %div3A_1432 = arith.divsi %squeeze3A_1430, %jit3A_1431 : i32
    %sign3A_1433 = arith.constant 0 : i32
    %sign3A_1434 = arith.cmpi sgt, %squeeze3A_1430, %sign3A_1433 : i32
    %sign3A_1435 = arith.extui %sign3A_1434 : i1 to i32
    %sign3A_1436 = arith.constant 0 : i32
    %sign3A_1437 = arith.cmpi slt, %squeeze3A_1430, %sign3A_1436 : i32
    %sign3A_1438 = arith.extui %sign3A_1437 : i1 to i32
    %sign3A_1439 = arith.subi %sign3A_1435, %sign3A_1438 : i32
    %sign3A_1440 = arith.constant 0 : i32
    %sign3A_1441 = arith.cmpi sgt, %jit3A_1431, %sign3A_1440 : i32
    %sign3A_1442 = arith.extui %sign3A_1441 : i1 to i32
    %sign3A_1443 = arith.constant 0 : i32
    %sign3A_1444 = arith.cmpi slt, %jit3A_1431, %sign3A_1443 : i32
    %sign3A_1445 = arith.extui %sign3A_1444 : i1 to i32
    %sign3A_1446 = arith.subi %sign3A_1442, %sign3A_1445 : i32
    %ne3A_1447 = arith.cmpi ne, %sign3A_1439, %sign3A_1446 : i32
    %rem3A_1448 = arith.remsi %squeeze3A_1430, %jit3A_1431 : i32
    %ne3A_1449 = arith.constant 0 : i32
    %ne3A_1450 = arith.cmpi ne, %rem3A_1448, %ne3A_1449 : i32
    %and3A_1451 = arith.andi %ne3A_1447, %ne3A_1450 : i1
    %sub3A_1452 = arith.constant 1 : i32
    %sub3A_1453 = arith.subi %div3A_1432, %sub3A_1452 : i32
    %select_n3A_1454 = arith.select %and3A_1451, %sub3A_1453, %div3A_1432 : i32
    %mul3A_1455 = arith.constant 128 : i32
    %mul3A_1456 = arith.muli %select_n3A_1454, %mul3A_1455 : i32
    %multiple_of3A_1457 = tpu.assume_multiple %mul3A_1456, 128 : i32
    %add3A_1458 = arith.constant 30 : i32
    %add3A_1459 = arith.addi %mul3A_2, %add3A_1458 : i32
    %dma_start3A_1460 = arith.constant 30 : i32
    %dma_start3A_1461 = arith.constant 0 : i32
    %dma_start3A_1462 = tpu.memref_slice %arg6[%dma_start3A_1460, %dma_start3A_1461] : memref<32x128xf32, #tpu.memory_space<vmem>> -> memref<1x128xf32, #tpu.memory_space<vmem>>
    %dma_start3A_1463 = tpu.memref_squeeze %dma_start3A_1462 : memref<1x128xf32, #tpu.memory_space<vmem>> -> memref<128xf32, #tpu.memory_space<vmem>>
    %dma_start3A_1464 = tpu.memref_slice %arg2[%add3A_1459, %multiple_of3A_1457] : memref<1024x100000xf32, #tpu.memory_space<hbm>> -> memref<1x128xf32, #tpu.memory_space<hbm>>
    %dma_start3A_1465 = tpu.memref_squeeze %dma_start3A_1464 : memref<1x128xf32, #tpu.memory_space<hbm>> -> memref<128xf32, #tpu.memory_space<hbm>>
    %dma_start3A_1466 = arith.constant 0 : i32
    %dma_start3A_1467 = tpu.memref_slice %arg6[%dma_start3A_1460, %dma_start3A_1466] : memref<32x128xf32, #tpu.memory_space<vmem>> -> memref<1x128xf32, #tpu.memory_space<vmem>>
    %dma_start3A_1468 = tpu.memref_squeeze %dma_start3A_1467 : memref<1x128xf32, #tpu.memory_space<vmem>> -> memref<128xf32, #tpu.memory_space<vmem>>
    %dma_start3A_1469 = tpu.memref_slice %arg2[%add3A_1459, %multiple_of3A_1457] : memref<1024x100000xf32, #tpu.memory_space<hbm>> -> memref<1x128xf32, #tpu.memory_space<hbm>>
    %dma_start3A_1470 = tpu.memref_squeeze %dma_start3A_1469 : memref<1x128xf32, #tpu.memory_space<hbm>> -> memref<128xf32, #tpu.memory_space<hbm>>
    tpu.enqueue_dma source(%dma_start3A_1470 : memref<128xf32, #tpu.memory_space<hbm>>) target(%dma_start3A_1468 : memref<128xf32, #tpu.memory_space<vmem>>) target_semaphore(%arg8 : memref<!tpu.dma_semaphore, #tpu.memory_space<semaphore_mem>>)
    %slice3A_1471 = vector.extract_strided_slice %get3A_840 {offsets = [15], sizes = [1], strides = [1]} : vector<16xi32> to vector<1xi32>
    %squeeze3A_1472 = vector.extract %slice3A_1471[0] : i32 from vector<1xi32>
    %jit3A_1473 = arith.constant 128 : i32
    %div3A_1474 = arith.divsi %squeeze3A_1472, %jit3A_1473 : i32
    %sign3A_1475 = arith.constant 0 : i32
    %sign3A_1476 = arith.cmpi sgt, %squeeze3A_1472, %sign3A_1475 : i32
    %sign3A_1477 = arith.extui %sign3A_1476 : i1 to i32
    %sign3A_1478 = arith.constant 0 : i32
    %sign3A_1479 = arith.cmpi slt, %squeeze3A_1472, %sign3A_1478 : i32
    %sign3A_1480 = arith.extui %sign3A_1479 : i1 to i32
    %sign3A_1481 = arith.subi %sign3A_1477, %sign3A_1480 : i32
    %sign3A_1482 = arith.constant 0 : i32
    %sign3A_1483 = arith.cmpi sgt, %jit3A_1473, %sign3A_1482 : i32
    %sign3A_1484 = arith.extui %sign3A_1483 : i1 to i32
    %sign3A_1485 = arith.constant 0 : i32
    %sign3A_1486 = arith.cmpi slt, %jit3A_1473, %sign3A_1485 : i32
    %sign3A_1487 = arith.extui %sign3A_1486 : i1 to i32
    %sign3A_1488 = arith.subi %sign3A_1484, %sign3A_1487 : i32
    %ne3A_1489 = arith.cmpi ne, %sign3A_1481, %sign3A_1488 : i32
    %rem3A_1490 = arith.remsi %squeeze3A_1472, %jit3A_1473 : i32
    %ne3A_1491 = arith.constant 0 : i32
    %ne3A_1492 = arith.cmpi ne, %rem3A_1490, %ne3A_1491 : i32
    %and3A_1493 = arith.andi %ne3A_1489, %ne3A_1492 : i1
    %sub3A_1494 = arith.constant 1 : i32
    %sub3A_1495 = arith.subi %div3A_1474, %sub3A_1494 : i32
    %select_n3A_1496 = arith.select %and3A_1493, %sub3A_1495, %div3A_1474 : i32
    %mul3A_1497 = arith.constant 128 : i32
    %mul3A_1498 = arith.muli %select_n3A_1496, %mul3A_1497 : i32
    %multiple_of3A_1499 = tpu.assume_multiple %mul3A_1498, 128 : i32
    %add3A_1500 = arith.constant 31 : i32
    %add3A_1501 = arith.addi %mul3A_2, %add3A_1500 : i32
    %dma_start3A_1502 = arith.constant 31 : i32
    %dma_start3A_1503 = arith.constant 0 : i32
    %dma_start3A_1504 = tpu.memref_slice %arg6[%dma_start3A_1502, %dma_start3A_1503] : memref<32x128xf32, #tpu.memory_space<vmem>> -> memref<1x128xf32, #tpu.memory_space<vmem>>
    %dma_start3A_1505 = tpu.memref_squeeze %dma_start3A_1504 : memref<1x128xf32, #tpu.memory_space<vmem>> -> memref<128xf32, #tpu.memory_space<vmem>>
    %dma_start3A_1506 = tpu.memref_slice %arg2[%add3A_1501, %multiple_of3A_1499] : memref<1024x100000xf32, #tpu.memory_space<hbm>> -> memref<1x128xf32, #tpu.memory_space<hbm>>
    %dma_start3A_1507 = tpu.memref_squeeze %dma_start3A_1506 : memref<1x128xf32, #tpu.memory_space<hbm>> -> memref<128xf32, #tpu.memory_space<hbm>>
    %dma_start3A_1508 = arith.constant 0 : i32
    %dma_start3A_1509 = tpu.memref_slice %arg6[%dma_start3A_1502, %dma_start3A_1508] : memref<32x128xf32, #tpu.memory_space<vmem>> -> memref<1x128xf32, #tpu.memory_space<vmem>>
    %dma_start3A_1510 = tpu.memref_squeeze %dma_start3A_1509 : memref<1x128xf32, #tpu.memory_space<vmem>> -> memref<128xf32, #tpu.memory_space<vmem>>
    %dma_start3A_1511 = tpu.memref_slice %arg2[%add3A_1501, %multiple_of3A_1499] : memref<1024x100000xf32, #tpu.memory_space<hbm>> -> memref<1x128xf32, #tpu.memory_space<hbm>>
    %dma_start3A_1512 = tpu.memref_squeeze %dma_start3A_1511 : memref<1x128xf32, #tpu.memory_space<hbm>> -> memref<128xf32, #tpu.memory_space<hbm>>
    tpu.enqueue_dma source(%dma_start3A_1512 : memref<128xf32, #tpu.memory_space<hbm>>) target(%dma_start3A_1510 : memref<128xf32, #tpu.memory_space<vmem>>) target_semaphore(%arg8 : memref<!tpu.dma_semaphore, #tpu.memory_space<semaphore_mem>>)
    %dma_wait3A_1513 = arith.constant 16 : i32
    %dma_wait3A_1514 = arith.constant 0 : i32
    %dma_wait3A_1515 = tpu.memref_slice %arg6[%dma_wait3A_1513, %dma_wait3A_1514] : memref<32x128xf32, #tpu.memory_space<vmem>> -> memref<1x128xf32, #tpu.memory_space<vmem>>
    %dma_wait3A_1516 = tpu.memref_squeeze %dma_wait3A_1515 : memref<1x128xf32, #tpu.memory_space<vmem>> -> memref<128xf32, #tpu.memory_space<vmem>>
    %dma_wait3A_1517 = tpu.memref_slice %arg2[%add3A_871, %multiple_of3A_869] : memref<1024x100000xf32, #tpu.memory_space<hbm>> -> memref<1x128xf32, #tpu.memory_space<hbm>>
    %dma_wait3A_1518 = tpu.memref_squeeze %dma_wait3A_1517 : memref<1x128xf32, #tpu.memory_space<hbm>> -> memref<128xf32, #tpu.memory_space<hbm>>
    %dma_wait3A_1519 = arith.constant 0 : i32
    %dma_wait3A_1520 = tpu.memref_slice %arg6[%dma_wait3A_1513, %dma_wait3A_1519] : memref<32x128xf32, #tpu.memory_space<vmem>> -> memref<1x128xf32, #tpu.memory_space<vmem>>
    %dma_wait3A_1521 = tpu.memref_squeeze %dma_wait3A_1520 : memref<1x128xf32, #tpu.memory_space<vmem>> -> memref<128xf32, #tpu.memory_space<vmem>>
    %dma_wait3A_1522 = tpu.memref_slice %arg2[%add3A_871, %multiple_of3A_869] : memref<1024x100000xf32, #tpu.memory_space<hbm>> -> memref<1x128xf32, #tpu.memory_space<hbm>>
    %dma_wait3A_1523 = tpu.memref_squeeze %dma_wait3A_1522 : memref<1x128xf32, #tpu.memory_space<hbm>> -> memref<128xf32, #tpu.memory_space<hbm>>
    tpu.wait_dma2 semaphore(%arg8 : memref<!tpu.dma_semaphore, #tpu.memory_space<semaphore_mem>>) src(%dma_wait3A_1523 : memref<128xf32, #tpu.memory_space<hbm>>) dst(%dma_wait3A_1521 : memref<128xf32, #tpu.memory_space<vmem>>)
    %dma_wait3A_1524 = arith.constant 17 : i32
    %dma_wait3A_1525 = arith.constant 0 : i32
    %dma_wait3A_1526 = tpu.memref_slice %arg6[%dma_wait3A_1524, %dma_wait3A_1525] : memref<32x128xf32, #tpu.memory_space<vmem>> -> memref<1x128xf32, #tpu.memory_space<vmem>>
    %dma_wait3A_1527 = tpu.memref_squeeze %dma_wait3A_1526 : memref<1x128xf32, #tpu.memory_space<vmem>> -> memref<128xf32, #tpu.memory_space<vmem>>
    %dma_wait3A_1528 = tpu.memref_slice %arg2[%add3A_913, %multiple_of3A_911] : memref<1024x100000xf32, #tpu.memory_space<hbm>> -> memref<1x128xf32, #tpu.memory_space<hbm>>
    %dma_wait3A_1529 = tpu.memref_squeeze %dma_wait3A_1528 : memref<1x128xf32, #tpu.memory_space<hbm>> -> memref<128xf32, #tpu.memory_space<hbm>>
    %dma_wait3A_1530 = arith.constant 0 : i32
    %dma_wait3A_1531 = tpu.memref_slice %arg6[%dma_wait3A_1524, %dma_wait3A_1530] : memref<32x128xf32, #tpu.memory_space<vmem>> -> memref<1x128xf32, #tpu.memory_space<vmem>>
    %dma_wait3A_1532 = tpu.memref_squeeze %dma_wait3A_1531 : memref<1x128xf32, #tpu.memory_space<vmem>> -> memref<128xf32, #tpu.memory_space<vmem>>
    %dma_wait3A_1533 = tpu.memref_slice %arg2[%add3A_913, %multiple_of3A_911] : memref<1024x100000xf32, #tpu.memory_space<hbm>> -> memref<1x128xf32, #tpu.memory_space<hbm>>
    %dma_wait3A_1534 = tpu.memref_squeeze %dma_wait3A_1533 : memref<1x128xf32, #tpu.memory_space<hbm>> -> memref<128xf32, #tpu.memory_space<hbm>>
    tpu.wait_dma2 semaphore(%arg8 : memref<!tpu.dma_semaphore, #tpu.memory_space<semaphore_mem>>) src(%dma_wait3A_1534 : memref<128xf32, #tpu.memory_space<hbm>>) dst(%dma_wait3A_1532 : memref<128xf32, #tpu.memory_space<vmem>>)
    %dma_wait3A_1535 = arith.constant 18 : i32
    %dma_wait3A_1536 = arith.constant 0 : i32
    %dma_wait3A_1537 = tpu.memref_slice %arg6[%dma_wait3A_1535, %dma_wait3A_1536] : memref<32x128xf32, #tpu.memory_space<vmem>> -> memref<1x128xf32, #tpu.memory_space<vmem>>
    %dma_wait3A_1538 = tpu.memref_squeeze %dma_wait3A_1537 : memref<1x128xf32, #tpu.memory_space<vmem>> -> memref<128xf32, #tpu.memory_space<vmem>>
    %dma_wait3A_1539 = tpu.memref_slice %arg2[%add3A_955, %multiple_of3A_953] : memref<1024x100000xf32, #tpu.memory_space<hbm>> -> memref<1x128xf32, #tpu.memory_space<hbm>>
    %dma_wait3A_1540 = tpu.memref_squeeze %dma_wait3A_1539 : memref<1x128xf32, #tpu.memory_space<hbm>> -> memref<128xf32, #tpu.memory_space<hbm>>
    %dma_wait3A_1541 = arith.constant 0 : i32
    %dma_wait3A_1542 = tpu.memref_slice %arg6[%dma_wait3A_1535, %dma_wait3A_1541] : memref<32x128xf32, #tpu.memory_space<vmem>> -> memref<1x128xf32, #tpu.memory_space<vmem>>
    %dma_wait3A_1543 = tpu.memref_squeeze %dma_wait3A_1542 : memref<1x128xf32, #tpu.memory_space<vmem>> -> memref<128xf32, #tpu.memory_space<vmem>>
    %dma_wait3A_1544 = tpu.memref_slice %arg2[%add3A_955, %multiple_of3A_953] : memref<1024x100000xf32, #tpu.memory_space<hbm>> -> memref<1x128xf32, #tpu.memory_space<hbm>>
    %dma_wait3A_1545 = tpu.memref_squeeze %dma_wait3A_1544 : memref<1x128xf32, #tpu.memory_space<hbm>> -> memref<128xf32, #tpu.memory_space<hbm>>
    tpu.wait_dma2 semaphore(%arg8 : memref<!tpu.dma_semaphore, #tpu.memory_space<semaphore_mem>>) src(%dma_wait3A_1545 : memref<128xf32, #tpu.memory_space<hbm>>) dst(%dma_wait3A_1543 : memref<128xf32, #tpu.memory_space<vmem>>)
    %dma_wait3A_1546 = arith.constant 19 : i32
    %dma_wait3A_1547 = arith.constant 0 : i32
    %dma_wait3A_1548 = tpu.memref_slice %arg6[%dma_wait3A_1546, %dma_wait3A_1547] : memref<32x128xf32, #tpu.memory_space<vmem>> -> memref<1x128xf32, #tpu.memory_space<vmem>>
    %dma_wait3A_1549 = tpu.memref_squeeze %dma_wait3A_1548 : memref<1x128xf32, #tpu.memory_space<vmem>> -> memref<128xf32, #tpu.memory_space<vmem>>
    %dma_wait3A_1550 = tpu.memref_slice %arg2[%add3A_997, %multiple_of3A_995] : memref<1024x100000xf32, #tpu.memory_space<hbm>> -> memref<1x128xf32, #tpu.memory_space<hbm>>
    %dma_wait3A_1551 = tpu.memref_squeeze %dma_wait3A_1550 : memref<1x128xf32, #tpu.memory_space<hbm>> -> memref<128xf32, #tpu.memory_space<hbm>>
    %dma_wait3A_1552 = arith.constant 0 : i32
    %dma_wait3A_1553 = tpu.memref_slice %arg6[%dma_wait3A_1546, %dma_wait3A_1552] : memref<32x128xf32, #tpu.memory_space<vmem>> -> memref<1x128xf32, #tpu.memory_space<vmem>>
    %dma_wait3A_1554 = tpu.memref_squeeze %dma_wait3A_1553 : memref<1x128xf32, #tpu.memory_space<vmem>> -> memref<128xf32, #tpu.memory_space<vmem>>
    %dma_wait3A_1555 = tpu.memref_slice %arg2[%add3A_997, %multiple_of3A_995] : memref<1024x100000xf32, #tpu.memory_space<hbm>> -> memref<1x128xf32, #tpu.memory_space<hbm>>
    %dma_wait3A_1556 = tpu.memref_squeeze %dma_wait3A_1555 : memref<1x128xf32, #tpu.memory_space<hbm>> -> memref<128xf32, #tpu.memory_space<hbm>>
    tpu.wait_dma2 semaphore(%arg8 : memref<!tpu.dma_semaphore, #tpu.memory_space<semaphore_mem>>) src(%dma_wait3A_1556 : memref<128xf32, #tpu.memory_space<hbm>>) dst(%dma_wait3A_1554 : memref<128xf32, #tpu.memory_space<vmem>>)
    %dma_wait3A_1557 = arith.constant 20 : i32
    %dma_wait3A_1558 = arith.constant 0 : i32
    %dma_wait3A_1559 = tpu.memref_slice %arg6[%dma_wait3A_1557, %dma_wait3A_1558] : memref<32x128xf32, #tpu.memory_space<vmem>> -> memref<1x128xf32, #tpu.memory_space<vmem>>
    %dma_wait3A_1560 = tpu.memref_squeeze %dma_wait3A_1559 : memref<1x128xf32, #tpu.memory_space<vmem>> -> memref<128xf32, #tpu.memory_space<vmem>>
    %dma_wait3A_1561 = tpu.memref_slice %arg2[%add3A_1039, %multiple_of3A_1037] : memref<1024x100000xf32, #tpu.memory_space<hbm>> -> memref<1x128xf32, #tpu.memory_space<hbm>>
    %dma_wait3A_1562 = tpu.memref_squeeze %dma_wait3A_1561 : memref<1x128xf32, #tpu.memory_space<hbm>> -> memref<128xf32, #tpu.memory_space<hbm>>
    %dma_wait3A_1563 = arith.constant 0 : i32
    %dma_wait3A_1564 = tpu.memref_slice %arg6[%dma_wait3A_1557, %dma_wait3A_1563] : memref<32x128xf32, #tpu.memory_space<vmem>> -> memref<1x128xf32, #tpu.memory_space<vmem>>
    %dma_wait3A_1565 = tpu.memref_squeeze %dma_wait3A_1564 : memref<1x128xf32, #tpu.memory_space<vmem>> -> memref<128xf32, #tpu.memory_space<vmem>>
    %dma_wait3A_1566 = tpu.memref_slice %arg2[%add3A_1039, %multiple_of3A_1037] : memref<1024x100000xf32, #tpu.memory_space<hbm>> -> memref<1x128xf32, #tpu.memory_space<hbm>>
    %dma_wait3A_1567 = tpu.memref_squeeze %dma_wait3A_1566 : memref<1x128xf32, #tpu.memory_space<hbm>> -> memref<128xf32, #tpu.memory_space<hbm>>
    tpu.wait_dma2 semaphore(%arg8 : memref<!tpu.dma_semaphore, #tpu.memory_space<semaphore_mem>>) src(%dma_wait3A_1567 : memref<128xf32, #tpu.memory_space<hbm>>) dst(%dma_wait3A_1565 : memref<128xf32, #tpu.memory_space<vmem>>)
    %dma_wait3A_1568 = arith.constant 21 : i32
    %dma_wait3A_1569 = arith.constant 0 : i32
    %dma_wait3A_1570 = tpu.memref_slice %arg6[%dma_wait3A_1568, %dma_wait3A_1569] : memref<32x128xf32, #tpu.memory_space<vmem>> -> memref<1x128xf32, #tpu.memory_space<vmem>>
    %dma_wait3A_1571 = tpu.memref_squeeze %dma_wait3A_1570 : memref<1x128xf32, #tpu.memory_space<vmem>> -> memref<128xf32, #tpu.memory_space<vmem>>
    %dma_wait3A_1572 = tpu.memref_slice %arg2[%add3A_1081, %multiple_of3A_1079] : memref<1024x100000xf32, #tpu.memory_space<hbm>> -> memref<1x128xf32, #tpu.memory_space<hbm>>
    %dma_wait3A_1573 = tpu.memref_squeeze %dma_wait3A_1572 : memref<1x128xf32, #tpu.memory_space<hbm>> -> memref<128xf32, #tpu.memory_space<hbm>>
    %dma_wait3A_1574 = arith.constant 0 : i32
    %dma_wait3A_1575 = tpu.memref_slice %arg6[%dma_wait3A_1568, %dma_wait3A_1574] : memref<32x128xf32, #tpu.memory_space<vmem>> -> memref<1x128xf32, #tpu.memory_space<vmem>>
    %dma_wait3A_1576 = tpu.memref_squeeze %dma_wait3A_1575 : memref<1x128xf32, #tpu.memory_space<vmem>> -> memref<128xf32, #tpu.memory_space<vmem>>
    %dma_wait3A_1577 = tpu.memref_slice %arg2[%add3A_1081, %multiple_of3A_1079] : memref<1024x100000xf32, #tpu.memory_space<hbm>> -> memref<1x128xf32, #tpu.memory_space<hbm>>
    %dma_wait3A_1578 = tpu.memref_squeeze %dma_wait3A_1577 : memref<1x128xf32, #tpu.memory_space<hbm>> -> memref<128xf32, #tpu.memory_space<hbm>>
    tpu.wait_dma2 semaphore(%arg8 : memref<!tpu.dma_semaphore, #tpu.memory_space<semaphore_mem>>) src(%dma_wait3A_1578 : memref<128xf32, #tpu.memory_space<hbm>>) dst(%dma_wait3A_1576 : memref<128xf32, #tpu.memory_space<vmem>>)
    %dma_wait3A_1579 = arith.constant 22 : i32
    %dma_wait3A_1580 = arith.constant 0 : i32
    %dma_wait3A_1581 = tpu.memref_slice %arg6[%dma_wait3A_1579, %dma_wait3A_1580] : memref<32x128xf32, #tpu.memory_space<vmem>> -> memref<1x128xf32, #tpu.memory_space<vmem>>
    %dma_wait3A_1582 = tpu.memref_squeeze %dma_wait3A_1581 : memref<1x128xf32, #tpu.memory_space<vmem>> -> memref<128xf32, #tpu.memory_space<vmem>>
    %dma_wait3A_1583 = tpu.memref_slice %arg2[%add3A_1123, %multiple_of3A_1121] : memref<1024x100000xf32, #tpu.memory_space<hbm>> -> memref<1x128xf32, #tpu.memory_space<hbm>>
    %dma_wait3A_1584 = tpu.memref_squeeze %dma_wait3A_1583 : memref<1x128xf32, #tpu.memory_space<hbm>> -> memref<128xf32, #tpu.memory_space<hbm>>
    %dma_wait3A_1585 = arith.constant 0 : i32
    %dma_wait3A_1586 = tpu.memref_slice %arg6[%dma_wait3A_1579, %dma_wait3A_1585] : memref<32x128xf32, #tpu.memory_space<vmem>> -> memref<1x128xf32, #tpu.memory_space<vmem>>
    %dma_wait3A_1587 = tpu.memref_squeeze %dma_wait3A_1586 : memref<1x128xf32, #tpu.memory_space<vmem>> -> memref<128xf32, #tpu.memory_space<vmem>>
    %dma_wait3A_1588 = tpu.memref_slice %arg2[%add3A_1123, %multiple_of3A_1121] : memref<1024x100000xf32, #tpu.memory_space<hbm>> -> memref<1x128xf32, #tpu.memory_space<hbm>>
    %dma_wait3A_1589 = tpu.memref_squeeze %dma_wait3A_1588 : memref<1x128xf32, #tpu.memory_space<hbm>> -> memref<128xf32, #tpu.memory_space<hbm>>
    tpu.wait_dma2 semaphore(%arg8 : memref<!tpu.dma_semaphore, #tpu.memory_space<semaphore_mem>>) src(%dma_wait3A_1589 : memref<128xf32, #tpu.memory_space<hbm>>) dst(%dma_wait3A_1587 : memref<128xf32, #tpu.memory_space<vmem>>)
    %dma_wait3A_1590 = arith.constant 23 : i32
    %dma_wait3A_1591 = arith.constant 0 : i32
    %dma_wait3A_1592 = tpu.memref_slice %arg6[%dma_wait3A_1590, %dma_wait3A_1591] : memref<32x128xf32, #tpu.memory_space<vmem>> -> memref<1x128xf32, #tpu.memory_space<vmem>>
    %dma_wait3A_1593 = tpu.memref_squeeze %dma_wait3A_1592 : memref<1x128xf32, #tpu.memory_space<vmem>> -> memref<128xf32, #tpu.memory_space<vmem>>
    %dma_wait3A_1594 = tpu.memref_slice %arg2[%add3A_1165, %multiple_of3A_1163] : memref<1024x100000xf32, #tpu.memory_space<hbm>> -> memref<1x128xf32, #tpu.memory_space<hbm>>
    %dma_wait3A_1595 = tpu.memref_squeeze %dma_wait3A_1594 : memref<1x128xf32, #tpu.memory_space<hbm>> -> memref<128xf32, #tpu.memory_space<hbm>>
    %dma_wait3A_1596 = arith.constant 0 : i32
    %dma_wait3A_1597 = tpu.memref_slice %arg6[%dma_wait3A_1590, %dma_wait3A_1596] : memref<32x128xf32, #tpu.memory_space<vmem>> -> memref<1x128xf32, #tpu.memory_space<vmem>>
    %dma_wait3A_1598 = tpu.memref_squeeze %dma_wait3A_1597 : memref<1x128xf32, #tpu.memory_space<vmem>> -> memref<128xf32, #tpu.memory_space<vmem>>
    %dma_wait3A_1599 = tpu.memref_slice %arg2[%add3A_1165, %multiple_of3A_1163] : memref<1024x100000xf32, #tpu.memory_space<hbm>> -> memref<1x128xf32, #tpu.memory_space<hbm>>
    %dma_wait3A_1600 = tpu.memref_squeeze %dma_wait3A_1599 : memref<1x128xf32, #tpu.memory_space<hbm>> -> memref<128xf32, #tpu.memory_space<hbm>>
    tpu.wait_dma2 semaphore(%arg8 : memref<!tpu.dma_semaphore, #tpu.memory_space<semaphore_mem>>) src(%dma_wait3A_1600 : memref<128xf32, #tpu.memory_space<hbm>>) dst(%dma_wait3A_1598 : memref<128xf32, #tpu.memory_space<vmem>>)
    %dma_wait3A_1601 = arith.constant 24 : i32
    %dma_wait3A_1602 = arith.constant 0 : i32
    %dma_wait3A_1603 = tpu.memref_slice %arg6[%dma_wait3A_1601, %dma_wait3A_1602] : memref<32x128xf32, #tpu.memory_space<vmem>> -> memref<1x128xf32, #tpu.memory_space<vmem>>
    %dma_wait3A_1604 = tpu.memref_squeeze %dma_wait3A_1603 : memref<1x128xf32, #tpu.memory_space<vmem>> -> memref<128xf32, #tpu.memory_space<vmem>>
    %dma_wait3A_1605 = tpu.memref_slice %arg2[%add3A_1207, %multiple_of3A_1205] : memref<1024x100000xf32, #tpu.memory_space<hbm>> -> memref<1x128xf32, #tpu.memory_space<hbm>>
    %dma_wait3A_1606 = tpu.memref_squeeze %dma_wait3A_1605 : memref<1x128xf32, #tpu.memory_space<hbm>> -> memref<128xf32, #tpu.memory_space<hbm>>
    %dma_wait3A_1607 = arith.constant 0 : i32
    %dma_wait3A_1608 = tpu.memref_slice %arg6[%dma_wait3A_1601, %dma_wait3A_1607] : memref<32x128xf32, #tpu.memory_space<vmem>> -> memref<1x128xf32, #tpu.memory_space<vmem>>
    %dma_wait3A_1609 = tpu.memref_squeeze %dma_wait3A_1608 : memref<1x128xf32, #tpu.memory_space<vmem>> -> memref<128xf32, #tpu.memory_space<vmem>>
    %dma_wait3A_1610 = tpu.memref_slice %arg2[%add3A_1207, %multiple_of3A_1205] : memref<1024x100000xf32, #tpu.memory_space<hbm>> -> memref<1x128xf32, #tpu.memory_space<hbm>>
    %dma_wait3A_1611 = tpu.memref_squeeze %dma_wait3A_1610 : memref<1x128xf32, #tpu.memory_space<hbm>> -> memref<128xf32, #tpu.memory_space<hbm>>
    tpu.wait_dma2 semaphore(%arg8 : memref<!tpu.dma_semaphore, #tpu.memory_space<semaphore_mem>>) src(%dma_wait3A_1611 : memref<128xf32, #tpu.memory_space<hbm>>) dst(%dma_wait3A_1609 : memref<128xf32, #tpu.memory_space<vmem>>)
    %dma_wait3A_1612 = arith.constant 25 : i32
    %dma_wait3A_1613 = arith.constant 0 : i32
    %dma_wait3A_1614 = tpu.memref_slice %arg6[%dma_wait3A_1612, %dma_wait3A_1613] : memref<32x128xf32, #tpu.memory_space<vmem>> -> memref<1x128xf32, #tpu.memory_space<vmem>>
    %dma_wait3A_1615 = tpu.memref_squeeze %dma_wait3A_1614 : memref<1x128xf32, #tpu.memory_space<vmem>> -> memref<128xf32, #tpu.memory_space<vmem>>
    %dma_wait3A_1616 = tpu.memref_slice %arg2[%add3A_1249, %multiple_of3A_1247] : memref<1024x100000xf32, #tpu.memory_space<hbm>> -> memref<1x128xf32, #tpu.memory_space<hbm>>
    %dma_wait3A_1617 = tpu.memref_squeeze %dma_wait3A_1616 : memref<1x128xf32, #tpu.memory_space<hbm>> -> memref<128xf32, #tpu.memory_space<hbm>>
    %dma_wait3A_1618 = arith.constant 0 : i32
    %dma_wait3A_1619 = tpu.memref_slice %arg6[%dma_wait3A_1612, %dma_wait3A_1618] : memref<32x128xf32, #tpu.memory_space<vmem>> -> memref<1x128xf32, #tpu.memory_space<vmem>>
    %dma_wait3A_1620 = tpu.memref_squeeze %dma_wait3A_1619 : memref<1x128xf32, #tpu.memory_space<vmem>> -> memref<128xf32, #tpu.memory_space<vmem>>
    %dma_wait3A_1621 = tpu.memref_slice %arg2[%add3A_1249, %multiple_of3A_1247] : memref<1024x100000xf32, #tpu.memory_space<hbm>> -> memref<1x128xf32, #tpu.memory_space<hbm>>
    %dma_wait3A_1622 = tpu.memref_squeeze %dma_wait3A_1621 : memref<1x128xf32, #tpu.memory_space<hbm>> -> memref<128xf32, #tpu.memory_space<hbm>>
    tpu.wait_dma2 semaphore(%arg8 : memref<!tpu.dma_semaphore, #tpu.memory_space<semaphore_mem>>) src(%dma_wait3A_1622 : memref<128xf32, #tpu.memory_space<hbm>>) dst(%dma_wait3A_1620 : memref<128xf32, #tpu.memory_space<vmem>>)
    %dma_wait3A_1623 = arith.constant 26 : i32
    %dma_wait3A_1624 = arith.constant 0 : i32
    %dma_wait3A_1625 = tpu.memref_slice %arg6[%dma_wait3A_1623, %dma_wait3A_1624] : memref<32x128xf32, #tpu.memory_space<vmem>> -> memref<1x128xf32, #tpu.memory_space<vmem>>
    %dma_wait3A_1626 = tpu.memref_squeeze %dma_wait3A_1625 : memref<1x128xf32, #tpu.memory_space<vmem>> -> memref<128xf32, #tpu.memory_space<vmem>>
    %dma_wait3A_1627 = tpu.memref_slice %arg2[%add3A_1291, %multiple_of3A_1289] : memref<1024x100000xf32, #tpu.memory_space<hbm>> -> memref<1x128xf32, #tpu.memory_space<hbm>>
    %dma_wait3A_1628 = tpu.memref_squeeze %dma_wait3A_1627 : memref<1x128xf32, #tpu.memory_space<hbm>> -> memref<128xf32, #tpu.memory_space<hbm>>
    %dma_wait3A_1629 = arith.constant 0 : i32
    %dma_wait3A_1630 = tpu.memref_slice %arg6[%dma_wait3A_1623, %dma_wait3A_1629] : memref<32x128xf32, #tpu.memory_space<vmem>> -> memref<1x128xf32, #tpu.memory_space<vmem>>
    %dma_wait3A_1631 = tpu.memref_squeeze %dma_wait3A_1630 : memref<1x128xf32, #tpu.memory_space<vmem>> -> memref<128xf32, #tpu.memory_space<vmem>>
    %dma_wait3A_1632 = tpu.memref_slice %arg2[%add3A_1291, %multiple_of3A_1289] : memref<1024x100000xf32, #tpu.memory_space<hbm>> -> memref<1x128xf32, #tpu.memory_space<hbm>>
    %dma_wait3A_1633 = tpu.memref_squeeze %dma_wait3A_1632 : memref<1x128xf32, #tpu.memory_space<hbm>> -> memref<128xf32, #tpu.memory_space<hbm>>
    tpu.wait_dma2 semaphore(%arg8 : memref<!tpu.dma_semaphore, #tpu.memory_space<semaphore_mem>>) src(%dma_wait3A_1633 : memref<128xf32, #tpu.memory_space<hbm>>) dst(%dma_wait3A_1631 : memref<128xf32, #tpu.memory_space<vmem>>)
    %dma_wait3A_1634 = arith.constant 27 : i32
    %dma_wait3A_1635 = arith.constant 0 : i32
    %dma_wait3A_1636 = tpu.memref_slice %arg6[%dma_wait3A_1634, %dma_wait3A_1635] : memref<32x128xf32, #tpu.memory_space<vmem>> -> memref<1x128xf32, #tpu.memory_space<vmem>>
    %dma_wait3A_1637 = tpu.memref_squeeze %dma_wait3A_1636 : memref<1x128xf32, #tpu.memory_space<vmem>> -> memref<128xf32, #tpu.memory_space<vmem>>
    %dma_wait3A_1638 = tpu.memref_slice %arg2[%add3A_1333, %multiple_of3A_1331] : memref<1024x100000xf32, #tpu.memory_space<hbm>> -> memref<1x128xf32, #tpu.memory_space<hbm>>
    %dma_wait3A_1639 = tpu.memref_squeeze %dma_wait3A_1638 : memref<1x128xf32, #tpu.memory_space<hbm>> -> memref<128xf32, #tpu.memory_space<hbm>>
    %dma_wait3A_1640 = arith.constant 0 : i32
    %dma_wait3A_1641 = tpu.memref_slice %arg6[%dma_wait3A_1634, %dma_wait3A_1640] : memref<32x128xf32, #tpu.memory_space<vmem>> -> memref<1x128xf32, #tpu.memory_space<vmem>>
    %dma_wait3A_1642 = tpu.memref_squeeze %dma_wait3A_1641 : memref<1x128xf32, #tpu.memory_space<vmem>> -> memref<128xf32, #tpu.memory_space<vmem>>
    %dma_wait3A_1643 = tpu.memref_slice %arg2[%add3A_1333, %multiple_of3A_1331] : memref<1024x100000xf32, #tpu.memory_space<hbm>> -> memref<1x128xf32, #tpu.memory_space<hbm>>
    %dma_wait3A_1644 = tpu.memref_squeeze %dma_wait3A_1643 : memref<1x128xf32, #tpu.memory_space<hbm>> -> memref<128xf32, #tpu.memory_space<hbm>>
    tpu.wait_dma2 semaphore(%arg8 : memref<!tpu.dma_semaphore, #tpu.memory_space<semaphore_mem>>) src(%dma_wait3A_1644 : memref<128xf32, #tpu.memory_space<hbm>>) dst(%dma_wait3A_1642 : memref<128xf32, #tpu.memory_space<vmem>>)
    %dma_wait3A_1645 = arith.constant 28 : i32
    %dma_wait3A_1646 = arith.constant 0 : i32
    %dma_wait3A_1647 = tpu.memref_slice %arg6[%dma_wait3A_1645, %dma_wait3A_1646] : memref<32x128xf32, #tpu.memory_space<vmem>> -> memref<1x128xf32, #tpu.memory_space<vmem>>
    %dma_wait3A_1648 = tpu.memref_squeeze %dma_wait3A_1647 : memref<1x128xf32, #tpu.memory_space<vmem>> -> memref<128xf32, #tpu.memory_space<vmem>>
    %dma_wait3A_1649 = tpu.memref_slice %arg2[%add3A_1375, %multiple_of3A_1373] : memref<1024x100000xf32, #tpu.memory_space<hbm>> -> memref<1x128xf32, #tpu.memory_space<hbm>>
    %dma_wait3A_1650 = tpu.memref_squeeze %dma_wait3A_1649 : memref<1x128xf32, #tpu.memory_space<hbm>> -> memref<128xf32, #tpu.memory_space<hbm>>
    %dma_wait3A_1651 = arith.constant 0 : i32
    %dma_wait3A_1652 = tpu.memref_slice %arg6[%dma_wait3A_1645, %dma_wait3A_1651] : memref<32x128xf32, #tpu.memory_space<vmem>> -> memref<1x128xf32, #tpu.memory_space<vmem>>
    %dma_wait3A_1653 = tpu.memref_squeeze %dma_wait3A_1652 : memref<1x128xf32, #tpu.memory_space<vmem>> -> memref<128xf32, #tpu.memory_space<vmem>>
    %dma_wait3A_1654 = tpu.memref_slice %arg2[%add3A_1375, %multiple_of3A_1373] : memref<1024x100000xf32, #tpu.memory_space<hbm>> -> memref<1x128xf32, #tpu.memory_space<hbm>>
    %dma_wait3A_1655 = tpu.memref_squeeze %dma_wait3A_1654 : memref<1x128xf32, #tpu.memory_space<hbm>> -> memref<128xf32, #tpu.memory_space<hbm>>
    tpu.wait_dma2 semaphore(%arg8 : memref<!tpu.dma_semaphore, #tpu.memory_space<semaphore_mem>>) src(%dma_wait3A_1655 : memref<128xf32, #tpu.memory_space<hbm>>) dst(%dma_wait3A_1653 : memref<128xf32, #tpu.memory_space<vmem>>)
    %dma_wait3A_1656 = arith.constant 29 : i32
    %dma_wait3A_1657 = arith.constant 0 : i32
    %dma_wait3A_1658 = tpu.memref_slice %arg6[%dma_wait3A_1656, %dma_wait3A_1657] : memref<32x128xf32, #tpu.memory_space<vmem>> -> memref<1x128xf32, #tpu.memory_space<vmem>>
    %dma_wait3A_1659 = tpu.memref_squeeze %dma_wait3A_1658 : memref<1x128xf32, #tpu.memory_space<vmem>> -> memref<128xf32, #tpu.memory_space<vmem>>
    %dma_wait3A_1660 = tpu.memref_slice %arg2[%add3A_1417, %multiple_of3A_1415] : memref<1024x100000xf32, #tpu.memory_space<hbm>> -> memref<1x128xf32, #tpu.memory_space<hbm>>
    %dma_wait3A_1661 = tpu.memref_squeeze %dma_wait3A_1660 : memref<1x128xf32, #tpu.memory_space<hbm>> -> memref<128xf32, #tpu.memory_space<hbm>>
    %dma_wait3A_1662 = arith.constant 0 : i32
    %dma_wait3A_1663 = tpu.memref_slice %arg6[%dma_wait3A_1656, %dma_wait3A_1662] : memref<32x128xf32, #tpu.memory_space<vmem>> -> memref<1x128xf32, #tpu.memory_space<vmem>>
    %dma_wait3A_1664 = tpu.memref_squeeze %dma_wait3A_1663 : memref<1x128xf32, #tpu.memory_space<vmem>> -> memref<128xf32, #tpu.memory_space<vmem>>
    %dma_wait3A_1665 = tpu.memref_slice %arg2[%add3A_1417, %multiple_of3A_1415] : memref<1024x100000xf32, #tpu.memory_space<hbm>> -> memref<1x128xf32, #tpu.memory_space<hbm>>
    %dma_wait3A_1666 = tpu.memref_squeeze %dma_wait3A_1665 : memref<1x128xf32, #tpu.memory_space<hbm>> -> memref<128xf32, #tpu.memory_space<hbm>>
    tpu.wait_dma2 semaphore(%arg8 : memref<!tpu.dma_semaphore, #tpu.memory_space<semaphore_mem>>) src(%dma_wait3A_1666 : memref<128xf32, #tpu.memory_space<hbm>>) dst(%dma_wait3A_1664 : memref<128xf32, #tpu.memory_space<vmem>>)
    %dma_wait3A_1667 = arith.constant 30 : i32
    %dma_wait3A_1668 = arith.constant 0 : i32
    %dma_wait3A_1669 = tpu.memref_slice %arg6[%dma_wait3A_1667, %dma_wait3A_1668] : memref<32x128xf32, #tpu.memory_space<vmem>> -> memref<1x128xf32, #tpu.memory_space<vmem>>
    %dma_wait3A_1670 = tpu.memref_squeeze %dma_wait3A_1669 : memref<1x128xf32, #tpu.memory_space<vmem>> -> memref<128xf32, #tpu.memory_space<vmem>>
    %dma_wait3A_1671 = tpu.memref_slice %arg2[%add3A_1459, %multiple_of3A_1457] : memref<1024x100000xf32, #tpu.memory_space<hbm>> -> memref<1x128xf32, #tpu.memory_space<hbm>>
    %dma_wait3A_1672 = tpu.memref_squeeze %dma_wait3A_1671 : memref<1x128xf32, #tpu.memory_space<hbm>> -> memref<128xf32, #tpu.memory_space<hbm>>
    %dma_wait3A_1673 = arith.constant 0 : i32
    %dma_wait3A_1674 = tpu.memref_slice %arg6[%dma_wait3A_1667, %dma_wait3A_1673] : memref<32x128xf32, #tpu.memory_space<vmem>> -> memref<1x128xf32, #tpu.memory_space<vmem>>
    %dma_wait3A_1675 = tpu.memref_squeeze %dma_wait3A_1674 : memref<1x128xf32, #tpu.memory_space<vmem>> -> memref<128xf32, #tpu.memory_space<vmem>>
    %dma_wait3A_1676 = tpu.memref_slice %arg2[%add3A_1459, %multiple_of3A_1457] : memref<1024x100000xf32, #tpu.memory_space<hbm>> -> memref<1x128xf32, #tpu.memory_space<hbm>>
    %dma_wait3A_1677 = tpu.memref_squeeze %dma_wait3A_1676 : memref<1x128xf32, #tpu.memory_space<hbm>> -> memref<128xf32, #tpu.memory_space<hbm>>
    tpu.wait_dma2 semaphore(%arg8 : memref<!tpu.dma_semaphore, #tpu.memory_space<semaphore_mem>>) src(%dma_wait3A_1677 : memref<128xf32, #tpu.memory_space<hbm>>) dst(%dma_wait3A_1675 : memref<128xf32, #tpu.memory_space<vmem>>)
    %dma_wait3A_1678 = arith.constant 31 : i32
    %dma_wait3A_1679 = arith.constant 0 : i32
    %dma_wait3A_1680 = tpu.memref_slice %arg6[%dma_wait3A_1678, %dma_wait3A_1679] : memref<32x128xf32, #tpu.memory_space<vmem>> -> memref<1x128xf32, #tpu.memory_space<vmem>>
    %dma_wait3A_1681 = tpu.memref_squeeze %dma_wait3A_1680 : memref<1x128xf32, #tpu.memory_space<vmem>> -> memref<128xf32, #tpu.memory_space<vmem>>
    %dma_wait3A_1682 = tpu.memref_slice %arg2[%add3A_1501, %multiple_of3A_1499] : memref<1024x100000xf32, #tpu.memory_space<hbm>> -> memref<1x128xf32, #tpu.memory_space<hbm>>
    %dma_wait3A_1683 = tpu.memref_squeeze %dma_wait3A_1682 : memref<1x128xf32, #tpu.memory_space<hbm>> -> memref<128xf32, #tpu.memory_space<hbm>>
    %dma_wait3A_1684 = arith.constant 0 : i32
    %dma_wait3A_1685 = tpu.memref_slice %arg6[%dma_wait3A_1678, %dma_wait3A_1684] : memref<32x128xf32, #tpu.memory_space<vmem>> -> memref<1x128xf32, #tpu.memory_space<vmem>>
    %dma_wait3A_1686 = tpu.memref_squeeze %dma_wait3A_1685 : memref<1x128xf32, #tpu.memory_space<vmem>> -> memref<128xf32, #tpu.memory_space<vmem>>
    %dma_wait3A_1687 = tpu.memref_slice %arg2[%add3A_1501, %multiple_of3A_1499] : memref<1024x100000xf32, #tpu.memory_space<hbm>> -> memref<1x128xf32, #tpu.memory_space<hbm>>
    %dma_wait3A_1688 = tpu.memref_squeeze %dma_wait3A_1687 : memref<1x128xf32, #tpu.memory_space<hbm>> -> memref<128xf32, #tpu.memory_space<hbm>>
    tpu.wait_dma2 semaphore(%arg8 : memref<!tpu.dma_semaphore, #tpu.memory_space<semaphore_mem>>) src(%dma_wait3A_1688 : memref<128xf32, #tpu.memory_space<hbm>>) dst(%dma_wait3A_1686 : memref<128xf32, #tpu.memory_space<vmem>>)
    %iota3A = tpu.iota {dimensions = array<i32: 0>} : vector<16xi32>
    %add3A_1689 = arith.constant 0 : i32
    %add3A_1690 = vector.broadcast %add3A_1689 : i32 to vector<16xi32>
    %add3A_1691 = arith.addi %iota3A, %add3A_1690 : vector<16xi32>
    %get3A_1692 = arith.constant 0 : index
    %get3A_1693 = tpu.vector_load %arg5[%get3A_1692] {strides = array<i32>} : memref<32xi32, #tpu.memory_space<vmem>>, vector<16xi32>,
    %and3A_1694 = arith.constant 127 : i32
    %and3A_1695 = vector.broadcast %and3A_1694 : i32 to vector<16xi32>
    %and3A_1696 = arith.andi %get3A_1693, %and3A_1695 : vector<16xi32>
    %gather3A = tpu.vector_load_idx %arg6[%add3A_1691, %and3A_1696] : memref<32x128xf32, #tpu.memory_space<vmem>>[vector<16xi32>, vector<16xi32>], vector<16xf32>,
    %bitcast_convert_type3A = tpu.bitcast %gather3A : vector<16xf32> -> vector<16xi32>
    %shift_right_arithmetic3A = arith.constant 23 : i32
    %shift_right_arithmetic3A_1697 = vector.broadcast %shift_right_arithmetic3A : i32 to vector<16xi32>
    %shift_right_arithmetic3A_1698 = arith.shrsi %bitcast_convert_type3A, %shift_right_arithmetic3A_1697 : vector<16xi32>
    %sub3A_1699 = arith.constant 127 : i32
    %sub3A_1700 = vector.broadcast %sub3A_1699 : i32 to vector<16xi32>
    %sub3A_1701 = arith.subi %shift_right_arithmetic3A_1698, %sub3A_1700 : vector<16xi32>
    %and3A_1702 = arith.constant 8388607 : i32
    %and3A_1703 = vector.broadcast %and3A_1702 : i32 to vector<16xi32>
    %and3A_1704 = arith.andi %bitcast_convert_type3A, %and3A_1703 : vector<16xi32>
    %or3A = arith.constant 1065353216 : i32
    %or3A_1705 = vector.broadcast %or3A : i32 to vector<16xi32>
    %or3A_1706 = arith.ori %and3A_1704, %or3A_1705 : vector<16xi32>
    %bitcast_convert_type3A_1707 = tpu.bitcast %or3A_1706 : vector<16xi32> -> vector<16xf32>
    %ge3A = arith.constant 1.41421354 : f32
    %ge3A_1708 = vector.broadcast %ge3A : f32 to vector<16xf32>
    %ge3A_1709 = arith.cmpf oge, %bitcast_convert_type3A_1707, %ge3A_1708 : vector<16xf32>
    %mul3A_1710 = arith.constant 5.000000e-01 : f32
    %mul3A_1711 = vector.broadcast %mul3A_1710 : f32 to vector<16xf32>
    %mul3A_1712 = arith.mulf %bitcast_convert_type3A_1707, %mul3A_1711 : vector<16xf32>
    %select_n3A_1713 = arith.select %ge3A_1709, %mul3A_1712, %bitcast_convert_type3A_1707 : vector<16xi1>, vector<16xf32>
    %add3A_1714 = arith.constant 1 : i32
    %add3A_1715 = vector.broadcast %add3A_1714 : i32 to vector<16xi32>
    %add3A_1716 = arith.addi %sub3A_1701, %add3A_1715 : vector<16xi32>
    %select_n3A_1717 = arith.select %ge3A_1709, %add3A_1716, %sub3A_1701 : vector<16xi1>, vector<16xi32>
    %convert_element_type3A = arith.sitofp %select_n3A_1717 : vector<16xi32> to vector<16xf32>
    %sub3A_1718 = arith.constant 1.000000e+00 : f32
    %sub3A_1719 = vector.broadcast %sub3A_1718 : f32 to vector<16xf32>
    %sub3A_1720 = arith.subf %select_n3A_1713, %sub3A_1719 : vector<16xf32>
    %add3A_1721 = arith.constant 1.000000e+00 : f32
    %add3A_1722 = vector.broadcast %add3A_1721 : f32 to vector<16xf32>
    %add3A_1723 = arith.addf %select_n3A_1713, %add3A_1722 : vector<16xf32>
    %div3A_1724 = arith.divf %sub3A_1720, %add3A_1723 : vector<16xf32>
    %mul3A_1725 = arith.mulf %div3A_1724, %div3A_1724 : vector<16xf32>
    %mul3A_1726 = arith.constant 0.222222224 : f32
    %mul3A_1727 = vector.broadcast %mul3A_1726 : f32 to vector<16xf32>
    %mul3A_1728 = arith.mulf %mul3A_1725, %mul3A_1727 : vector<16xf32>
    %add3A_1729 = arith.constant 0.285714298 : f32
    %add3A_1730 = vector.broadcast %add3A_1729 : f32 to vector<16xf32>
    %add3A_1731 = arith.addf %add3A_1730, %mul3A_1728 : vector<16xf32>
    %mul3A_1732 = arith.mulf %mul3A_1725, %add3A_1731 : vector<16xf32>
    %add3A_1733 = arith.constant 4.000000e-01 : f32
    %add3A_1734 = vector.broadcast %add3A_1733 : f32 to vector<16xf32>
    %add3A_1735 = arith.addf %add3A_1734, %mul3A_1732 : vector<16xf32>
    %mul3A_1736 = arith.mulf %mul3A_1725, %add3A_1735 : vector<16xf32>
    %add3A_1737 = arith.constant 0.666666686 : f32
    %add3A_1738 = vector.broadcast %add3A_1737 : f32 to vector<16xf32>
    %add3A_1739 = arith.addf %add3A_1738, %mul3A_1736 : vector<16xf32>
    %mul3A_1740 = arith.mulf %mul3A_1725, %add3A_1739 : vector<16xf32>
    %add3A_1741 = arith.constant 2.000000e+00 : f32
    %add3A_1742 = vector.broadcast %add3A_1741 : f32 to vector<16xf32>
    %add3A_1743 = arith.addf %add3A_1742, %mul3A_1740 : vector<16xf32>
    %mul3A_1744 = arith.mulf %div3A_1724, %add3A_1743 : vector<16xf32>
    %mul3A_1745 = arith.constant 0.693147182 : f32
    %mul3A_1746 = vector.broadcast %mul3A_1745 : f32 to vector<16xf32>
    %mul3A_1747 = arith.mulf %convert_element_type3A, %mul3A_1746 : vector<16xf32>
    %add3A_1748 = arith.addf %mul3A_1747, %mul3A_1744 : vector<16xf32>
    %neg3A = arith.constant 0.000000e+00 : f32
    %neg3A_1749 = vector.broadcast %neg3A : f32 to vector<16xf32>
    %neg3A_1750 = arith.subf %neg3A_1749, %add3A_1748 : vector<16xf32>
    %add3A_1751 = arith.constant 16 : i32
    %add3A_1752 = vector.broadcast %add3A_1751 : i32 to vector<16xi32>
    %add3A_1753 = arith.addi %iota3A, %add3A_1752 : vector<16xi32>
    %get3A_1754 = arith.constant 16 : index
    %get3A_1755 = tpu.vector_load %arg5[%get3A_1754] {strides = array<i32>} : memref<32xi32, #tpu.memory_space<vmem>>, vector<16xi32>,
    %and3A_1756 = arith.constant 127 : i32
    %and3A_1757 = vector.broadcast %and3A_1756 : i32 to vector<16xi32>
    %and3A_1758 = arith.andi %get3A_1755, %and3A_1757 : vector<16xi32>
    %gather3A_1759 = tpu.vector_load_idx %arg6[%add3A_1753, %and3A_1758] : memref<32x128xf32, #tpu.memory_space<vmem>>[vector<16xi32>, vector<16xi32>], vector<16xf32>,
    %bitcast_convert_type3A_1760 = tpu.bitcast %gather3A_1759 : vector<16xf32> -> vector<16xi32>
    %shift_right_arithmetic3A_1761 = arith.constant 23 : i32
    %shift_right_arithmetic3A_1762 = vector.broadcast %shift_right_arithmetic3A_1761 : i32 to vector<16xi32>
    %shift_right_arithmetic3A_1763 = arith.shrsi %bitcast_convert_type3A_1760, %shift_right_arithmetic3A_1762 : vector<16xi32>
    %sub3A_1764 = arith.constant 127 : i32
    %sub3A_1765 = vector.broadcast %sub3A_1764 : i32 to vector<16xi32>
    %sub3A_1766 = arith.subi %shift_right_arithmetic3A_1763, %sub3A_1765 : vector<16xi32>
    %and3A_1767 = arith.constant 8388607 : i32
    %and3A_1768 = vector.broadcast %and3A_1767 : i32 to vector<16xi32>
    %and3A_1769 = arith.andi %bitcast_convert_type3A_1760, %and3A_1768 : vector<16xi32>
    %or3A_1770 = arith.constant 1065353216 : i32
    %or3A_1771 = vector.broadcast %or3A_1770 : i32 to vector<16xi32>
    %or3A_1772 = arith.ori %and3A_1769, %or3A_1771 : vector<16xi32>
    %bitcast_convert_type3A_1773 = tpu.bitcast %or3A_1772 : vector<16xi32> -> vector<16xf32>
    %ge3A_1774 = arith.constant 1.41421354 : f32
    %ge3A_1775 = vector.broadcast %ge3A_1774 : f32 to vector<16xf32>
    %ge3A_1776 = arith.cmpf oge, %bitcast_convert_type3A_1773, %ge3A_1775 : vector<16xf32>
    %mul3A_1777 = arith.constant 5.000000e-01 : f32
    %mul3A_1778 = vector.broadcast %mul3A_1777 : f32 to vector<16xf32>
    %mul3A_1779 = arith.mulf %bitcast_convert_type3A_1773, %mul3A_1778 : vector<16xf32>
    %select_n3A_1780 = arith.select %ge3A_1776, %mul3A_1779, %bitcast_convert_type3A_1773 : vector<16xi1>, vector<16xf32>
    %add3A_1781 = arith.constant 1 : i32
    %add3A_1782 = vector.broadcast %add3A_1781 : i32 to vector<16xi32>
    %add3A_1783 = arith.addi %sub3A_1766, %add3A_1782 : vector<16xi32>
    %select_n3A_1784 = arith.select %ge3A_1776, %add3A_1783, %sub3A_1766 : vector<16xi1>, vector<16xi32>
    %convert_element_type3A_1785 = arith.sitofp %select_n3A_1784 : vector<16xi32> to vector<16xf32>
    %sub3A_1786 = arith.constant 1.000000e+00 : f32
    %sub3A_1787 = vector.broadcast %sub3A_1786 : f32 to vector<16xf32>
    %sub3A_1788 = arith.subf %select_n3A_1780, %sub3A_1787 : vector<16xf32>
    %add3A_1789 = arith.constant 1.000000e+00 : f32
    %add3A_1790 = vector.broadcast %add3A_1789 : f32 to vector<16xf32>
    %add3A_1791 = arith.addf %select_n3A_1780, %add3A_1790 : vector<16xf32>
    %div3A_1792 = arith.divf %sub3A_1788, %add3A_1791 : vector<16xf32>
    %mul3A_1793 = arith.mulf %div3A_1792, %div3A_1792 : vector<16xf32>
    %mul3A_1794 = arith.constant 0.222222224 : f32
    %mul3A_1795 = vector.broadcast %mul3A_1794 : f32 to vector<16xf32>
    %mul3A_1796 = arith.mulf %mul3A_1793, %mul3A_1795 : vector<16xf32>
    %add3A_1797 = arith.constant 0.285714298 : f32
    %add3A_1798 = vector.broadcast %add3A_1797 : f32 to vector<16xf32>
    %add3A_1799 = arith.addf %add3A_1798, %mul3A_1796 : vector<16xf32>
    %mul3A_1800 = arith.mulf %mul3A_1793, %add3A_1799 : vector<16xf32>
    %add3A_1801 = arith.constant 4.000000e-01 : f32
    %add3A_1802 = vector.broadcast %add3A_1801 : f32 to vector<16xf32>
    %add3A_1803 = arith.addf %add3A_1802, %mul3A_1800 : vector<16xf32>
    %mul3A_1804 = arith.mulf %mul3A_1793, %add3A_1803 : vector<16xf32>
    %add3A_1805 = arith.constant 0.666666686 : f32
    %add3A_1806 = vector.broadcast %add3A_1805 : f32 to vector<16xf32>
    %add3A_1807 = arith.addf %add3A_1806, %mul3A_1804 : vector<16xf32>
    %mul3A_1808 = arith.mulf %mul3A_1793, %add3A_1807 : vector<16xf32>
    %add3A_1809 = arith.constant 2.000000e+00 : f32
    %add3A_1810 = vector.broadcast %add3A_1809 : f32 to vector<16xf32>
    %add3A_1811 = arith.addf %add3A_1810, %mul3A_1808 : vector<16xf32>
    %mul3A_1812 = arith.mulf %div3A_1792, %add3A_1811 : vector<16xf32>
    %mul3A_1813 = arith.constant 0.693147182 : f32
    %mul3A_1814 = vector.broadcast %mul3A_1813 : f32 to vector<16xf32>
    %mul3A_1815 = arith.mulf %convert_element_type3A_1785, %mul3A_1814 : vector<16xf32>
    %add3A_1816 = arith.addf %mul3A_1815, %mul3A_1812 : vector<16xf32>
    %neg3A_1817 = arith.constant 0.000000e+00 : f32
    %neg3A_1818 = vector.broadcast %neg3A_1817 : f32 to vector<16xf32>
    %neg3A_1819 = arith.subf %neg3A_1818, %add3A_1816 : vector<16xf32>
    %add3A_1820 = arith.addf %neg3A_1750, %neg3A_1819 : vector<16xf32>
    %swap3A = arith.constant 0 : i32
    %swap3A_1821 = arith.index_cast %swap3A : i32 to index
    %swap3A_1822 = arith.constant 0 : index
    %swap3A_1823 = tpu.vector_load %arg7[%swap3A_1821, %swap3A_1822] {strides = array<i32>} : memref<8x128xf32, #tpu.memory_space<vmem>>, vector<16xf32>,
    tpu.vector_store %arg7[%swap3A_1821, %swap3A_1822], %add3A_1820 {strides = array<i32>} : memref<8x128xf32, #tpu.memory_space<vmem>>, vector<16xf32>,
    "tpu.region"() ({
      %run_scoped3A = tpu.sem_alloc : memref<!tpu.dma_semaphore, #tpu.memory_space<semaphore_mem>>
      %dma_start3A_1824 = arith.constant 0 : i32
      %dma_start3A_1825 = arith.constant 0 : i32
      %dma_start3A_1826 = tpu.memref_slice %arg4[%arg0, %arg1, %dma_start3A_1824, %dma_start3A_1825] : memref<2x16x8x128xf32, #tpu.memory_space<hbm>> -> memref<1x1x8x128xf32, #tpu.memory_space<hbm>>
      %dma_start3A_1827 = tpu.memref_squeeze %dma_start3A_1826 : memref<1x1x8x128xf32, #tpu.memory_space<hbm>> -> memref<8x128xf32, #tpu.memory_space<hbm>>
      %dma_start3A_1828 = arith.constant 0 : i32
      %dma_start3A_1829 = arith.constant 0 : i32
      %dma_start3A_1830 = tpu.memref_slice %arg4[%arg0, %arg1, %dma_start3A_1828, %dma_start3A_1829] : memref<2x16x8x128xf32, #tpu.memory_space<hbm>> -> memref<1x1x8x128xf32, #tpu.memory_space<hbm>>
      %dma_start3A_1831 = tpu.memref_squeeze %dma_start3A_1830 : memref<1x1x8x128xf32, #tpu.memory_space<hbm>> -> memref<8x128xf32, #tpu.memory_space<hbm>>
      tpu.enqueue_dma source(%arg7 : memref<8x128xf32, #tpu.memory_space<vmem>>) target(%dma_start3A_1831 : memref<8x128xf32, #tpu.memory_space<hbm>>) target_semaphore(%run_scoped3A : memref<!tpu.dma_semaphore, #tpu.memory_space<semaphore_mem>>)
      %dma_wait3A_1832 = arith.constant 0 : i32
      %dma_wait3A_1833 = arith.constant 0 : i32
      %dma_wait3A_1834 = tpu.memref_slice %arg4[%arg0, %arg1, %dma_wait3A_1832, %dma_wait3A_1833] : memref<2x16x8x128xf32, #tpu.memory_space<hbm>> -> memref<1x1x8x128xf32, #tpu.memory_space<hbm>>
      %dma_wait3A_1835 = tpu.memref_squeeze %dma_wait3A_1834 : memref<1x1x8x128xf32, #tpu.memory_space<hbm>> -> memref<8x128xf32, #tpu.memory_space<hbm>>
      %dma_wait3A_1836 = arith.constant 0 : i32
      %dma_wait3A_1837 = arith.constant 0 : i32
      %dma_wait3A_1838 = tpu.memref_slice %arg4[%arg0, %arg1, %dma_wait3A_1836, %dma_wait3A_1837] : memref<2x16x8x128xf32, #tpu.memory_space<hbm>> -> memref<1x1x8x128xf32, #tpu.memory_space<hbm>>
      %dma_wait3A_1839 = tpu.memref_squeeze %dma_wait3A_1838 : memref<1x1x8x128xf32, #tpu.memory_space<hbm>> -> memref<8x128xf32, #tpu.memory_space<hbm>>
      tpu.wait_dma2 semaphore(%run_scoped3A : memref<!tpu.dma_semaphore, #tpu.memory_space<semaphore_mem>>) src(%arg7 : memref<8x128xf32, #tpu.memory_space<vmem>>) dst(%dma_wait3A_1839 : memref<8x128xf32, #tpu.memory_space<hbm>>)
      tpu.yield
    }) : () -> ()
    return
  }
}

</mosaic_0001>

<sc_bundles>
// kernel: kernel.3.cloned.1.call-start
scs
__scs_entry_jumppad:
0x0: {  	(pc) =	sbr.rel $0x88, $3  }
0x1: {  	(tag) =	ssettag $0x0;
	lr =	simm.s32 $0x1  }
0x2: {  	[smem:$0x3F9F] =	sst lr;
	_ =	strace $0xD0000000  }
0x3: {  	_ = 	snop  }
0x4: {  	_ = 	snop  }
0x5: {  	_ = 	snop  }
0x6: {  	_ = 	snop  }
0x7: {  	_ = 	snop  }
__scs_overlays_trampoline_lowered:
0x8: {  	[smem:$0x3FAE] =	sst s0  }
0x9: {  	[smem:$0x3FAF] =	sst s1  }
0xa: {  	[smem:$0x3FB0] =	sst s2  }
0xb: {  	[smem:$0x3FB1] =	sst s3  }
0xc: {  	[smem:$0x3FB2] =	sst s4  }
0xd: {  	[smem:$0x3FB3] =	sst s5  }
0xe: {  	[smem:$0x3FB4] =	sst s6  }
0xf: {  	[smem:$0x3FB5] =	sst s7  }
0x10: {  	[smem:$0x3FB6] =	sst s8  }
0x11: {  	[smem:$0x3FB7] =	sst s9;
	s0 =	simm.s32 @!p0 $0x0  }
0x12: {  	s1 =	sld [smem:$0x3F9D];
	s0 =	simm.s32 @p0 $0x1  }
0x13: {  	[smem:$0x3FB8] =	sst s0;
	s0 =	simm.s32 @!p1 $0x0  }
0x14: {  	s2 =	sld [smem:$0x3F9C];
	s0 =	simm.s32 @p1 $0x1  }
0x15: {  	[smem:$0x3FB9] =	sst s0;
	s0 =	simm.s32 @!p2 $0x0  }
0x16: {  	s3 =	sld [smem:$0x3FDB];
	s0 =	simm.s32 @p2 $0x1  }
0x17: {  	s4 =	simm.s32 $0x1BF5;
	[smem:$0x3FBB] =	sst s0  }
0x18: {  	s0 =	sld [smem:$0x3F9E];
	_ =	swait.ge [sflag:s4], $0x0  }
0x19: {  	s7 =	sld [smem:$0x3F9F]  }
0x1a: {  	s8 =	sadd.s32 $0xFFFFE003, lr  }
0x1b: {  	s9 =	sadd.s32 $0xFFFFFEF7, lr;
	s5 =	simm.s32 $0xFFFFFFFF;
	p2 =	slt.u32 s8, $0xFFFFF086  }
0x1c: {  	p1 =	slt.u32 s9, $0xF7A;
	s5 =	simm.s32 @!p2 $0x0  }
0x1d: {  	s5 =	simm.s32 @p1 $0x1;
	p0 =	seq.s32 s7, s2  }
0x1e: {  	s7 =	smul.u32 @!p0 $0xF7A, s2;
	p2 =	seq.s32 @!p0 s5, $0x0  }
0x1f: {  	s9 =	smul.u32 $0xF7A, s1;
	s8 =	simm.s32 @!p0 $0x1BF5;
	p2 =	por !p2, p0  }
0x20: {  	[sflag:s8] =	ssyncset.s32 @!p0 $0xFFFFF086;
	s6 =	sadd.s32 @!p0 s3, s7;
	s7 =	simm.s32 @!p0 $0x108  }
0x21: {  	s3 =	sadd.s32 s3, s9;
	s6 =	sadd.s32 @!p0 $0x88, s6;
	s7 =	simm.s32 @p2 $0x1082  }
0x22: {  	[simem:s7], [sflag:s8] =	dma.local @!p0 [hbm:s6], $0xF7A  }
0x23: {  	s9 =	sor.u32 $0xD0000000, s2;
	s6 =	simm.s32 $0x108;
	_ =	swait.ge @!p0 [sflag:s8], $0x0  }
0x24: {  	s3 =	sadd.s32 $0x88, s3;
	s6 =	simm.s32 @!p1 $0x1082;
	[sflag:s4] =	ssyncset.s32 $0xFFFFF086  }
0x25: {  	[simem:s6], [sflag:s4] =	dma.local [hbm:s3], $0xF7A  }
0x26: {  	[smem:$0x3F9F] =	sst s1;
	(tag) =	ssettag s2;
	_ =	strace s9  }
0x27: {  	s1 =	sld [smem:$0x3FAF]  }
0x28: {  	s2 =	sld [smem:$0x3FB0]  }
0x29: {  	s4 =	sld [smem:$0x3FB2]  }
0x2a: {  	p0 =	seq.s32 s5, $0x0;
	s5 =	sld [smem:$0x3FB3]  }
0x2b: {  	s6 =	sld [smem:$0x3FB4]  }
0x2c: {  	s7 =	sld [smem:$0x3FB5]  }
0x2d: {  	s3 =	simm.s32 $0x108;
	s8 =	sld [smem:$0x3FB6]  }
0x2e: {  	s3 =	simm.s32 @!p0 $0x1082;
	s9 =	sld [smem:$0x3FB7]  }
0x2f: {  	lr =	sadd.s32 s0, s3;
	s0 =	sld [smem:$0x3FAE]  }
0x30: {  	s3 =	sld [smem:$0x3FB1]  }
0x31: {  	[smem:$0x3FBA] =	sst s10  }
0x32: {  	s10 =	sld [smem:$0x3FB8];
	_ =	sdelay $0x3  }
0x33: {  	p0 =	seq.s32 s10, $0x1;
	s10 =	sld [smem:$0x3FBA];
	_ =	sdelay $0x3  }
0x34: {  	[smem:$0x3FBA] =	sst s10  }
0x35: {  	s10 =	sld [smem:$0x3FB9];
	_ =	sdelay $0x3  }
0x36: {  	p1 =	seq.s32 s10, $0x1;
	s10 =	sld [smem:$0x3FBA];
	_ =	sdelay $0x3  }
0x37: {  	[smem:$0x3FBA] =	sst s10  }
0x38: {  	s10 =	sld [smem:$0x3FBB]  }
0x39: {  	_ = 	snop;
	(pc) =	sbr.ind lr, $3  }
0x3a: {  	_ = 	snop  }
0x3b: {  	_ = 	snop  }
0x3c: {  	p2 =	seq.s32 s10, $0x1;
	s10 =	sld [smem:$0x3FBA]  }
0x3d: {  	_ =	shalt  }
0x3e: {  	_ =	shalt  }
0x3f: {  	_ =	shalt  }
0x40: {  	_ =	shalt  }
0x41: {  	_ =	shalt  }
0x42: {  	_ =	shalt  }
0x43: {  	_ =	shalt  }
0x44: {  	_ =	shalt  }
0x45: {  	_ =	shalt  }
0x46: {  	_ =	shalt  }
0x47: {  	_ =	shalt  }
0x48: {  	_ =	shalt  }
0x49: {  	_ =	shalt  }
0x4a: {  	_ =	shalt  }
0x4b: {  	_ =	shalt  }
0x4c: {  	_ =	shalt  }
0x4d: {  	_ =	shalt  }
0x4e: {  	_ =	shalt  }
0x4f: {  	_ =	shalt  }
0x50: {  	_ =	shalt  }
0x51: {  	_ =	shalt  }
0x52: {  	_ =	shalt  }
0x53: {  	_ =	shalt  }
0x54: {  	_ =	shalt  }
0x55: {  	_ =	shalt  }
0x56: {  	_ =	shalt  }
0x57: {  	_ =	shalt  }
0x58: {  	_ =	shalt  }
0x59: {  	_ =	shalt  }
0x5a: {  	_ =	shalt  }
0x5b: {  	_ =	shalt  }
0x5c: {  	_ =	shalt  }
0x5d: {  	_ =	shalt  }
0x5e: {  	_ =	shalt  }
0x5f: {  	_ =	shalt  }
0x60: {  	_ =	shalt  }
0x61: {  	_ =	shalt  }
0x62: {  	_ =	shalt  }
0x63: {  	_ =	shalt  }
0x64: {  	_ =	shalt  }
0x65: {  	_ =	shalt  }
0x66: {  	_ =	shalt  }
0x67: {  	_ =	shalt  }
0x68: {  	_ =	shalt  }
0x69: {  	_ =	shalt  }
0x6a: {  	_ =	shalt  }
0x6b: {  	_ =	shalt  }
0x6c: {  	_ =	shalt  }
0x6d: {  	_ =	shalt  }
0x6e: {  	_ =	shalt  }
0x6f: {  	_ =	shalt  }
0x70: {  	_ =	shalt  }
0x71: {  	_ =	shalt  }
0x72: {  	_ =	shalt  }
0x73: {  	_ =	shalt  }
0x74: {  	_ =	shalt  }
0x75: {  	_ =	shalt  }
0x76: {  	_ =	shalt  }
0x77: {  	_ =	shalt  }
0x78: {  	_ =	shalt  }
0x79: {  	_ =	shalt  }
0x7a: {  	_ =	shalt  }
0x7b: {  	_ =	shalt  }
0x7c: {  	_ =	shalt  }
0x7d: {  	_ =	shalt  }
0x7e: {  	_ =	shalt  }
0x7f: {  	_ =	shalt  }
0x80: {  	_ =	shalt  }
0x81: {  	_ =	shalt  }
0x82: {  	_ =	shalt  }
0x83: {  	_ =	shalt  }
0x84: {  	_ =	shalt  }
0x85: {  	_ =	shalt  }
0x86: {  	_ =	shalt  }
0x87: {  	_ =	shalt  }
.Lfunc_end0:
.L_simem_size_0:
called_computation_lowered:
.L_overlay_start_0:
0x88: {  	s2 =	sld [smem:$0x3FD9]  }
0x89: {  	s3 =	sld [smem:$0x3FFE];
	_ =	sdelay $0x1  }
0x8a: {  	s1 =	srdreg.scid  }
0x8b: {  	s0 =	sand.u32 $0x1, s1  }
0x8c: {  	s17 =	sshll.u32 s0, $0xA;
	s2 =	sadd.s32 s3, s2  }
0x8d: {  	s2 =	sadd.s32 s2, s17  }
0x8e: {  	[smem:$0x3FC6] =	sst s2  }
0x8f: {  	_ = 	snop  }
0x90: {  	s2 =	sld [smem:$0x3FC8];
	(tm) =	ssettm $0x1  }
0x91: {  	s18 =	sld [smem:$0x3FFB];
	_ =	sdelay $0x3  }
0x92: {  	_ =	strace s18  }
0x93: {  	s3 =	sld [smem:$0x3FFC];
	_ =	sdelay $0x3  }
0x94: {  	_ =	strace s3  }
0x95: {  	s3 =	sld [smem:$0x3FFD];
	_ =	sdelay $0x3  }
0x96: {  	_ =	strace s3  }
0x97: {  	_ =	strace $0x8FFFFFFF  }
0x98: {  	s19 =	sld [smem:$0x3FDB];
	_ =	sdelay $0x1  }
0x99: {  	s4 =	simm.s32 $_scs_section_size  }
0x9a: {  	s5 =	simm.s32 $_size__tile_overlayer_lowered;
	s6 =	simm.s32 $_tile_overlayer_lowered  }
0x9b: {  	s22 =	simm.s32 $0x1BFF;
	s21 =	sshll.u32 s6, $0x1;
	s3 =	sadd.s32 s4, s19  }
0x9c: {  	s7 =	simm.s32 $0x0;
	s20 =	sshll.u32 s5, $0x1;
	s5 =	sadd.s32 s21, s3  }
0x9d: {  	[timem:s7], [sflag:s22] =	dma.local [hbm:s5], s20  }
0x9e: {  	_ =	swait.ge [sflag:s22], s20  }
0x9f: {  	s4 =	ssub.s32 $0x0, s20;
	[sflag:s22] =	ssyncset.done $0x0  }
0xa0: {  	[sflag:s22] =	ssyncadd.s32 s4;
	_ =	sdelay $0x1  }
0xa1: {  	s23 =	simm.s32 $0x1B8B  }
0xa2: {  	_ =	swait.ge [sflag:s23], $0x1  }
0xa3: {  	[sflag:s23] =	ssyncset.done $0x0  }
0xa4: {  	s25 =	simm.s32 $0x1B8E;
	s24 =	sld [smem:$0x3FFE];
	[sflag:s23] =	ssyncadd.s32 $0xFFFFFFFF  }
0xa5: {  	s26 =	simm.s32 $execute0_lowered;
	[smem:$0x3FD2] =	sst s25  }
0xa6: {  	s5 =	sshll.u32 s26, $0x1;
	_ =	strace $0x80000046;
	[dreg:$0x1] =	wrdreg $0xFFFFFFFF  }
0xa7: {  	s28 =	simm.s32 $_size_execute0_lowered;
	s3 =	sadd.s32 s3, s5;
	[dreg:$0x0] =	wrdreg $0x0  }
0xa8: {  	s5 =	sshll.u32 s28, $0x1;
	[dreg:$0x2] =	wrdreg s3  }
0xa9: {  	[dreg:$0x3] =	wrdreg s5  }
0xaa: {  	[dreg:$0x4] =	wrdreg $0xC0  }
0xab: {  	_ =	task [dreg:s7], $0x5FFFF  }
0xac: {  	[dreg:$0x1] =	wrdreg $0xFFFFFFFF  }
0xad: {  	[dreg:$0x0] =	wrdreg $0x60  }
0xae: {  	[dreg:$0x2] =	wrdreg s24  }
0xaf: {  	[dreg:$0x3] =	wrdreg s2  }
0xb0: {  	[dreg:$0x4] =	wrdreg $0x9  }
0xb1: {  	_ =	task.clear_ibuf [dreg:s7], $0x5FFFF;
	_ =	strace $0x90000046  }
0xb2: {  	s29 =	simm.s32 $0x9;
	_ =	strace $0x80000048  }
0xb3: {  	_ =	swait.ge [sflag:s29], $0x1  }
0xb4: {  	[sflag:s29] =	ssyncadd.s32 $0xFFFFFFFF  }
0xb5: {  	_ =	strace $0x90000048  }
0xb6: {  	_ =	sfence  }
0xb7: {  	s30 =	sld [smem:$0x0];
	_ =	sdelay $0x2  }
0xb8: {  	s31 =	sshll.u32 s1, $0xD;
	s1 =	sshrl.u32 s1, $0x2  }
0xb9: {  	s3 =	sand.u32 $0x4000, s31;
	s1 =	sadd.s32 s1, s30  }
0xba: {  	s0 =	sor.u32 s3, s0;
	s1 =	sshll.u32 s1, $0x11  }
0xbb: {  	s0 =	sor.u32 s1, s0  }
0xbc: {  	s0 =	sadd.s32 $0x8F2B, s0  }
0xbd: {  	[sflag:s0] =	ssyncadd.remote.s32 $0x1  }
0xbe: {  	_ =	sfence.sel $0xFFFF  }
0xbf: {  	[dreg:$0x0] =	wrdreg $0xFFFFFFFF;
	(pc) =	sbr.abs _section_cstart, $3  }
0xc0: {  	[dreg:$0x1] =	wrdreg $0xFFFFFFFF  }
0xc1: {  	_ =	task.clear_ibuf [dreg:s7], $0x2FFFF;
	_ =	strace $0x9FFFFFFF  }
0xc2: {  	(tm) =	ssettm $0x7FFFFFFF  }
0xc3: {  	_ =	shalt  }
tec
execute0_lowered:
.L_overlay_start_1:
0x0: {  	(tag) =	ssettag $0x1  }
0x1: {  	s1 =	rddreg [dreg:$0x0]  }
0x2: {  	s4 =	rddreg [dreg:$0x1]  }
0x3: {  	s0 =	rddreg [dreg:$0x2];
	s3 =	simm.s32 $0x0  }
0x4: {  	s9 =	simm.s32 $0x200;
	[smem:$0x7FF] =	sst s3  }
0x5: {  	s10 =	simm.s32 $0x280;
	_ =	strace $0x80000047;
	[dreg:$0x7] =	wrdreg s9  }
0x6: {  	s11 =	simm.s32 $0x300;
	[dreg:$0x8] =	wrdreg s10  }
0x7: {  	s12 =	simm.s32 $0x380;
	[dreg:$0x9] =	wrdreg s11  }
0x8: {  	s13 =	simm.s32 $0x400;
	[dreg:$0xa] =	wrdreg s12  }
0x9: {  	s14 =	simm.s32 $0x480;
	[dreg:$0xb] =	wrdreg s13  }
0xa: {  	s15 =	simm.s32 $0x500;
	[dreg:$0xc] =	wrdreg s14  }
0xb: {  	s16 =	simm.s32 $0x580;
	[dreg:$0xd] =	wrdreg s15  }
0xc: {  	s17 =	simm.s32 $0x600;
	[dreg:$0xe] =	wrdreg s16  }
0xd: {  	s18 =	simm.s32 $0x680;
	[dreg:$0xf] =	wrdreg s17  }
0xe: {  	s19 =	simm.s32 $0x700;
	[dreg:$0x10] =	wrdreg s18  }
0xf: {  	s20 =	simm.s32 $0x780;
	[dreg:$0x11] =	wrdreg s19  }
0x10: {  	s21 =	simm.s32 $0x800;
	[dreg:$0x12] =	wrdreg s20  }
0x11: {  	s22 =	simm.s32 $0x880;
	[dreg:$0x13] =	wrdreg s21  }
0x12: {  	s5 =	srdreg.scid;
	s23 =	simm.s32 $0x900;
	[dreg:$0x14] =	wrdreg s22  }
0x13: {  	s2 =	stileid.u32;
	s25 =	simm.s32 $0x980;
	[dreg:$0x15] =	wrdreg s23  }
0x14: {  	s26 =	simm.s32 $0xA00;
	s28 =	simm.s32 $0xA80;
	[dreg:$0x16] =	wrdreg s25  }
0x15: {  	s29 =	simm.s32 $0xB00;
	s5 =	sand.u32 $0x1, s5;
	[dreg:$0x17] =	wrdreg s26  }
0x16: {  	s6 =	sshll.u32 s2, $0x7;
	s7 =	sshll.u32 s2, $0x3;
	[dreg:$0x18] =	wrdreg s28  }
0x17: {  	s8 =	sshll.u32 s5, $0x2;
	[dreg:$0x19] =	wrdreg s29;
	s9 =	simm.s32 $0xC00  }
0x18: {  	s6 =	sadd.s32 s6, s1;
	s10 =	simm.s32 $0xC80;
	[dreg:$0x1b] =	wrdreg s9  }
0x19: {  	s30 =	sshll.u32 s5, $0xB;
	s11 =	simm.s32 $0xD00;
	[dreg:$0x1c] =	wrdreg s10  }
0x1a: {  	s5 =	ssub.s32 $0x2, s5;
	s12 =	simm.s32 $0xD80;
	[dreg:$0x1d] =	wrdreg s11  }
0x1b: {  	s13 =	simm.s32 $0xE00;
	s14 =	simm.s32 $0xE80;
	[dreg:$0x1e] =	wrdreg s12  }
0x1c: {  	s16 =	simm.s32 $0xF00;
	s17 =	simm.s32 $0x1000;
	[dreg:$0x1f] =	wrdreg s13  }
0x1d: {  	s19 =	simm.s32 $0x1080;
	s18 =	simm.s32 $0x80;
	[smem:$0x7F9] =	sst s14  }
0x1e: {  	s7 =	sor.u32 s8, s7;
	s6 =	sadd.s32 s30, s6;
	[smem:$0x7FA] =	sst s16  }
0x1f: {  	s8 =	simm.s32 $0x180;
	s24 =	sshrl.u32 s5, $0x1;
	[smem:$0x7FC] =	sst s17  }
0x20: {  	s30 =	simm.s32 $0xB80;
	s9 =	sadd.s32 $0x50, s1;
	[smem:$0x7FD] =	sst s19  }
0x21: {  	s10 =	sadd.s32 $0x60, s1;
	s11 =	sadd.s32 $0x70, s1;
	[dreg:$0x6] =	wrdreg s8  }
0x22: {  	s16 =	simm.s32 $0x2;
	s4 =	sadd.s32 s4, s7;
	[dreg:$0x1a] =	wrdreg s30  }
0x23: {  	s17 =	simm.s32 $0x1;
	s31 =	sadd.s32 $0xC38000, s6;
	[dreg:$0x3] =	wrdreg s4  }
0x24: {  	s6 =	simm.s32 $0x100;
	s15 =	ssub.s32 s5, s24;
	[dreg:$0x4] =	wrdreg s31  }
0x25: {  	v0 =	vlaneseq.u32;
	s5 =	sadd.s32 $0x10, s1;
	s8 =	sadd.s32 $0x40, s1;
	[dreg:$0x5] =	wrdreg s6  }
0x26: {  	v0 =	vmul.u32 $0x80, v0;
	s4 =	smul.u32 $0xC3800, s7;
	s6 =	sadd.s32 $0x20, s1;
	s31 =	simm.s32 $0xF80  }
0x27: {  	s7 =	sadd.s32 $0x30, s1;
	s15 =	smax.u32 s15, $0x1;
	[smem:$0x7FB] =	sst s31  }
0x28: {  	v1 =	vimm.s32 $0xFFFFFF81;
	v2 =	vor.u32 $0x800, v0;
	s12 =	sadd.s32 $0xC3800, s4;
	s13 =	sadd.s32 $0x187000, s4;
	s14 =	sadd.s32 $0x24A800, s4  }
.LBB2_1:
0x29: {  	s19 =	rddreg [dreg:$0x3]  }
0x2a: {  	[tilespmem:s3], [sflag:$0x2] =	stream.linear.gather [hbm4b:s19+s3], $0x20, $0x38;
	[tilespmem:$0x1480] =	vst v63  }
0x2b: {  	_ =	swait.ge [sflag:s16], $0x20  }
0x2c: {  	[sflag:s16] =	ssyncset.done $0x0  }
0x2d: {  	[sflag:s16] =	ssyncadd.s32 $0xFFFFFFE0  }
0x2e: {  	v3 =	vld [tilespmem:$0x0];
	_ =	sdelay $0x4  }
0x2f: {  	(v2sf) =	vpush v3, $0x0;
	_ =	sdelay $0x6  }
0x30: {  	(v2sf) =	vpush v3, $0x1;
	_ =	sdelay $0x7  }
0x31: {  	s23 =	spop (v2sf)  }
0x32: {  	(v2sf) =	vpush v3, $0x2;
	s20 =	sand.u32 $0x7F, s23  }
0x33: {  	s24 =	sshra.s32 s23, $0x1F;
	p1 =	slt.s32 s23, $0x1;
	p0 =	sne.s32 s20, $0x0  }
0x34: {  	s20 =	sshrl.u32 s24, $0x19;
	p0 =	por !p1, !p0  }
0x35: {  	s19 =	sadd.s32 s20, s23;
	s20 =	simm.s32 $0x1;
	p0 =	por !p0, !p0  }
0x36: {  	s19 =	sshrl.u32 s19, $0x7;
	s20 =	simm.s32 @!p0 $0x0  }
0x37: {  	s19 =	ssub.s32 s19, s20  }
0x38: {  	s25 =	spop (v2sf);
	s19 =	sshll.u32 s19, $0xA  }
0x39: {  	s26 =	sand.u32 $0x7F, s25;
	s28 =	sshra.s32 s25, $0x1F;
	s19 =	sadd.s32 s4, s19  }
0x3a: {  	(v2sf) =	vpush v3, $0x3;
	p6 =	slt.s32 s25, $0x1;
	p5 =	sne.s32 s26, $0x0;
	s19 =	sshrl.u32 s19, $0x3  }
0x3b: {  	p0 =	por !p6, !p5;
	s20 =	sshrl.u32 s28, $0x19;
	s19 =	sadd.s32 s1, s19  }
0x3c: {  	[tilespmem:s18], [sflag:$0x1] =	stream.linear.gather [hbm4b:s19+s3], $0x80, $0x38;
	[tilespmem:$0x1480] =	vst v63  }
0x3d: {  	p0 =	por !p0, !p0;
	s19 =	sadd.s32 s20, s25;
	s20 =	simm.s32 $0x1  }
0x3e: {  	s19 =	sshrl.u32 s19, $0x7;
	s20 =	simm.s32 @!p0 $0x0  }
0x3f: {  	s19 =	ssub.s32 s19, s20  }
0x40: {  	s19 =	sshll.u32 s19, $0xA  }
0x41: {  	s29 =	rddreg [dreg:$0x5];
	s19 =	sadd.s32 s4, s19;
	s30 =	spop (v2sf)  }
0x42: {  	s19 =	sshrl.u32 s19, $0x3;
	s31 =	sand.u32 $0x7F, s30;
	s21 =	sshra.s32 s30, $0x1F  }
0x43: {  	(v2sf) =	vpush v3, $0x4;
	p2 =	slt.s32 s30, $0x1;
	s19 =	sadd.s32 s19, s5;
	p1 =	sne.s32 s31, $0x0  }
0x44: {  	[tilespmem:s29], [sflag:$0x1] =	stream.linear.gather [hbm4b:s19+s3], $0x80, $0x38;
	[tilespmem:$0x1480] =	vst v63  }
0x45: {  	s20 =	sshrl.u32 s21, $0x19;
	p0 =	por !p2, !p1  }
0x46: {  	s19 =	sadd.s32 s20, s30;
	s20 =	simm.s32 $0x1;
	p0 =	por !p0, !p0  }
0x47: {  	s19 =	sshrl.u32 s19, $0x7;
	s20 =	simm.s32 @!p0 $0x0  }
0x48: {  	s19 =	ssub.s32 s19, s20  }
0x49: {  	s22 =	rddreg [dreg:$0x6];
	s23 =	spop (v2sf);
	s19 =	sshll.u32 s19, $0xA  }
0x4a: {  	s24 =	sand.u32 $0x7F, s23;
	s25 =	sshra.s32 s23, $0x1F;
	s19 =	sadd.s32 s4, s19  }
0x4b: {  	(v2sf) =	vpush v3, $0x5;
	p4 =	slt.s32 s23, $0x1;
	p3 =	sne.s32 s24, $0x0;
	s19 =	sshrl.u32 s19, $0x3  }
0x4c: {  	p0 =	por !p4, !p3;
	s20 =	sshrl.u32 s25, $0x19;
	s19 =	sadd.s32 s19, s6  }
0x4d: {  	[tilespmem:s22], [sflag:$0x1] =	stream.linear.gather [hbm4b:s19+s3], $0x80, $0x38;
	[tilespmem:$0x1480] =	vst v63  }
0x4e: {  	p0 =	por !p0, !p0;
	s19 =	sadd.s32 s20, s23;
	s20 =	simm.s32 $0x1  }
0x4f: {  	s19 =	sshrl.u32 s19, $0x7;
	s20 =	simm.s32 @!p0 $0x0  }
0x50: {  	s19 =	ssub.s32 s19, s20  }
0x51: {  	s19 =	sshll.u32 s19, $0xA  }
0x52: {  	s26 =	rddreg [dreg:$0x7];
	s19 =	sadd.s32 s4, s19;
	s28 =	spop (v2sf)  }
0x53: {  	s19 =	sshrl.u32 s19, $0x3;
	s29 =	sand.u32 $0x7F, s28;
	s30 =	sshra.s32 s28, $0x1F  }
0x54: {  	(v2sf) =	vpush v3, $0x6;
	p6 =	slt.s32 s28, $0x1;
	s19 =	sadd.s32 s19, s7;
	p5 =	sne.s32 s29, $0x0  }
0x55: {  	[tilespmem:s26], [sflag:$0x1] =	stream.linear.gather [hbm4b:s19+s3], $0x80, $0x38;
	[tilespmem:$0x1480] =	vst v63  }
0x56: {  	s20 =	sshrl.u32 s30, $0x19;
	p0 =	por !p6, !p5  }
0x57: {  	s19 =	sadd.s32 s20, s28;
	s20 =	simm.s32 $0x1;
	p0 =	por !p0, !p0  }
0x58: {  	s19 =	sshrl.u32 s19, $0x7;
	s20 =	simm.s32 @!p0 $0x0  }
0x59: {  	s19 =	ssub.s32 s19, s20  }
0x5a: {  	s31 =	rddreg [dreg:$0x8];
	s21 =	spop (v2sf);
	s19 =	sshll.u32 s19, $0xA  }
0x5b: {  	s22 =	sand.u32 $0x7F, s21;
	s23 =	sshra.s32 s21, $0x1F;
	s19 =	sadd.s32 s4, s19  }
0x5c: {  	(v2sf) =	vpush v3, $0x7;
	p2 =	slt.s32 s21, $0x1;
	p1 =	sne.s32 s22, $0x0;
	s19 =	sshrl.u32 s19, $0x3  }
0x5d: {  	p0 =	por !p2, !p1;
	s20 =	sshrl.u32 s23, $0x19;
	s19 =	sadd.s32 s19, s8  }
0x5e: {  	[tilespmem:s31], [sflag:$0x1] =	stream.linear.gather [hbm4b:s19+s3], $0x80, $0x38;
	[tilespmem:$0x1480] =	vst v63  }
0x5f: {  	p0 =	por !p0, !p0;
	s19 =	sadd.s32 s20, s21;
	s20 =	simm.s32 $0x1  }
0x60: {  	s19 =	sshrl.u32 s19, $0x7;
	s20 =	simm.s32 @!p0 $0x0  }
0x61: {  	s19 =	ssub.s32 s19, s20  }
0x62: {  	s19 =	sshll.u32 s19, $0xA  }
0x63: {  	s24 =	rddreg [dreg:$0x9];
	s19 =	sadd.s32 s4, s19;
	s25 =	spop (v2sf)  }
0x64: {  	s19 =	sshrl.u32 s19, $0x3;
	s26 =	sand.u32 $0x7F, s25;
	s28 =	sshra.s32 s25, $0x1F  }
0x65: {  	(v2sf) =	vpush v3, $0x8;
	p4 =	slt.s32 s25, $0x1;
	s19 =	sadd.s32 s19, s9;
	p3 =	sne.s32 s26, $0x0  }
0x66: {  	[tilespmem:s24], [sflag:$0x1] =	stream.linear.gather [hbm4b:s19+s3], $0x80, $0x38;
	[tilespmem:$0x1480] =	vst v63  }
0x67: {  	s20 =	sshrl.u32 s28, $0x19;
	p0 =	por !p4, !p3  }
0x68: {  	s19 =	sadd.s32 s20, s25;
	s20 =	simm.s32 $0x1;
	p0 =	por !p0, !p0  }
0x69: {  	s19 =	sshrl.u32 s19, $0x7;
	s20 =	simm.s32 @!p0 $0x0  }
0x6a: {  	s19 =	ssub.s32 s19, s20  }
0x6b: {  	s29 =	rddreg [dreg:$0xa];
	s30 =	spop (v2sf);
	s19 =	sshll.u32 s19, $0xA  }
0x6c: {  	s31 =	sand.u32 $0x7F, s30;
	s21 =	sshra.s32 s30, $0x1F;
	s19 =	sadd.s32 s4, s19  }
0x6d: {  	(v2sf) =	vpush v3, $0x9;
	p6 =	slt.s32 s30, $0x1;
	p5 =	sne.s32 s31, $0x0;
	s19 =	sshrl.u32 s19, $0x3  }
0x6e: {  	p0 =	por !p6, !p5;
	s20 =	sshrl.u32 s21, $0x19;
	s19 =	sadd.s32 s19, s10  }
0x6f: {  	[tilespmem:s29], [sflag:$0x1] =	stream.linear.gather [hbm4b:s19+s3], $0x80, $0x38;
	[tilespmem:$0x1480] =	vst v63  }
0x70: {  	p0 =	por !p0, !p0;
	s19 =	sadd.s32 s20, s30;
	s20 =	simm.s32 $0x1  }
0x71: {  	s19 =	sshrl.u32 s19, $0x7;
	s20 =	simm.s32 @!p0 $0x0  }
0x72: {  	s19 =	ssub.s32 s19, s20  }
0x73: {  	s19 =	sshll.u32 s19, $0xA  }
0x74: {  	s22 =	rddreg [dreg:$0xb];
	s19 =	sadd.s32 s4, s19;
	s23 =	spop (v2sf)  }
0x75: {  	s19 =	sshrl.u32 s19, $0x3;
	s24 =	sand.u32 $0x7F, s23;
	s25 =	sshra.s32 s23, $0x1F  }
0x76: {  	(v2sf) =	vpush v3, $0xA;
	p2 =	slt.s32 s23, $0x1;
	s19 =	sadd.s32 s19, s11;
	p1 =	sne.s32 s24, $0x0  }
0x77: {  	[tilespmem:s22], [sflag:$0x1] =	stream.linear.gather [hbm4b:s19+s3], $0x80, $0x38;
	[tilespmem:$0x1480] =	vst v63  }
0x78: {  	s20 =	sshrl.u32 s25, $0x19;
	p0 =	por !p2, !p1  }
0x79: {  	s19 =	sadd.s32 s20, s23;
	s20 =	simm.s32 $0x1;
	p0 =	por !p0, !p0  }
0x7a: {  	s19 =	sshrl.u32 s19, $0x7;
	s20 =	simm.s32 @!p0 $0x0  }
0x7b: {  	s19 =	ssub.s32 s19, s20  }
0x7c: {  	s26 =	rddreg [dreg:$0xc];
	s28 =	spop (v2sf);
	s19 =	sshll.u32 s19, $0xA  }
0x7d: {  	s29 =	sand.u32 $0x7F, s28;
	s30 =	sshra.s32 s28, $0x1F;
	s19 =	sadd.s32 s12, s19  }
0x7e: {  	(v2sf) =	vpush v3, $0xB;
	p4 =	slt.s32 s28, $0x1;
	p3 =	sne.s32 s29, $0x0;
	s19 =	sshrl.u32 s19, $0x3  }
0x7f: {  	p0 =	por !p4, !p3;
	s20 =	sshrl.u32 s30, $0x19;
	s19 =	sadd.s32 s1, s19  }
0x80: {  	[tilespmem:s26], [sflag:$0x1] =	stream.linear.gather [hbm4b:s19+s3], $0x80, $0x38;
	[tilespmem:$0x1480] =	vst v63  }
0x81: {  	p0 =	por !p0, !p0;
	s19 =	sadd.s32 s20, s28;
	s20 =	simm.s32 $0x1  }
0x82: {  	s19 =	sshrl.u32 s19, $0x7;
	s20 =	simm.s32 @!p0 $0x0  }
0x83: {  	s19 =	ssub.s32 s19, s20  }
0x84: {  	s19 =	sshll.u32 s19, $0xA  }
0x85: {  	s31 =	rddreg [dreg:$0xd];
	s19 =	sadd.s32 s12, s19;
	s21 =	spop (v2sf)  }
0x86: {  	s19 =	sshrl.u32 s19, $0x3;
	s22 =	sand.u32 $0x7F, s21;
	s23 =	sshra.s32 s21, $0x1F  }
0x87: {  	(v2sf) =	vpush v3, $0xC;
	p6 =	slt.s32 s21, $0x1;
	s19 =	sadd.s32 s19, s5;
	p5 =	sne.s32 s22, $0x0  }
0x88: {  	[tilespmem:s31], [sflag:$0x1] =	stream.linear.gather [hbm4b:s19+s3], $0x80, $0x38;
	[tilespmem:$0x1480] =	vst v63  }
0x89: {  	s20 =	sshrl.u32 s23, $0x19;
	p0 =	por !p6, !p5  }
0x8a: {  	s19 =	sadd.s32 s20, s21;
	s20 =	simm.s32 $0x1;
	p0 =	por !p0, !p0  }
0x8b: {  	s19 =	sshrl.u32 s19, $0x7;
	s20 =	simm.s32 @!p0 $0x0  }
0x8c: {  	s19 =	ssub.s32 s19, s20  }
0x8d: {  	s24 =	rddreg [dreg:$0xe];
	s25 =	spop (v2sf);
	s19 =	sshll.u32 s19, $0xA  }
0x8e: {  	s26 =	sand.u32 $0x7F, s25;
	s28 =	sshra.s32 s25, $0x1F;
	s19 =	sadd.s32 s12, s19  }
0x8f: {  	(v2sf) =	vpush v3, $0xD;
	p2 =	slt.s32 s25, $0x1;
	p1 =	sne.s32 s26, $0x0;
	s19 =	sshrl.u32 s19, $0x3  }
0x90: {  	p0 =	por !p2, !p1;
	s20 =	sshrl.u32 s28, $0x19;
	s19 =	sadd.s32 s19, s6  }
0x91: {  	[tilespmem:s24], [sflag:$0x1] =	stream.linear.gather [hbm4b:s19+s3], $0x80, $0x38;
	[tilespmem:$0x1480] =	vst v63  }
0x92: {  	p0 =	por !p0, !p0;
	s19 =	sadd.s32 s20, s25;
	s20 =	simm.s32 $0x1  }
0x93: {  	s19 =	sshrl.u32 s19, $0x7;
	s20 =	simm.s32 @!p0 $0x0  }
0x94: {  	s19 =	ssub.s32 s19, s20  }
0x95: {  	s19 =	sshll.u32 s19, $0xA  }
0x96: {  	s29 =	rddreg [dreg:$0xf];
	s19 =	sadd.s32 s12, s19;
	s30 =	spop (v2sf)  }
0x97: {  	s19 =	sshrl.u32 s19, $0x3;
	s31 =	sand.u32 $0x7F, s30;
	s21 =	sshra.s32 s30, $0x1F  }
0x98: {  	(v2sf) =	vpush v3, $0xE;
	p4 =	slt.s32 s30, $0x1;
	s19 =	sadd.s32 s19, s7;
	p3 =	sne.s32 s31, $0x0  }
0x99: {  	[tilespmem:s29], [sflag:$0x1] =	stream.linear.gather [hbm4b:s19+s3], $0x80, $0x38;
	[tilespmem:$0x1480] =	vst v63  }
0x9a: {  	s20 =	sshrl.u32 s21, $0x19;
	p0 =	por !p4, !p3  }
0x9b: {  	s19 =	sadd.s32 s20, s30;
	s20 =	simm.s32 $0x1;
	p0 =	por !p0, !p0  }
0x9c: {  	s19 =	sshrl.u32 s19, $0x7;
	s20 =	simm.s32 @!p0 $0x0  }
0x9d: {  	s19 =	ssub.s32 s19, s20  }
0x9e: {  	s22 =	rddreg [dreg:$0x10];
	s23 =	spop (v2sf);
	s19 =	sshll.u32 s19, $0xA  }
0x9f: {  	s24 =	sand.u32 $0x7F, s23;
	s25 =	sshra.s32 s23, $0x1F;
	s19 =	sadd.s32 s12, s19  }
0xa0: {  	(v2sf) =	vpush v3, $0xF;
	p6 =	slt.s32 s23, $0x1;
	p5 =	sne.s32 s24, $0x0;
	s19 =	sshrl.u32 s19, $0x3  }
0xa1: {  	p0 =	por !p6, !p5;
	s20 =	sshrl.u32 s25, $0x19;
	s19 =	sadd.s32 s19, s8  }
0xa2: {  	[tilespmem:s22], [sflag:$0x1] =	stream.linear.gather [hbm4b:s19+s3], $0x80, $0x38;
	[tilespmem:$0x1480] =	vst v63  }
0xa3: {  	p0 =	por !p0, !p0;
	s19 =	sadd.s32 s20, s23;
	s20 =	simm.s32 $0x1  }
0xa4: {  	s19 =	sshrl.u32 s19, $0x7;
	s20 =	simm.s32 @!p0 $0x0  }
0xa5: {  	s19 =	ssub.s32 s19, s20  }
0xa6: {  	s19 =	sshll.u32 s19, $0xA  }
0xa7: {  	s26 =	rddreg [dreg:$0x11];
	s19 =	sadd.s32 s12, s19;
	s28 =	spop (v2sf)  }
0xa8: {  	s19 =	sshrl.u32 s19, $0x3;
	s29 =	sand.u32 $0x7F, s28;
	s30 =	sshra.s32 s28, $0x1F  }
0xa9: {  	p2 =	slt.s32 s28, $0x1;
	s19 =	sadd.s32 s19, s9;
	p1 =	sne.s32 s29, $0x0  }
0xaa: {  	[tilespmem:s26], [sflag:$0x1] =	stream.linear.gather [hbm4b:s19+s3], $0x80, $0x38;
	[tilespmem:$0x1480] =	vst v63  }
0xab: {  	s20 =	sshrl.u32 s30, $0x19;
	p0 =	por !p2, !p1  }
0xac: {  	s19 =	sadd.s32 s20, s28;
	s20 =	simm.s32 $0x1;
	p0 =	por !p0, !p0  }
0xad: {  	s19 =	sshrl.u32 s19, $0x7;
	s20 =	simm.s32 @!p0 $0x0  }
0xae: {  	s19 =	ssub.s32 s19, s20  }
0xaf: {  	s31 =	rddreg [dreg:$0x12];
	s21 =	spop (v2sf);
	s19 =	sshll.u32 s19, $0xA  }
0xb0: {  	s22 =	sand.u32 $0x7F, s21;
	s23 =	sshra.s32 s21, $0x1F;
	s19 =	sadd.s32 s12, s19  }
0xb1: {  	p4 =	slt.s32 s21, $0x1;
	p3 =	sne.s32 s22, $0x0;
	s19 =	sshrl.u32 s19, $0x3  }
0xb2: {  	p0 =	por !p4, !p3;
	s20 =	sshrl.u32 s23, $0x19;
	s19 =	sadd.s32 s19, s10  }
0xb3: {  	[tilespmem:s31], [sflag:$0x1] =	stream.linear.gather [hbm4b:s19+s3], $0x80, $0x38;
	[tilespmem:$0x1480] =	vst v63  }
0xb4: {  	p0 =	por !p0, !p0;
	s19 =	sadd.s32 s20, s21;
	s20 =	simm.s32 $0x1  }
0xb5: {  	s19 =	sshrl.u32 s19, $0x7;
	s20 =	simm.s32 @!p0 $0x0  }
0xb6: {  	s19 =	ssub.s32 s19, s20  }
0xb7: {  	s19 =	sshll.u32 s19, $0xA  }
0xb8: {  	s19 =	sadd.s32 s12, s19  }
0xb9: {  	s19 =	sshrl.u32 s19, $0x3  }
0xba: {  	s24 =	rddreg [dreg:$0x13];
	s19 =	sadd.s32 s19, s11  }
0xbb: {  	[tilespmem:s24], [sflag:$0x1] =	stream.linear.gather [hbm4b:s19+s3], $0x80, $0x38;
	[tilespmem:$0x1480] =	vst v63  }
0xbc: {  	_ =	swait.ge [sflag:s17], $0x80  }
0xbd: {  	[sflag:s17] =	ssyncset.done $0x0  }
0xbe: {  	[sflag:s17] =	ssyncadd.s32 $0xFFFFFF80  }
0xbf: {  	_ =	swait.ge [sflag:s17], $0x80  }
0xc0: {  	[sflag:s17] =	ssyncset.done $0x0  }
0xc1: {  	[sflag:s17] =	ssyncadd.s32 $0xFFFFFF80  }
0xc2: {  	_ =	swait.ge [sflag:s17], $0x80  }
0xc3: {  	[sflag:s17] =	ssyncset.done $0x0  }
0xc4: {  	[sflag:s17] =	ssyncadd.s32 $0xFFFFFF80  }
0xc5: {  	_ =	swait.ge [sflag:s17], $0x80  }
0xc6: {  	[sflag:s17] =	ssyncset.done $0x0  }
0xc7: {  	[sflag:s17] =	ssyncadd.s32 $0xFFFFFF80  }
0xc8: {  	_ =	swait.ge [sflag:s17], $0x80  }
0xc9: {  	[sflag:s17] =	ssyncset.done $0x0  }
0xca: {  	[sflag:s17] =	ssyncadd.s32 $0xFFFFFF80  }
0xcb: {  	_ =	swait.ge [sflag:s17], $0x80  }
0xcc: {  	[sflag:s17] =	ssyncset.done $0x0  }
0xcd: {  	[sflag:s17] =	ssyncadd.s32 $0xFFFFFF80  }
0xce: {  	_ =	swait.ge [sflag:s17], $0x80  }
0xcf: {  	[sflag:s17] =	ssyncset.done $0x0  }
0xd0: {  	[sflag:s17] =	ssyncadd.s32 $0xFFFFFF80  }
0xd1: {  	_ =	swait.ge [sflag:s17], $0x80  }
0xd2: {  	[sflag:s17] =	ssyncset.done $0x0  }
0xd3: {  	[sflag:s17] =	ssyncadd.s32 $0xFFFFFF80  }
0xd4: {  	_ =	swait.ge [sflag:s17], $0x80  }
0xd5: {  	[sflag:s17] =	ssyncset.done $0x0  }
0xd6: {  	[sflag:s17] =	ssyncadd.s32 $0xFFFFFF80  }
0xd7: {  	_ =	swait.ge [sflag:s17], $0x80  }
0xd8: {  	[sflag:s17] =	ssyncset.done $0x0  }
0xd9: {  	[sflag:s17] =	ssyncadd.s32 $0xFFFFFF80  }
0xda: {  	_ =	swait.ge [sflag:s17], $0x80  }
0xdb: {  	[sflag:s17] =	ssyncset.done $0x0  }
0xdc: {  	[sflag:s17] =	ssyncadd.s32 $0xFFFFFF80  }
0xdd: {  	_ =	swait.ge [sflag:s17], $0x80  }
0xde: {  	[sflag:s17] =	ssyncset.done $0x0  }
0xdf: {  	[sflag:s17] =	ssyncadd.s32 $0xFFFFFF80  }
0xe0: {  	_ =	swait.ge [sflag:s17], $0x80  }
0xe1: {  	[sflag:s17] =	ssyncset.done $0x0  }
0xe2: {  	[sflag:s17] =	ssyncadd.s32 $0xFFFFFF80  }
0xe3: {  	_ =	swait.ge [sflag:s17], $0x80  }
0xe4: {  	[sflag:s17] =	ssyncset.done $0x0  }
0xe5: {  	[sflag:s17] =	ssyncadd.s32 $0xFFFFFF80  }
0xe6: {  	_ =	swait.ge [sflag:s17], $0x80  }
0xe7: {  	[sflag:s17] =	ssyncset.done $0x0  }
0xe8: {  	[sflag:s17] =	ssyncadd.s32 $0xFFFFFF80  }
0xe9: {  	_ =	swait.ge [sflag:s17], $0x80  }
0xea: {  	[sflag:s17] =	ssyncset.done $0x0  }
0xeb: {  	[sflag:s17] =	ssyncadd.s32 $0xFFFFFF80  }
0xec: {  	v3 =	vld [tilespmem:$0x10];
	_ =	sdelay $0x4  }
0xed: {  	(v2sf) =	vpush v3, $0x0;
	_ =	sdelay $0x6  }
0xee: {  	(v2sf) =	vpush v3, $0x1;
	_ =	sdelay $0x7  }
0xef: {  	s25 =	spop (v2sf)  }
0xf0: {  	(v2sf) =	vpush v3, $0x2;
	s26 =	sand.u32 $0x7F, s25  }
0xf1: {  	s28 =	sshra.s32 s25, $0x1F;
	p6 =	slt.s32 s25, $0x1;
	p5 =	sne.s32 s26, $0x0  }
0xf2: {  	s20 =	sshrl.u32 s28, $0x19;
	p0 =	por !p6, !p5  }
0xf3: {  	s19 =	sadd.s32 s20, s25;
	s20 =	simm.s32 $0x1;
	p0 =	por !p0, !p0  }
0xf4: {  	s19 =	sshrl.u32 s19, $0x7;
	s20 =	simm.s32 @!p0 $0x0  }
0xf5: {  	s19 =	ssub.s32 s19, s20  }
0xf6: {  	s29 =	rddreg [dreg:$0x14];
	s30 =	spop (v2sf);
	s19 =	sshll.u32 s19, $0xA  }
0xf7: {  	s31 =	sand.u32 $0x7F, s30;
	s21 =	sshra.s32 s30, $0x1F;
	s19 =	sadd.s32 s13, s19  }
0xf8: {  	(v2sf) =	vpush v3, $0x3;
	p2 =	slt.s32 s30, $0x1;
	p1 =	sne.s32 s31, $0x0;
	s19 =	sshrl.u32 s19, $0x3  }
0xf9: {  	p0 =	por !p2, !p1;
	s20 =	sshrl.u32 s21, $0x19;
	s19 =	sadd.s32 s1, s19  }
0xfa: {  	[tilespmem:s29], [sflag:$0x1] =	stream.linear.gather [hbm4b:s19+s3], $0x80, $0x38;
	[tilespmem:$0x1480] =	vst v63  }
0xfb: {  	p0 =	por !p0, !p0;
	s19 =	sadd.s32 s20, s30;
	s20 =	simm.s32 $0x1  }
0xfc: {  	s19 =	sshrl.u32 s19, $0x7;
	s20 =	simm.s32 @!p0 $0x0  }
0xfd: {  	s19 =	ssub.s32 s19, s20  }
0xfe: {  	s19 =	sshll.u32 s19, $0xA  }
0xff: {  	s22 =	rddreg [dreg:$0x15];
	s19 =	sadd.s32 s13, s19;
	s23 =	spop (v2sf)  }
0x100: {  	s19 =	sshrl.u32 s19, $0x3;
	s24 =	sand.u32 $0x7F, s23;
	s25 =	sshra.s32 s23, $0x1F  }
0x101: {  	(v2sf) =	vpush v3, $0x4;
	p4 =	slt.s32 s23, $0x1;
	s19 =	sadd.s32 s19, s5;
	p3 =	sne.s32 s24, $0x0  }
0x102: {  	[tilespmem:s22], [sflag:$0x1] =	stream.linear.gather [hbm4b:s19+s3], $0x80, $0x38;
	[tilespmem:$0x1480] =	vst v63  }
0x103: {  	s20 =	sshrl.u32 s25, $0x19;
	p0 =	por !p4, !p3  }
0x104: {  	s19 =	sadd.s32 s20, s23;
	s20 =	simm.s32 $0x1;
	p0 =	por !p0, !p0  }
0x105: {  	s19 =	sshrl.u32 s19, $0x7;
	s20 =	simm.s32 @!p0 $0x0  }
0x106: {  	s19 =	ssub.s32 s19, s20  }
0x107: {  	s26 =	rddreg [dreg:$0x16];
	s28 =	spop (v2sf);
	s19 =	sshll.u32 s19, $0xA  }
0x108: {  	s29 =	sand.u32 $0x7F, s28;
	s30 =	sshra.s32 s28, $0x1F;
	s19 =	sadd.s32 s13, s19  }
0x109: {  	(v2sf) =	vpush v3, $0x5;
	p6 =	slt.s32 s28, $0x1;
	p5 =	sne.s32 s29, $0x0;
	s19 =	sshrl.u32 s19, $0x3  }
0x10a: {  	p0 =	por !p6, !p5;
	s20 =	sshrl.u32 s30, $0x19;
	s19 =	sadd.s32 s19, s6  }
0x10b: {  	[tilespmem:s26], [sflag:$0x1] =	stream.linear.gather [hbm4b:s19+s3], $0x80, $0x38;
	[tilespmem:$0x1480] =	vst v63  }
0x10c: {  	p0 =	por !p0, !p0;
	s19 =	sadd.s32 s20, s28;
	s20 =	simm.s32 $0x1  }
0x10d: {  	s19 =	sshrl.u32 s19, $0x7;
	s20 =	simm.s32 @!p0 $0x0  }
0x10e: {  	s19 =	ssub.s32 s19, s20  }
0x10f: {  	s19 =	sshll.u32 s19, $0xA  }
0x110: {  	s31 =	rddreg [dreg:$0x17];
	s19 =	sadd.s32 s13, s19;
	s21 =	spop (v2sf)  }
0x111: {  	s19 =	sshrl.u32 s19, $0x3;
	s22 =	sand.u32 $0x7F, s21;
	s23 =	sshra.s32 s21, $0x1F  }
0x112: {  	(v2sf) =	vpush v3, $0x6;
	p2 =	slt.s32 s21, $0x1;
	s19 =	sadd.s32 s19, s7;
	p1 =	sne.s32 s22, $0x0  }
0x113: {  	[tilespmem:s31], [sflag:$0x1] =	stream.linear.gather [hbm4b:s19+s3], $0x80, $0x38;
	[tilespmem:$0x1480] =	vst v63  }
0x114: {  	s20 =	sshrl.u32 s23, $0x19;
	p0 =	por !p2, !p1  }
0x115: {  	s19 =	sadd.s32 s20, s21;
	s20 =	simm.s32 $0x1;
	p0 =	por !p0, !p0  }
0x116: {  	s19 =	sshrl.u32 s19, $0x7;
	s20 =	simm.s32 @!p0 $0x0  }
0x117: {  	s19 =	ssub.s32 s19, s20  }
0x118: {  	s24 =	rddreg [dreg:$0x18];
	s25 =	spop (v2sf);
	s19 =	sshll.u32 s19, $0xA  }
0x119: {  	s26 =	sand.u32 $0x7F, s25;
	s28 =	sshra.s32 s25, $0x1F;
	s19 =	sadd.s32 s13, s19  }
0x11a: {  	(v2sf) =	vpush v3, $0x7;
	p4 =	slt.s32 s25, $0x1;
	p3 =	sne.s32 s26, $0x0;
	s19 =	sshrl.u32 s19, $0x3  }
0x11b: {  	p0 =	por !p4, !p3;
	s20 =	sshrl.u32 s28, $0x19;
	s19 =	sadd.s32 s19, s8  }
0x11c: {  	[tilespmem:s24], [sflag:$0x1] =	stream.linear.gather [hbm4b:s19+s3], $0x80, $0x38;
	[tilespmem:$0x1480] =	vst v63  }
0x11d: {  	p0 =	por !p0, !p0;
	s19 =	sadd.s32 s20, s25;
	s20 =	simm.s32 $0x1  }
0x11e: {  	s19 =	sshrl.u32 s19, $0x7;
	s20 =	simm.s32 @!p0 $0x0  }
0x11f: {  	s19 =	ssub.s32 s19, s20  }
0x120: {  	s19 =	sshll.u32 s19, $0xA  }
0x121: {  	s29 =	rddreg [dreg:$0x19];
	s19 =	sadd.s32 s13, s19;
	s30 =	spop (v2sf)  }
0x122: {  	s19 =	sshrl.u32 s19, $0x3;
	s31 =	sand.u32 $0x7F, s30;
	s21 =	sshra.s32 s30, $0x1F  }
0x123: {  	(v2sf) =	vpush v3, $0x8;
	p6 =	slt.s32 s30, $0x1;
	s19 =	sadd.s32 s19, s9;
	p5 =	sne.s32 s31, $0x0  }
0x124: {  	[tilespmem:s29], [sflag:$0x1] =	stream.linear.gather [hbm4b:s19+s3], $0x80, $0x38;
	[tilespmem:$0x1480] =	vst v63  }
0x125: {  	s20 =	sshrl.u32 s21, $0x19;
	p0 =	por !p6, !p5  }
0x126: {  	s19 =	sadd.s32 s20, s30;
	s20 =	simm.s32 $0x1;
	p0 =	por !p0, !p0  }
0x127: {  	s19 =	sshrl.u32 s19, $0x7;
	s20 =	simm.s32 @!p0 $0x0  }
0x128: {  	s19 =	ssub.s32 s19, s20  }
0x129: {  	s22 =	rddreg [dreg:$0x1a];
	s23 =	spop (v2sf);
	s19 =	sshll.u32 s19, $0xA  }
0x12a: {  	s24 =	sand.u32 $0x7F, s23;
	s25 =	sshra.s32 s23, $0x1F;
	s19 =	sadd.s32 s13, s19  }
0x12b: {  	(v2sf) =	vpush v3, $0x9;
	p2 =	slt.s32 s23, $0x1;
	p1 =	sne.s32 s24, $0x0;
	s19 =	sshrl.u32 s19, $0x3  }
0x12c: {  	p0 =	por !p2, !p1;
	s20 =	sshrl.u32 s25, $0x19;
	s19 =	sadd.s32 s19, s10  }
0x12d: {  	[tilespmem:s22], [sflag:$0x1] =	stream.linear.gather [hbm4b:s19+s3], $0x80, $0x38;
	[tilespmem:$0x1480] =	vst v63  }
0x12e: {  	p0 =	por !p0, !p0;
	s19 =	sadd.s32 s20, s23;
	s20 =	simm.s32 $0x1  }
0x12f: {  	s19 =	sshrl.u32 s19, $0x7;
	s20 =	simm.s32 @!p0 $0x0  }
0x130: {  	s19 =	ssub.s32 s19, s20  }
0x131: {  	s19 =	sshll.u32 s19, $0xA  }
0x132: {  	s26 =	rddreg [dreg:$0x1b];
	s19 =	sadd.s32 s13, s19;
	s28 =	spop (v2sf)  }
0x133: {  	s19 =	sshrl.u32 s19, $0x3;
	s29 =	sand.u32 $0x7F, s28;
	s30 =	sshra.s32 s28, $0x1F  }
0x134: {  	(v2sf) =	vpush v3, $0xA;
	p4 =	slt.s32 s28, $0x1;
	s19 =	sadd.s32 s19, s11;
	p3 =	sne.s32 s29, $0x0  }
0x135: {  	[tilespmem:s26], [sflag:$0x1] =	stream.linear.gather [hbm4b:s19+s3], $0x80, $0x38;
	[tilespmem:$0x1480] =	vst v63  }
0x136: {  	s20 =	sshrl.u32 s30, $0x19;
	p0 =	por !p4, !p3  }
0x137: {  	s19 =	sadd.s32 s20, s28;
	s20 =	simm.s32 $0x1;
	p0 =	por !p0, !p0  }
0x138: {  	s19 =	sshrl.u32 s19, $0x7;
	s20 =	simm.s32 @!p0 $0x0  }
0x139: {  	s19 =	ssub.s32 s19, s20  }
0x13a: {  	s31 =	rddreg [dreg:$0x1c];
	s21 =	spop (v2sf);
	s19 =	sshll.u32 s19, $0xA  }
0x13b: {  	s22 =	sand.u32 $0x7F, s21;
	s23 =	sshra.s32 s21, $0x1F;
	s19 =	sadd.s32 s14, s19  }
0x13c: {  	(v2sf) =	vpush v3, $0xB;
	p6 =	slt.s32 s21, $0x1;
	p5 =	sne.s32 s22, $0x0;
	s19 =	sshrl.u32 s19, $0x3  }
0x13d: {  	p0 =	por !p6, !p5;
	s20 =	sshrl.u32 s23, $0x19;
	s19 =	sadd.s32 s1, s19  }
0x13e: {  	[tilespmem:s31], [sflag:$0x1] =	stream.linear.gather [hbm4b:s19+s3], $0x80, $0x38;
	[tilespmem:$0x1480] =	vst v63  }
0x13f: {  	p0 =	por !p0, !p0;
	s19 =	sadd.s32 s20, s21;
	s20 =	simm.s32 $0x1  }
0x140: {  	s19 =	sshrl.u32 s19, $0x7;
	s20 =	simm.s32 @!p0 $0x0  }
0x141: {  	s19 =	ssub.s32 s19, s20  }
0x142: {  	s19 =	sshll.u32 s19, $0xA  }
0x143: {  	s24 =	rddreg [dreg:$0x1d];
	s19 =	sadd.s32 s14, s19;
	s25 =	spop (v2sf)  }
0x144: {  	s19 =	sshrl.u32 s19, $0x3;
	s26 =	sand.u32 $0x7F, s25;
	s28 =	sshra.s32 s25, $0x1F  }
0x145: {  	(v2sf) =	vpush v3, $0xC;
	p2 =	slt.s32 s25, $0x1;
	s19 =	sadd.s32 s19, s5;
	p1 =	sne.s32 s26, $0x0  }
0x146: {  	[tilespmem:s24], [sflag:$0x1] =	stream.linear.gather [hbm4b:s19+s3], $0x80, $0x38;
	[tilespmem:$0x1480] =	vst v63  }
0x147: {  	s20 =	sshrl.u32 s28, $0x19;
	p0 =	por !p2, !p1  }
0x148: {  	s19 =	sadd.s32 s20, s25;
	s20 =	simm.s32 $0x1;
	p0 =	por !p0, !p0  }
0x149: {  	s19 =	sshrl.u32 s19, $0x7;
	s20 =	simm.s32 @!p0 $0x0  }
0x14a: {  	s19 =	ssub.s32 s19, s20  }
0x14b: {  	s29 =	rddreg [dreg:$0x1e];
	s30 =	spop (v2sf);
	s19 =	sshll.u32 s19, $0xA  }
0x14c: {  	s31 =	sand.u32 $0x7F, s30;
	s21 =	sshra.s32 s30, $0x1F;
	s19 =	sadd.s32 s14, s19  }
0x14d: {  	(v2sf) =	vpush v3, $0xD;
	p4 =	slt.s32 s30, $0x1;
	p3 =	sne.s32 s31, $0x0;
	s19 =	sshrl.u32 s19, $0x3  }
0x14e: {  	p0 =	por !p4, !p3;
	s20 =	sshrl.u32 s21, $0x19;
	s19 =	sadd.s32 s19, s6  }
0x14f: {  	[tilespmem:s29], [sflag:$0x1] =	stream.linear.gather [hbm4b:s19+s3], $0x80, $0x38;
	[tilespmem:$0x1480] =	vst v63  }
0x150: {  	p0 =	por !p0, !p0;
	s19 =	sadd.s32 s20, s30;
	s20 =	simm.s32 $0x1  }
0x151: {  	s19 =	sshrl.u32 s19, $0x7;
	s20 =	simm.s32 @!p0 $0x0  }
0x152: {  	s19 =	ssub.s32 s19, s20  }
0x153: {  	s19 =	sshll.u32 s19, $0xA  }
0x154: {  	s22 =	rddreg [dreg:$0x1f];
	s19 =	sadd.s32 s14, s19;
	s23 =	spop (v2sf)  }
0x155: {  	s19 =	sshrl.u32 s19, $0x3;
	s24 =	sand.u32 $0x7F, s23;
	s25 =	sshra.s32 s23, $0x1F  }
0x156: {  	(v2sf) =	vpush v3, $0xE;
	p6 =	slt.s32 s23, $0x1;
	s19 =	sadd.s32 s19, s7;
	p5 =	sne.s32 s24, $0x0  }
0x157: {  	[tilespmem:s22], [sflag:$0x1] =	stream.linear.gather [hbm4b:s19+s3], $0x80, $0x38;
	[tilespmem:$0x1480] =	vst v63  }
0x158: {  	s20 =	sshrl.u32 s25, $0x19;
	p0 =	por !p6, !p5  }
0x159: {  	s19 =	sadd.s32 s20, s23;
	s20 =	simm.s32 $0x1;
	p0 =	por !p0, !p0  }
0x15a: {  	s19 =	sshrl.u32 s19, $0x7;
	s20 =	simm.s32 @!p0 $0x0  }
0x15b: {  	s19 =	ssub.s32 s19, s20  }
0x15c: {  	s26 =	sld [smem:$0x7F9];
	s28 =	spop (v2sf);
	s19 =	sshll.u32 s19, $0xA  }
0x15d: {  	s29 =	sand.u32 $0x7F, s28;
	s30 =	sshra.s32 s28, $0x1F;
	s19 =	sadd.s32 s14, s19  }
0x15e: {  	(v2sf) =	vpush v3, $0xF;
	p2 =	slt.s32 s28, $0x1;
	p1 =	sne.s32 s29, $0x0;
	s19 =	sshrl.u32 s19, $0x3  }
0x15f: {  	p0 =	por !p2, !p1;
	s20 =	sshrl.u32 s30, $0x19;
	s19 =	sadd.s32 s19, s8  }
0x160: {  	[tilespmem:s26], [sflag:$0x1] =	stream.linear.gather [hbm4b:s19+s3], $0x80, $0x38;
	[tilespmem:$0x1480] =	vst v63  }
0x161: {  	p0 =	por !p0, !p0;
	s19 =	sadd.s32 s20, s28;
	s20 =	simm.s32 $0x1  }
0x162: {  	s19 =	sshrl.u32 s19, $0x7;
	s20 =	simm.s32 @!p0 $0x0  }
0x163: {  	s19 =	ssub.s32 s19, s20  }
0x164: {  	s19 =	sshll.u32 s19, $0xA  }
0x165: {  	s31 =	sld [smem:$0x7FA];
	s19 =	sadd.s32 s14, s19;
	s21 =	spop (v2sf)  }
0x166: {  	s19 =	sshrl.u32 s19, $0x3;
	s22 =	sand.u32 $0x7F, s21;
	s23 =	sshra.s32 s21, $0x1F  }
0x167: {  	p4 =	slt.s32 s21, $0x1;
	s19 =	sadd.s32 s19, s9;
	p3 =	sne.s32 s22, $0x0  }
0x168: {  	[tilespmem:s31], [sflag:$0x1] =	stream.linear.gather [hbm4b:s19+s3], $0x80, $0x38;
	[tilespmem:$0x1480] =	vst v63  }
0x169: {  	s20 =	sshrl.u32 s23, $0x19;
	p0 =	por !p4, !p3  }
0x16a: {  	s19 =	sadd.s32 s20, s21;
	s20 =	simm.s32 $0x1;
	p0 =	por !p0, !p0  }
0x16b: {  	s19 =	sshrl.u32 s19, $0x7;
	s20 =	simm.s32 @!p0 $0x0  }
0x16c: {  	s19 =	ssub.s32 s19, s20  }
0x16d: {  	s24 =	sld [smem:$0x7FB];
	s25 =	spop (v2sf);
	s19 =	sshll.u32 s19, $0xA  }
0x16e: {  	s26 =	sand.u32 $0x7F, s25;
	s28 =	sshra.s32 s25, $0x1F;
	s19 =	sadd.s32 s14, s19  }
0x16f: {  	p6 =	slt.s32 s25, $0x1;
	p5 =	sne.s32 s26, $0x0;
	s19 =	sshrl.u32 s19, $0x3  }
0x170: {  	p0 =	por !p6, !p5;
	s20 =	sshrl.u32 s28, $0x19;
	s19 =	sadd.s32 s19, s10  }
0x171: {  	[tilespmem:s24], [sflag:$0x1] =	stream.linear.gather [hbm4b:s19+s3], $0x80, $0x38;
	[tilespmem:$0x1480] =	vst v63  }
0x172: {  	p0 =	por !p0, !p0;
	s19 =	sadd.s32 s20, s25;
	s20 =	simm.s32 $0x1  }
0x173: {  	s19 =	sshrl.u32 s19, $0x7;
	s20 =	simm.s32 @!p0 $0x0  }
0x174: {  	s19 =	ssub.s32 s19, s20  }
0x175: {  	s19 =	sshll.u32 s19, $0xA  }
0x176: {  	s29 =	sld [smem:$0x7FC];
	s19 =	sadd.s32 s14, s19  }
0x177: {  	s19 =	sshrl.u32 s19, $0x3  }
0x178: {  	s19 =	sadd.s32 s19, s11  }
0x179: {  	[tilespmem:s29], [sflag:$0x1] =	stream.linear.gather [hbm4b:s19+s3], $0x80, $0x38;
	[tilespmem:$0x1480] =	vst v63  }
0x17a: {  	_ =	swait.ge [sflag:s17], $0x80  }
0x17b: {  	[sflag:s17] =	ssyncset.done $0x0  }
0x17c: {  	[sflag:s17] =	ssyncadd.s32 $0xFFFFFF80  }
0x17d: {  	_ =	swait.ge [sflag:s17], $0x80  }
0x17e: {  	[sflag:s17] =	ssyncset.done $0x0  }
0x17f: {  	[sflag:s17] =	ssyncadd.s32 $0xFFFFFF80  }
0x180: {  	_ =	swait.ge [sflag:s17], $0x80  }
0x181: {  	[sflag:s17] =	ssyncset.done $0x0  }
0x182: {  	[sflag:s17] =	ssyncadd.s32 $0xFFFFFF80  }
0x183: {  	_ =	swait.ge [sflag:s17], $0x80  }
0x184: {  	[sflag:s17] =	ssyncset.done $0x0  }
0x185: {  	[sflag:s17] =	ssyncadd.s32 $0xFFFFFF80  }
0x186: {  	_ =	swait.ge [sflag:s17], $0x80  }
0x187: {  	[sflag:s17] =	ssyncset.done $0x0  }
0x188: {  	[sflag:s17] =	ssyncadd.s32 $0xFFFFFF80  }
0x189: {  	_ =	swait.ge [sflag:s17], $0x80  }
0x18a: {  	[sflag:s17] =	ssyncset.done $0x0  }
0x18b: {  	[sflag:s17] =	ssyncadd.s32 $0xFFFFFF80  }
0x18c: {  	_ =	swait.ge [sflag:s17], $0x80  }
0x18d: {  	[sflag:s17] =	ssyncset.done $0x0  }
0x18e: {  	[sflag:s17] =	ssyncadd.s32 $0xFFFFFF80  }
0x18f: {  	_ =	swait.ge [sflag:s17], $0x80  }
0x190: {  	[sflag:s17] =	ssyncset.done $0x0  }
0x191: {  	[sflag:s17] =	ssyncadd.s32 $0xFFFFFF80  }
0x192: {  	_ =	swait.ge [sflag:s17], $0x80  }
0x193: {  	[sflag:s17] =	ssyncset.done $0x0  }
0x194: {  	[sflag:s17] =	ssyncadd.s32 $0xFFFFFF80  }
0x195: {  	_ =	swait.ge [sflag:s17], $0x80  }
0x196: {  	[sflag:s17] =	ssyncset.done $0x0  }
0x197: {  	[sflag:s17] =	ssyncadd.s32 $0xFFFFFF80  }
0x198: {  	_ =	swait.ge [sflag:s17], $0x80  }
0x199: {  	[sflag:s17] =	ssyncset.done $0x0  }
0x19a: {  	[sflag:s17] =	ssyncadd.s32 $0xFFFFFF80  }
0x19b: {  	_ =	swait.ge [sflag:s17], $0x80  }
0x19c: {  	[sflag:s17] =	ssyncset.done $0x0  }
0x19d: {  	[sflag:s17] =	ssyncadd.s32 $0xFFFFFF80  }
0x19e: {  	_ =	swait.ge [sflag:s17], $0x80  }
0x19f: {  	[sflag:s17] =	ssyncset.done $0x0  }
0x1a0: {  	[sflag:s17] =	ssyncadd.s32 $0xFFFFFF80  }
0x1a1: {  	_ =	swait.ge [sflag:s17], $0x80  }
0x1a2: {  	[sflag:s17] =	ssyncset.done $0x0  }
0x1a3: {  	[sflag:s17] =	ssyncadd.s32 $0xFFFFFF80  }
0x1a4: {  	_ =	swait.ge [sflag:s17], $0x80  }
0x1a5: {  	[sflag:s17] =	ssyncset.done $0x0  }
0x1a6: {  	[sflag:s17] =	ssyncadd.s32 $0xFFFFFF80  }
0x1a7: {  	_ =	swait.ge [sflag:s17], $0x80  }
0x1a8: {  	[sflag:s17] =	ssyncset.done $0x0  }
0x1a9: {  	[sflag:s17] =	ssyncadd.s32 $0xFFFFFF80  }
0x1aa: {  	v3 =	vld [tilespmem:$0x0]  }
0x1ab: {  	v4 =	vld [tilespmem:$0x10];
	_ =	sdelay $0x3  }
0x1ac: {  	v3 =	vand.u32 $0x7F, v3  }
0x1ad: {  	v4 =	vand.u32 $0x7F, v4;
	v3 =	vor.u32 v0, v3  }
0x1ae: {  	v4 =	vor.u32 v2, v4;
	_ =	sdelay $0x3  }
0x1af: {  	v3 =	vld.idx.msk [tilespmem:v3+s18+$0x0], $0xffff  }
0x1b0: {  	v4 =	vld.idx.msk [tilespmem:v4+s18+$0x0], $0xffff;
	_ =	sdelay $0x3  }
0x1b1: {  	v5 =	vand.u32 $0x7FFFFF, v3  }
0x1b2: {  	v6 =	vand.u32 $0x7FFFFF, v4;
	v5 =	vor.u32 $0x3F800000, v5  }
0x1b3: {  	v6 =	vor.u32 $0x3F800000, v6;
	v7 =	vmul.f32 $5.000000000e-01, v5  }
0x1b4: {  	vm0 =	vge.f32 v5, $1.414213540e+00;
	v8 =	vmul.f32 $5.000000000e-01, v6  }
0x1b5: {  	vm1 =	vge.f32 v6, $1.414213540e+00;
	v5 =	vsel vm0, v7, v5  }
0x1b6: {  	v6 =	vsel vm1, v8, v6;
	v7 =	vadd.f32 $1.000000000e+00, v5  }
0x1b7: {  	v8 =	vadd.f32 $1.000000000e+00, v6  }
0x1b8: {  	(erf) = vrcp.f32 v7  }
0x1b9: {  	(erf) = vrcp.f32 v8;
	_ =	sdelay $0x7  }
0x1ba: {  	v5 =	vadd.f32 $-1.000000000e+00, v5;
	v6 =	vadd.f32 $-1.000000000e+00, v6;
	v7 =	vpop (erf)  }
0x1bb: {  	v60 =	vpop (erf)  }
0x1bc: {  	v5 =	vmul.f32 v7, v5;
	v6 =	vmul.f32 v60, v6;
	_ =	sdelay $0x1  }
0x1bd: {  	v61 =	vmul.f32 v5, v5;
	v62 =	vmul.f32 v6, v6;
	_ =	sdelay $0x1  }
0x1be: {  	v9 =	vmul.f32 $2.222222240e-01, v61;
	v10 =	vmul.f32 $2.222222240e-01, v62;
	_ =	sdelay $0x1  }
0x1bf: {  	v9 =	vadd.f32 $2.857142980e-01, v9;
	v10 =	vadd.f32 $2.857142980e-01, v10;
	_ =	sdelay $0x1  }
0x1c0: {  	v9 =	vmul.f32 v9, v61;
	v10 =	vmul.f32 v10, v62;
	_ =	sdelay $0x1  }
0x1c1: {  	v9 =	vadd.f32 $4.000000060e-01, v9;
	v10 =	vadd.f32 $4.000000060e-01, v10;
	_ =	sdelay $0x1  }
0x1c2: {  	v9 =	vmul.f32 v9, v61;
	v10 =	vmul.f32 v10, v62  }
0x1c3: {  	v3 =	vshra.s32 v3, $0x17  }
0x1c4: {  	v11 =	vsel vm0, $0xFFFFFF82, v1;
	v9 =	vadd.f32 $6.666666860e-01, v9;
	v10 =	vadd.f32 $6.666666860e-01, v10  }
0x1c5: {  	v4 =	vshra.s32 v4, $0x17;
	v63 =	vsel vm1, $0xFFFFFF82, v1;
	v3 =	vadd.s32 v3, v11  }
0x1c6: {  	v4 =	vadd.s32 v4, v63;
	v7 =	vmul.f32 v9, v61;
	v8 =	vmul.f32 v10, v62  }
0x1c7: {  	v3 =	vcvt.s32.f32 v3;
	v4 =	vcvt.s32.f32 v4  }
0x1c8: {  	v7 =	vadd.f32 $2.000000000e+00, v7;
	v8 =	vadd.f32 $2.000000000e+00, v8  }
0x1c9: {  	v3 =	vmul.f32 $6.931471820e-01, v3;
	v4 =	vmul.f32 $6.931471820e-01, v4  }
0x1ca: {  	v5 =	vmul.f32 v7, v5;
	v6 =	vmul.f32 v8, v6;
	_ =	sdelay $0x1  }
0x1cb: {  	v3 =	vadd.f32 v5, v3;
	v4 =	vadd.f32 v6, v4;
	_ =	sdelay $0x1  }
0x1cc: {  	v3 =	vsub.f32 $0.0e+00, v3;
	v4 =	vsub.f32 $0.0e+00, v4;
	_ =	sdelay $0x1  }
0x1cd: {  	s31 =	sld [smem:$0x7FD];
	v3 =	vadd.f32 v4, v3  }
0x1ce: {  	p0 =	sne.s32 s15, $0x1  }
.Ltmp0:
0x1cf: {  	s30 =	rddreg [dreg:$0x4];
	[tilespmem:$0x1080] =	vst v3;
	(pc) =	sbr.rel @p0 .LBB2_1-.Ltmp0, $4  }
0x1d0: {  	[hbm4b:s30+s3] =	stream.linear.scatter [tilespmem:s31], [sflag:$0x2], $0x400, $0x38;
	[tilespmem:$0x1480] =	vst v63  }
0x1d1: {  	_ =	swait.ge [sflag:s16], $0x400  }
0x1d2: {  	[sflag:s16] =	ssyncset.done $0x0  }
0x1d3: {  	s15 =	sadd.s32 $0xFFFFFFFF, s15;
	[sflag:s16] =	ssyncadd.s32 $0xFFFFFC00  }
0x1d4: {  	_ =	sfence.sel $0x180000  }
0x1d5: {  	[bflag:$0x0] =	sbarrier.arrive $0xFFFF  }
0x1d6: {  	p0 =	sne.s32 s2, $0x0;
	_ =	strace $0x90000047  }
0x1d7: {  	s0 =	sadd.s32 @!p0 $0x100000, s0;
	[bflag:$0x2] =	sbarrier.arrive $0xFFFF  }
0x1d8: {  	[sflag:s0] =	ssyncadd.tile.s32 @!p0 $0x1;
	_ =	shalt  }
.Lfunc_end2:
_tile_overlayer_lowered:
.L_overlay_start_2:
0x1d9: {  	(tag) =	ssettag $0x2  }
0x1da: {  	s0 =	rddreg [dreg:$0x0];
	s2 =	stileid.u32  }
0x1db: {  	s1 =	rddreg [dreg:$0x1];
	p0 =	sne.s32 s2, $0x0  }
0x1dc: {  	s3 =	rddreg [dreg:$0x2];
	[bflag:$0x3] =	sbarrier.arrive $0xFFFF;
	s2 =	simm.s32 @!p0 $0x1C02  }
0x1dd: {  	[timem:s3], [sflag:s2] =	dma.local @!p0 [hbm:s0], s1  }
0x1de: {  	s0 =	simm.s32 @!p0 $0x2  }
0x1df: {  	_ =	swait.ge @!p0 [sflag:s0], s1  }
0x1e0: {  	s1 =	ssub.s32 @!p0 $0x0, s1;
	[sflag:s0] =	ssyncset.done @!p0 $0x0  }
0x1e1: {  	[sflag:s0] =	ssyncadd.s32 @!p0 s1  }
0x1e2: {  	[bflag:$0x3] =	sbarrier.arrive $0xFFFF  }
0x1e3: {  	_ =	shalt  }

</sc_bundles>
